<compile_context>
chip_gen: v7x
topology: tpu7x:2x2x1
jax: 0.10.2.dev20260603
libtpu: 0.0.44.dev20260713+nightly
codegen_flags: <defaults>
</compile_context>

<pallas_src>
import functools

import jax
import jax.numpy as jnp
from jax import lax
from jax.experimental import pallas as pl
from jax.experimental.pallas import tpu as pltpu
from jax.experimental.pallas import tpu_sc as plsc

E = 64
K = 2
AUX_COEF = 0.01
B = 128
NW = 32


def _nrows(n_tokens):
    return K * n_tokens + 7 * E + B


def _router_body(x_ref, wr_ref, pos_ref, w_ref, meta_ref, aux_ref):
    n = x_ref.shape[0]
    x = x_ref[...]
    wr = wr_ref[...]
    logits = lax.dot_general(x, wr, (((1,), (1,)), ((), ())),
                             preferred_element_type=jnp.float32)
    m = jnp.max(logits, axis=1, keepdims=True)
    ex = jnp.exp(logits - m)
    p = ex / jnp.sum(ex, axis=1, keepdims=True)

    iota = lax.broadcasted_iota(jnp.int32, (n, E), 1)
    m1 = jnp.max(p, axis=1, keepdims=True)
    a1 = jnp.min(jnp.where(p == m1, iota, E), axis=1, keepdims=True)
    oh1 = iota == a1
    pm = jnp.where(oh1, -1.0, p)
    m2 = jnp.max(pm, axis=1, keepdims=True)
    a2 = jnp.min(jnp.where(pm == m2, iota, E), axis=1, keepdims=True)
    oh2 = iota == a2
    wsum = m1 + m2
    w1 = m1 / wsum
    w2 = m2 / wsum

    oh = oh1.astype(jnp.float32) + oh2.astype(jnp.float32)

    ri = lax.broadcasted_iota(jnp.int32, (B, B), 0)
    rj = lax.broadcasted_iota(jnp.int32, (B, B), 1)
    tri = (rj < ri).astype(jnp.float32)
    carry = jnp.zeros((1, E), jnp.float32)
    chunks = []
    for k in range(n // B):
        c = oh[k * B:(k + 1) * B]
        chunks.append(lax.dot_general(tri, c, (((1,), (0,)), ((), ())),
                                      preferred_element_type=jnp.float32)
                      + carry)
        carry = carry + jnp.sum(c, axis=0, keepdims=True)
    exclcum = jnp.concatenate(chunks, axis=0)
    counts = carry

    cpad = jnp.floor((counts + 7.0) * 0.125) * 8.0
    incl = cpad
    for sh in (1, 2, 4, 8, 16, 32):
        incl = incl + jnp.concatenate(
            [jnp.zeros((1, sh), jnp.float32), incl[:, :-sh]], axis=1)
    offs = incl - cpad

    off1 = jnp.sum(jnp.where(oh1, offs, 0.0), axis=1, keepdims=True)
    off2 = jnp.sum(jnp.where(oh2, offs, 0.0), axis=1, keepdims=True)
    r1 = jnp.sum(jnp.where(oh1, exclcum, 0.0), axis=1, keepdims=True)
    r2 = jnp.sum(jnp.where(oh2, exclcum, 0.0), axis=1, keepdims=True)

    pos_ref[...] = jnp.concatenate([off1 + r1, off2 + r2],
                                   axis=1).astype(jnp.int32)
    w_ref[...] = jnp.concatenate([w1, w2], axis=1)
    meta_ref[...] = jnp.concatenate([counts, offs], axis=0).astype(jnp.int32)

    tpe = counts / (n * K)
    rppe = jnp.sum(p, axis=0, keepdims=True) / n
    aux_ref[...] = (E * AUX_COEF) * jnp.sum(tpe * rppe).reshape(1, 1)


def _router(x_flat, wr):
    n = x_flat.shape[0]
    return pl.pallas_call(
        _router_body,
        out_shape=[
            jax.ShapeDtypeStruct((n, K), jnp.int32),
            jax.ShapeDtypeStruct((n, K), jnp.float32),
            jax.ShapeDtypeStruct((2, E), jnp.int32),
            jax.ShapeDtypeStruct((1, 1), jnp.float32),
        ],
    )(x_flat, wr)


def _dispatch(x_flat, pos2, w2):
    n, h = x_flat.shape
    nr = _nrows(n)
    tpb = n // NW
    mesh = plsc.VectorSubcoreMesh(core_axis_name="c", subcore_axis_name="s")

    @functools.partial(
        pl.kernel,
        out_type=jax.ShapeDtypeStruct((nr, h + 128), jnp.float32),
        mesh=mesh,
        scratch_types=[
            pltpu.VMEM((tpb, h + 128), jnp.float32),
            pltpu.VMEM((tpb, h + 128), jnp.float32),
            pltpu.VMEM((tpb,), jnp.int32),
            pltpu.VMEM((tpb,), jnp.int32),
            pltpu.SemaphoreType.DMA,
            pltpu.SemaphoreType.DMA,
        ],
    )
    def _dispatch_kernel(x_hbm, pos_hbm, w_hbm, sxw_hbm,
                         xr0, xr1, idx0, idx1, sem0, sem1):
        wid = lax.axis_index("s") * 2 + lax.axis_index("c")
        base = wid * tpb
        c0 = pltpu.async_copy(x_hbm.at[pl.ds(base, tpb)],
                              xr0.at[pl.ds(0, tpb), pl.ds(0, h)], sem0)
        c1 = pltpu.async_copy(x_hbm.at[pl.ds(base, tpb)],
                              xr1.at[pl.ds(0, tpb), pl.ds(0, h)], sem1)
        pltpu.sync_copy(pos_hbm.at[0, pl.ds(base, tpb)], idx0)
        pltpu.sync_copy(pos_hbm.at[1, pl.ds(base, tpb)], idx1)
        pltpu.sync_copy(w_hbm.at[0, pl.ds(base, tpb)],
                        xr0.at[pl.ds(0, tpb), pl.ds(h, 128)])
        pltpu.sync_copy(w_hbm.at[1, pl.ds(base, tpb)],
                        xr1.at[pl.ds(0, tpb), pl.ds(h, 128)])
        c0.wait()
        c1.wait()
        s0 = pltpu.async_copy(xr0, sxw_hbm.at[idx0], sem0)
        s1 = pltpu.async_copy(xr1, sxw_hbm.at[idx1], sem1)
        s0.wait()
        s1.wait()

    return _dispatch_kernel(x_flat, pos2, w2)


def _experts_body(meta_ref, sx_ref, wg0_ref, wg1_ref, wu0_ref, wu1_ref,
                  wd0_ref, wd1_ref, out_ref):
    e = pl.program_id(0)
    cnt = meta_ref[0, e]
    off = meta_ref[1, e]
    h = wg0_ref.shape[2]

    def mm(a, b):
        return lax.dot_general(a, b, (((1,), (1,)), ((), ())),
                               preferred_element_type=jnp.float32)

    def chunk(j, carry):
        start = pl.multiple_of(off + j * B, 8)
        xs = sx_ref[pl.ds(start, B), :h]
        g0 = mm(xs, wg0_ref[0])
        g1 = mm(xs, wg1_ref[0])
        u0 = mm(xs, wu0_ref[0])
        u1 = mm(xs, wu1_ref[0])
        act0 = g0 / (1.0 + jnp.exp(-g0)) * u0
        act1 = g1 / (1.0 + jnp.exp(-g1)) * u1
        eo = mm(act0, wd0_ref[0]) + mm(act1, wd1_ref[0])
        wcol = sx_ref[pl.ds(start, B), h:h + 128]
        out_ref[pl.ds(start, B), :] = eo * wcol[:, 0:1]
        return carry

    lax.fori_loop(0, (cnt + B - 1) // B, chunk, 0)


def _experts(sorted_xw, meta, wg, wu, wd):
    nr, hw = sorted_xw.shape
    h = hw - 128
    ff = wg.shape[1]
    fh = ff // 2
    wg2 = wg.reshape(E * 2, fh, h)
    wu2 = wu.reshape(E * 2, fh, h)
    return pl.pallas_call(
        _experts_body,
        grid=(E,),
        in_specs=[
            pl.BlockSpec(memory_space=pltpu.SMEM),
            pl.BlockSpec((nr, hw), lambda e: (0, 0)),
            pl.BlockSpec((1, fh, h), lambda e: (2 * e, 0, 0)),
            pl.BlockSpec((1, fh, h), lambda e: (2 * e + 1, 0, 0)),
            pl.BlockSpec((1, fh, h), lambda e: (2 * e, 0, 0)),
            pl.BlockSpec((1, fh, h), lambda e: (2 * e + 1, 0, 0)),
            pl.BlockSpec((1, h, fh), lambda e: (e, 0, 0)),
            pl.BlockSpec((1, h, fh), lambda e: (e, 0, 1)),
        ],
        out_specs=pl.BlockSpec((nr, h), lambda e: (0, 0)),
        out_shape=jax.ShapeDtypeStruct((nr, h), jnp.float32),
        compiler_params=pltpu.CompilerParams(
            vmem_limit_bytes=64 * 1024 * 1024),
    )(meta, sorted_xw, wg2, wg2, wu2, wu2, wd, wd)


def _combine(sorted_out, pos2, n):
    nr, h = sorted_out.shape
    tpb = n // NW
    mesh = plsc.VectorSubcoreMesh(core_axis_name="c", subcore_axis_name="s")

    @functools.partial(
        pl.kernel,
        out_type=jax.ShapeDtypeStruct((n, h), jnp.float32),
        mesh=mesh,
        scratch_types=[
            pltpu.VMEM((tpb, h), jnp.float32),
            pltpu.VMEM((tpb, h), jnp.float32),
            pltpu.VMEM((tpb,), jnp.int32),
            pltpu.VMEM((tpb,), jnp.int32),
            pltpu.SemaphoreType.DMA,
            pltpu.SemaphoreType.DMA,
        ],
    )
    def _combine_kernel(so_hbm, pos_hbm, out_hbm,
                        buf0, buf1, idx0, idx1, sem0, sem1):
        wid = lax.axis_index("s") * 2 + lax.axis_index("c")
        base = wid * tpb
        pltpu.sync_copy(pos_hbm.at[0, pl.ds(base, tpb)], idx0)
        pltpu.sync_copy(pos_hbm.at[1, pl.ds(base, tpb)], idx1)
        a = pltpu.async_copy(so_hbm.at[idx0], buf0, sem0)
        b = pltpu.async_copy(so_hbm.at[idx1], buf1, sem1)
        a.wait()
        b.wait()

        @pl.loop(0, tpb)
        def _(i):
            for k in range(h // 16):
                slc = (pl.ds(i, 1), pl.ds(k * 16, 16))
                buf0[slc] = buf0[slc] + buf1[slc]

        pltpu.sync_copy(buf0, out_hbm.at[pl.ds(base, tpb)])

    return _combine_kernel(sorted_out, pos2)


def kernel(x, Wr, Wg, Wu, Wd):
    bsz, seq, hidden = x.shape
    x_flat = x.reshape(-1, hidden)
    n = x_flat.shape[0]

    pos, w, meta, aux = _router(x_flat, Wr)
    pos2 = pos.T
    w2 = jnp.broadcast_to(w.T.reshape(K, n, 1), (K, n, 128))
    sorted_xw = _dispatch(x_flat, pos2, w2)
    sorted_out = _experts(sorted_xw, meta, Wg, Wu, Wd)
    out = _combine(sorted_out, pos2, n)
    return out.reshape(bsz, seq, hidden), aux[0, 0]

# --- scband reference (transcript-rebuilt; emitter-appended) ---
"""Pipeline reference for scband-mo-elayer-72559177498897 (READ-ONLY COPY).

The authoritative reference and input builder live on the scoring server;
editing this copy changes nothing except your own understanding.
"""

import jax, jax.numpy as jnp
import numpy as np

E = 64
TOP_K = 2
HIDDEN = 768
FF = 1536
AUX_COEF = 0.01


def setup_inputs(seed: int = 0) -> dict:
    key = jax.random.key(seed)
    k0, k1, k2, k3, k4 = jax.random.split(key, 5)
    x = jax.random.normal(k0, (1, 2048, HIDDEN), dtype=jnp.float32)
    Wr = jax.random.normal(k1, (E, HIDDEN), dtype=jnp.float32) * 0.02
    Wg = jax.random.normal(k2, (E, FF, HIDDEN), dtype=jnp.float32) * 0.02
    Wu = jax.random.normal(k3, (E, FF, HIDDEN), dtype=jnp.float32) * 0.02
    Wd = jax.random.normal(k4, (E, HIDDEN, FF), dtype=jnp.float32) * 0.02
    return {"x": x, "Wr": Wr, "Wg": Wg, "Wu": Wu, "Wd": Wd}


def reference(x, Wr, Wg, Wu, Wd):
    bsz, seq_len, hidden = x.shape
    x_flat = x.reshape(-1, hidden)
    num_tokens = x_flat.shape[0]
    # router
    router_logits = x_flat @ Wr.T
    router_probs = jax.nn.softmax(router_logits.astype(jnp.float32), axis=-1)
    topk_probs, topk_indices = jax.lax.top_k(router_probs, TOP_K)
    topk_probs = topk_probs / jnp.sum(topk_probs, axis=-1, keepdims=True)
    # dense combine-weight matrix C[token, expert] (zero where expert not selected)
    C = jnp.zeros((num_tokens, E), dtype=jnp.float32)
    C = C.at[jnp.arange(num_tokens)[:, None], topk_indices].add(topk_probs)
    # accumulate expert outputs (mathematically identical to masked dispatch)
    def body(acc, ws):
        wg, wu, wd, c = ws
        h = jax.nn.silu(x_flat @ wg.T) * (x_flat @ wu.T)
        eo = h @ wd.T
        return acc + eo * c[:, None], None
    out_flat, _ = jax.lax.scan(body, jnp.zeros_like(x_flat), (Wg, Wu, Wd, C.T))
    # aux load-balancing loss
    tpe = jnp.zeros((E,), dtype=jnp.float32).at[topk_indices.reshape(-1)].add(1.0)
    tpe = tpe / (num_tokens * TOP_K)
    rppe = jnp.mean(router_probs, axis=0)
    aux_loss = E * jnp.sum(tpe * rppe) * AUX_COEF
    return out_flat.reshape(bsz, seq_len, hidden), aux_loss

if __name__ == "__main__":
    import jax
    _d = setup_inputs()
    print(jax.jit(kernel)(*tuple(_d.values())))

</pallas_src>

<mosaic_0001>
#map = affine_map<(d0, d1) -> (0, 0)>
module attributes {stable_mosaic.version = 14 : i64} {
  func.func @_combine_kernel(%arg0: i32, %arg1: i32, %arg2: memref<4672x768xf32, #tpu.memory_space<hbm>>, %arg3: memref<2x2048xi32, #tpu.memory_space<hbm>>, %arg4: memref<2048x768xf32, #tpu.memory_space<hbm>>, %arg5: memref<64x768xf32, #tpu.memory_space<vmem>>, %arg6: memref<64x768xf32, #tpu.memory_space<vmem>>, %arg7: memref<64xi32, #tpu.memory_space<vmem>>, %arg8: memref<64xi32, #tpu.memory_space<vmem>>, %arg9: memref<!tpu.dma_semaphore, #tpu.memory_space<semaphore_mem>>, %arg10: memref<!tpu.dma_semaphore, #tpu.memory_space<semaphore_mem>>) attributes {dimension_semantics = [#tpu.dimension_semantics<core_parallel>, #tpu.dimension_semantics<subcore_parallel>], iteration_bounds = array<i64: 2, 16>, scalar_prefetch = 0 : i64, scratch_operands = 6 : i64, tpu.core_type = #tpu.core_type<sc_vector_subcore>, window_params = [{transform_indices = #map}, {transform_indices = #map}, {transform_indices = #map}]} {
    %mul3A = arith.constant 2 : i32
    %mul3A_0 = arith.muli %arg1, %mul3A : i32
    %add3A = arith.addi %mul3A_0, %arg0 : i32
    %mul3A_1 = arith.constant 64 : i32
    %mul3A_2 = arith.muli %add3A, %mul3A_1 : i32
    %run_scoped3A = arith.constant 0 : i32
    "tpu.region"() ({
      %run_scoped3A_18 = tpu.sem_alloc : memref<!tpu.dma_semaphore, #tpu.memory_space<semaphore_mem>>
      %dma_start3A_19 = tpu.memref_slice %arg3[%run_scoped3A, %mul3A_2] : memref<2x2048xi32, #tpu.memory_space<hbm>> -> memref<1x64xi32, #tpu.memory_space<hbm>>
      %dma_start3A_20 = tpu.memref_squeeze %dma_start3A_19 : memref<1x64xi32, #tpu.memory_space<hbm>> -> memref<64xi32, #tpu.memory_space<hbm>>
      %dma_start3A_21 = tpu.memref_slice %arg3[%run_scoped3A, %mul3A_2] : memref<2x2048xi32, #tpu.memory_space<hbm>> -> memref<1x64xi32, #tpu.memory_space<hbm>>
      %dma_start3A_22 = tpu.memref_squeeze %dma_start3A_21 : memref<1x64xi32, #tpu.memory_space<hbm>> -> memref<64xi32, #tpu.memory_space<hbm>>
      tpu.enqueue_dma source(%dma_start3A_22 : memref<64xi32, #tpu.memory_space<hbm>>) target(%arg7 : memref<64xi32, #tpu.memory_space<vmem>>) target_semaphore(%run_scoped3A_18 : memref<!tpu.dma_semaphore, #tpu.memory_space<semaphore_mem>>)
      %dma_wait3A_23 = tpu.memref_slice %arg3[%run_scoped3A, %mul3A_2] : memref<2x2048xi32, #tpu.memory_space<hbm>> -> memref<1x64xi32, #tpu.memory_space<hbm>>
      %dma_wait3A_24 = tpu.memref_squeeze %dma_wait3A_23 : memref<1x64xi32, #tpu.memory_space<hbm>> -> memref<64xi32, #tpu.memory_space<hbm>>
      %dma_wait3A_25 = tpu.memref_slice %arg3[%run_scoped3A, %mul3A_2] : memref<2x2048xi32, #tpu.memory_space<hbm>> -> memref<1x64xi32, #tpu.memory_space<hbm>>
      %dma_wait3A_26 = tpu.memref_squeeze %dma_wait3A_25 : memref<1x64xi32, #tpu.memory_space<hbm>> -> memref<64xi32, #tpu.memory_space<hbm>>
      tpu.wait_dma2 semaphore(%run_scoped3A_18 : memref<!tpu.dma_semaphore, #tpu.memory_space<semaphore_mem>>) src(%dma_wait3A_26 : memref<64xi32, #tpu.memory_space<hbm>>) dst(%arg7 : memref<64xi32, #tpu.memory_space<vmem>>)
      tpu.yield
    }) : () -> ()
    %run_scoped3A_3 = arith.constant 1 : i32
    "tpu.region"() ({
      %run_scoped3A_18 = tpu.sem_alloc : memref<!tpu.dma_semaphore, #tpu.memory_space<semaphore_mem>>
      %dma_start3A_19 = tpu.memref_slice %arg3[%run_scoped3A_3, %mul3A_2] : memref<2x2048xi32, #tpu.memory_space<hbm>> -> memref<1x64xi32, #tpu.memory_space<hbm>>
      %dma_start3A_20 = tpu.memref_squeeze %dma_start3A_19 : memref<1x64xi32, #tpu.memory_space<hbm>> -> memref<64xi32, #tpu.memory_space<hbm>>
      %dma_start3A_21 = tpu.memref_slice %arg3[%run_scoped3A_3, %mul3A_2] : memref<2x2048xi32, #tpu.memory_space<hbm>> -> memref<1x64xi32, #tpu.memory_space<hbm>>
      %dma_start3A_22 = tpu.memref_squeeze %dma_start3A_21 : memref<1x64xi32, #tpu.memory_space<hbm>> -> memref<64xi32, #tpu.memory_space<hbm>>
      tpu.enqueue_dma source(%dma_start3A_22 : memref<64xi32, #tpu.memory_space<hbm>>) target(%arg8 : memref<64xi32, #tpu.memory_space<vmem>>) target_semaphore(%run_scoped3A_18 : memref<!tpu.dma_semaphore, #tpu.memory_space<semaphore_mem>>)
      %dma_wait3A_23 = tpu.memref_slice %arg3[%run_scoped3A_3, %mul3A_2] : memref<2x2048xi32, #tpu.memory_space<hbm>> -> memref<1x64xi32, #tpu.memory_space<hbm>>
      %dma_wait3A_24 = tpu.memref_squeeze %dma_wait3A_23 : memref<1x64xi32, #tpu.memory_space<hbm>> -> memref<64xi32, #tpu.memory_space<hbm>>
      %dma_wait3A_25 = tpu.memref_slice %arg3[%run_scoped3A_3, %mul3A_2] : memref<2x2048xi32, #tpu.memory_space<hbm>> -> memref<1x64xi32, #tpu.memory_space<hbm>>
      %dma_wait3A_26 = tpu.memref_squeeze %dma_wait3A_25 : memref<1x64xi32, #tpu.memory_space<hbm>> -> memref<64xi32, #tpu.memory_space<hbm>>
      tpu.wait_dma2 semaphore(%run_scoped3A_18 : memref<!tpu.dma_semaphore, #tpu.memory_space<semaphore_mem>>) src(%dma_wait3A_26 : memref<64xi32, #tpu.memory_space<hbm>>) dst(%arg8 : memref<64xi32, #tpu.memory_space<vmem>>)
      tpu.yield
    }) : () -> ()
    %dma_start3A = arith.constant 0 : i32
    %dma_start3A_4 = arith.constant 0 : i32
    %dma_start3A_5 = tpu.memref_slice %arg2[%dma_start3A, %dma_start3A_4] : memref<4672x768xf32, #tpu.memory_space<hbm>> -> memref<4672x768xf32, #tpu.memory_space<hbm>>
    tpu.enqueue_indirect_dma source(%dma_start3A_5 : memref<4672x768xf32, #tpu.memory_space<hbm>>) target(%arg5 : memref<64x768xf32, #tpu.memory_space<vmem>>) offsets(%arg7 : memref<64xi32, #tpu.memory_space<vmem>>) semaphore(%arg9 : memref<!tpu.dma_semaphore, #tpu.memory_space<semaphore_mem>>)
    %dma_start3A_6 = arith.constant 0 : i32
    %dma_start3A_7 = arith.constant 0 : i32
    %dma_start3A_8 = tpu.memref_slice %arg2[%dma_start3A_6, %dma_start3A_7] : memref<4672x768xf32, #tpu.memory_space<hbm>> -> memref<4672x768xf32, #tpu.memory_space<hbm>>
    tpu.enqueue_indirect_dma source(%dma_start3A_8 : memref<4672x768xf32, #tpu.memory_space<hbm>>) target(%arg6 : memref<64x768xf32, #tpu.memory_space<vmem>>) offsets(%arg8 : memref<64xi32, #tpu.memory_space<vmem>>) semaphore(%arg10 : memref<!tpu.dma_semaphore, #tpu.memory_space<semaphore_mem>>)
    %dma_wait3A = arith.constant 0 : i32
    %dma_wait3A_9 = arith.constant 0 : i32
    %dma_wait3A_10 = tpu.memref_slice %arg2[%dma_wait3A, %dma_wait3A_9] : memref<4672x768xf32, #tpu.memory_space<hbm>> -> memref<4672x768xf32, #tpu.memory_space<hbm>>
    tpu.wait_indirect_dma semaphore(%arg9 : memref<!tpu.dma_semaphore, #tpu.memory_space<semaphore_mem>>) src(%dma_wait3A_10 : memref<4672x768xf32, #tpu.memory_space<hbm>>) dst(%arg5 : memref<64x768xf32, #tpu.memory_space<vmem>>)
    %dma_wait3A_11 = arith.constant 0 : i32
    %dma_wait3A_12 = arith.constant 0 : i32
    %dma_wait3A_13 = tpu.memref_slice %arg2[%dma_wait3A_11, %dma_wait3A_12] : memref<4672x768xf32, #tpu.memory_space<hbm>> -> memref<4672x768xf32, #tpu.memory_space<hbm>>
    tpu.wait_indirect_dma semaphore(%arg10 : memref<!tpu.dma_semaphore, #tpu.memory_space<semaphore_mem>>) src(%dma_wait3A_13 : memref<4672x768xf32, #tpu.memory_space<hbm>>) dst(%arg6 : memref<64x768xf32, #tpu.memory_space<vmem>>)
    %scan3A = arith.constant 0 : i32
    %scan3A_14 = arith.constant 64 : i32
    %scan3A_15 = arith.addi %scan3A, %scan3A_14 : i32
    %scan3A_16 = arith.constant 1 : i32
    scf.for %scan3A_18 = %scan3A to %scan3A_15 step %scan3A_16  : i32 {
      %mul3A_19 = arith.constant 1 : i32
      %mul3A_20 = arith.muli %scan3A_18, %mul3A_19 : i32
      %add3A_21 = arith.constant 0 : i32
      %add3A_22 = arith.addi %add3A_21, %mul3A_20 : i32
      %get3A = arith.index_cast %add3A_22 : i32 to index
      %get3A_23 = arith.constant 0 : index
      %get3A_24 = tpu.vector_load %arg5[%get3A, %get3A_23] {strides = array<i32>} : memref<64x768xf32, #tpu.memory_space<vmem>>, vector<1x16xf32>,
      %get3A_25 = vector.shape_cast %get3A_24 : vector<1x16xf32> to vector<1x16xf32>
      %get3A_26 = arith.index_cast %add3A_22 : i32 to index
      %get3A_27 = arith.constant 0 : index
      %get3A_28 = tpu.vector_load %arg6[%get3A_26, %get3A_27] {strides = array<i32>} : memref<64x768xf32, #tpu.memory_space<vmem>>, vector<1x16xf32>,
      %get3A_29 = vector.shape_cast %get3A_28 : vector<1x16xf32> to vector<1x16xf32>
      %add3A_30 = arith.addf %get3A_25, %get3A_29 : vector<1x16xf32>
      %swap3A = arith.index_cast %add3A_22 : i32 to index
      %swap3A_31 = arith.constant 0 : index
      %swap3A_32 = tpu.vector_load %arg5[%swap3A, %swap3A_31] {strides = array<i32>} : memref<64x768xf32, #tpu.memory_space<vmem>>, vector<1x16xf32>,
      %swap3A_33 = vector.shape_cast %swap3A_32 : vector<1x16xf32> to vector<1x16xf32>
      %swap3A_34 = vector.shape_cast %add3A_30 : vector<1x16xf32> to vector<1x16xf32>
      tpu.vector_store %arg5[%swap3A, %swap3A_31], %swap3A_34 {strides = array<i32>} : memref<64x768xf32, #tpu.memory_space<vmem>>, vector<1x16xf32>,
      %get3A_35 = arith.index_cast %add3A_22 : i32 to index
      %get3A_36 = arith.constant 16 : index
      %get3A_37 = tpu.vector_load %arg5[%get3A_35, %get3A_36] {strides = array<i32>} : memref<64x768xf32, #tpu.memory_space<vmem>>, vector<1x16xf32>,
      %get3A_38 = vector.shape_cast %get3A_37 : vector<1x16xf32> to vector<1x16xf32>
      %get3A_39 = arith.index_cast %add3A_22 : i32 to index
      %get3A_40 = arith.constant 16 : index
      %get3A_41 = tpu.vector_load %arg6[%get3A_39, %get3A_40] {strides = array<i32>} : memref<64x768xf32, #tpu.memory_space<vmem>>, vector<1x16xf32>,
      %get3A_42 = vector.shape_cast %get3A_41 : vector<1x16xf32> to vector<1x16xf32>
      %add3A_43 = arith.addf %get3A_38, %get3A_42 : vector<1x16xf32>
      %swap3A_44 = arith.index_cast %add3A_22 : i32 to index
      %swap3A_45 = arith.constant 16 : index
      %swap3A_46 = tpu.vector_load %arg5[%swap3A_44, %swap3A_45] {strides = array<i32>} : memref<64x768xf32, #tpu.memory_space<vmem>>, vector<1x16xf32>,
      %swap3A_47 = vector.shape_cast %swap3A_46 : vector<1x16xf32> to vector<1x16xf32>
      %swap3A_48 = vector.shape_cast %add3A_43 : vector<1x16xf32> to vector<1x16xf32>
      tpu.vector_store %arg5[%swap3A_44, %swap3A_45], %swap3A_48 {strides = array<i32>} : memref<64x768xf32, #tpu.memory_space<vmem>>, vector<1x16xf32>,
      %get3A_49 = arith.index_cast %add3A_22 : i32 to index
      %get3A_50 = arith.constant 32 : index
      %get3A_51 = tpu.vector_load %arg5[%get3A_49, %get3A_50] {strides = array<i32>} : memref<64x768xf32, #tpu.memory_space<vmem>>, vector<1x16xf32>,
      %get3A_52 = vector.shape_cast %get3A_51 : vector<1x16xf32> to vector<1x16xf32>
      %get3A_53 = arith.index_cast %add3A_22 : i32 to index
      %get3A_54 = arith.constant 32 : index
      %get3A_55 = tpu.vector_load %arg6[%get3A_53, %get3A_54] {strides = array<i32>} : memref<64x768xf32, #tpu.memory_space<vmem>>, vector<1x16xf32>,
      %get3A_56 = vector.shape_cast %get3A_55 : vector<1x16xf32> to vector<1x16xf32>
      %add3A_57 = arith.addf %get3A_52, %get3A_56 : vector<1x16xf32>
      %swap3A_58 = arith.index_cast %add3A_22 : i32 to index
      %swap3A_59 = arith.constant 32 : index
      %swap3A_60 = tpu.vector_load %arg5[%swap3A_58, %swap3A_59] {strides = array<i32>} : memref<64x768xf32, #tpu.memory_space<vmem>>, vector<1x16xf32>,
      %swap3A_61 = vector.shape_cast %swap3A_60 : vector<1x16xf32> to vector<1x16xf32>
      %swap3A_62 = vector.shape_cast %add3A_57 : vector<1x16xf32> to vector<1x16xf32>
      tpu.vector_store %arg5[%swap3A_58, %swap3A_59], %swap3A_62 {strides = array<i32>} : memref<64x768xf32, #tpu.memory_space<vmem>>, vector<1x16xf32>,
      %get3A_63 = arith.index_cast %add3A_22 : i32 to index
      %get3A_64 = arith.constant 48 : index
      %get3A_65 = tpu.vector_load %arg5[%get3A_63, %get3A_64] {strides = array<i32>} : memref<64x768xf32, #tpu.memory_space<vmem>>, vector<1x16xf32>,
      %get3A_66 = vector.shape_cast %get3A_65 : vector<1x16xf32> to vector<1x16xf32>
      %get3A_67 = arith.index_cast %add3A_22 : i32 to index
      %get3A_68 = arith.constant 48 : index
      %get3A_69 = tpu.vector_load %arg6[%get3A_67, %get3A_68] {strides = array<i32>} : memref<64x768xf32, #tpu.memory_space<vmem>>, vector<1x16xf32>,
      %get3A_70 = vector.shape_cast %get3A_69 : vector<1x16xf32> to vector<1x16xf32>
      %add3A_71 = arith.addf %get3A_66, %get3A_70 : vector<1x16xf32>
      %swap3A_72 = arith.index_cast %add3A_22 : i32 to index
      %swap3A_73 = arith.constant 48 : index
      %swap3A_74 = tpu.vector_load %arg5[%swap3A_72, %swap3A_73] {strides = array<i32>} : memref<64x768xf32, #tpu.memory_space<vmem>>, vector<1x16xf32>,
      %swap3A_75 = vector.shape_cast %swap3A_74 : vector<1x16xf32> to vector<1x16xf32>
      %swap3A_76 = vector.shape_cast %add3A_71 : vector<1x16xf32> to vector<1x16xf32>
      tpu.vector_store %arg5[%swap3A_72, %swap3A_73], %swap3A_76 {strides = array<i32>} : memref<64x768xf32, #tpu.memory_space<vmem>>, vector<1x16xf32>,
      %get3A_77 = arith.index_cast %add3A_22 : i32 to index
      %get3A_78 = arith.constant 64 : index
      %get3A_79 = tpu.vector_load %arg5[%get3A_77, %get3A_78] {strides = array<i32>} : memref<64x768xf32, #tpu.memory_space<vmem>>, vector<1x16xf32>,
      %get3A_80 = vector.shape_cast %get3A_79 : vector<1x16xf32> to vector<1x16xf32>
      %get3A_81 = arith.index_cast %add3A_22 : i32 to index
      %get3A_82 = arith.constant 64 : index
      %get3A_83 = tpu.vector_load %arg6[%get3A_81, %get3A_82] {strides = array<i32>} : memref<64x768xf32, #tpu.memory_space<vmem>>, vector<1x16xf32>,
      %get3A_84 = vector.shape_cast %get3A_83 : vector<1x16xf32> to vector<1x16xf32>
      %add3A_85 = arith.addf %get3A_80, %get3A_84 : vector<1x16xf32>
      %swap3A_86 = arith.index_cast %add3A_22 : i32 to index
      %swap3A_87 = arith.constant 64 : index
      %swap3A_88 = tpu.vector_load %arg5[%swap3A_86, %swap3A_87] {strides = array<i32>} : memref<64x768xf32, #tpu.memory_space<vmem>>, vector<1x16xf32>,
      %swap3A_89 = vector.shape_cast %swap3A_88 : vector<1x16xf32> to vector<1x16xf32>
      %swap3A_90 = vector.shape_cast %add3A_85 : vector<1x16xf32> to vector<1x16xf32>
      tpu.vector_store %arg5[%swap3A_86, %swap3A_87], %swap3A_90 {strides = array<i32>} : memref<64x768xf32, #tpu.memory_space<vmem>>, vector<1x16xf32>,
      %get3A_91 = arith.index_cast %add3A_22 : i32 to index
      %get3A_92 = arith.constant 80 : index
      %get3A_93 = tpu.vector_load %arg5[%get3A_91, %get3A_92] {strides = array<i32>} : memref<64x768xf32, #tpu.memory_space<vmem>>, vector<1x16xf32>,
      %get3A_94 = vector.shape_cast %get3A_93 : vector<1x16xf32> to vector<1x16xf32>
      %get3A_95 = arith.index_cast %add3A_22 : i32 to index
      %get3A_96 = arith.constant 80 : index
      %get3A_97 = tpu.vector_load %arg6[%get3A_95, %get3A_96] {strides = array<i32>} : memref<64x768xf32, #tpu.memory_space<vmem>>, vector<1x16xf32>,
      %get3A_98 = vector.shape_cast %get3A_97 : vector<1x16xf32> to vector<1x16xf32>
      %add3A_99 = arith.addf %get3A_94, %get3A_98 : vector<1x16xf32>
      %swap3A_100 = arith.index_cast %add3A_22 : i32 to index
      %swap3A_101 = arith.constant 80 : index
      %swap3A_102 = tpu.vector_load %arg5[%swap3A_100, %swap3A_101] {strides = array<i32>} : memref<64x768xf32, #tpu.memory_space<vmem>>, vector<1x16xf32>,
      %swap3A_103 = vector.shape_cast %swap3A_102 : vector<1x16xf32> to vector<1x16xf32>
      %swap3A_104 = vector.shape_cast %add3A_99 : vector<1x16xf32> to vector<1x16xf32>
      tpu.vector_store %arg5[%swap3A_100, %swap3A_101], %swap3A_104 {strides = array<i32>} : memref<64x768xf32, #tpu.memory_space<vmem>>, vector<1x16xf32>,
      %get3A_105 = arith.index_cast %add3A_22 : i32 to index
      %get3A_106 = arith.constant 96 : index
      %get3A_107 = tpu.vector_load %arg5[%get3A_105, %get3A_106] {strides = array<i32>} : memref<64x768xf32, #tpu.memory_space<vmem>>, vector<1x16xf32>,
      %get3A_108 = vector.shape_cast %get3A_107 : vector<1x16xf32> to vector<1x16xf32>
      %get3A_109 = arith.index_cast %add3A_22 : i32 to index
      %get3A_110 = arith.constant 96 : index
      %get3A_111 = tpu.vector_load %arg6[%get3A_109, %get3A_110] {strides = array<i32>} : memref<64x768xf32, #tpu.memory_space<vmem>>, vector<1x16xf32>,
      %get3A_112 = vector.shape_cast %get3A_111 : vector<1x16xf32> to vector<1x16xf32>
      %add3A_113 = arith.addf %get3A_108, %get3A_112 : vector<1x16xf32>
      %swap3A_114 = arith.index_cast %add3A_22 : i32 to index
      %swap3A_115 = arith.constant 96 : index
      %swap3A_116 = tpu.vector_load %arg5[%swap3A_114, %swap3A_115] {strides = array<i32>} : memref<64x768xf32, #tpu.memory_space<vmem>>, vector<1x16xf32>,
      %swap3A_117 = vector.shape_cast %swap3A_116 : vector<1x16xf32> to vector<1x16xf32>
      %swap3A_118 = vector.shape_cast %add3A_113 : vector<1x16xf32> to vector<1x16xf32>
      tpu.vector_store %arg5[%swap3A_114, %swap3A_115], %swap3A_118 {strides = array<i32>} : memref<64x768xf32, #tpu.memory_space<vmem>>, vector<1x16xf32>,
      %get3A_119 = arith.index_cast %add3A_22 : i32 to index
      %get3A_120 = arith.constant 112 : index
      %get3A_121 = tpu.vector_load %arg5[%get3A_119, %get3A_120] {strides = array<i32>} : memref<64x768xf32, #tpu.memory_space<vmem>>, vector<1x16xf32>,
      %get3A_122 = vector.shape_cast %get3A_121 : vector<1x16xf32> to vector<1x16xf32>
      %get3A_123 = arith.index_cast %add3A_22 : i32 to index
      %get3A_124 = arith.constant 112 : index
      %get3A_125 = tpu.vector_load %arg6[%get3A_123, %get3A_124] {strides = array<i32>} : memref<64x768xf32, #tpu.memory_space<vmem>>, vector<1x16xf32>,
      %get3A_126 = vector.shape_cast %get3A_125 : vector<1x16xf32> to vector<1x16xf32>
      %add3A_127 = arith.addf %get3A_122, %get3A_126 : vector<1x16xf32>
      %swap3A_128 = arith.index_cast %add3A_22 : i32 to index
      %swap3A_129 = arith.constant 112 : index
      %swap3A_130 = tpu.vector_load %arg5[%swap3A_128, %swap3A_129] {strides = array<i32>} : memref<64x768xf32, #tpu.memory_space<vmem>>, vector<1x16xf32>,
      %swap3A_131 = vector.shape_cast %swap3A_130 : vector<1x16xf32> to vector<1x16xf32>
      %swap3A_132 = vector.shape_cast %add3A_127 : vector<1x16xf32> to vector<1x16xf32>
      tpu.vector_store %arg5[%swap3A_128, %swap3A_129], %swap3A_132 {strides = array<i32>} : memref<64x768xf32, #tpu.memory_space<vmem>>, vector<1x16xf32>,
      %get3A_133 = arith.index_cast %add3A_22 : i32 to index
      %get3A_134 = arith.constant 128 : index
      %get3A_135 = tpu.vector_load %arg5[%get3A_133, %get3A_134] {strides = array<i32>} : memref<64x768xf32, #tpu.memory_space<vmem>>, vector<1x16xf32>,
      %get3A_136 = vector.shape_cast %get3A_135 : vector<1x16xf32> to vector<1x16xf32>
      %get3A_137 = arith.index_cast %add3A_22 : i32 to index
      %get3A_138 = arith.constant 128 : index
      %get3A_139 = tpu.vector_load %arg6[%get3A_137, %get3A_138] {strides = array<i32>} : memref<64x768xf32, #tpu.memory_space<vmem>>, vector<1x16xf32>,
      %get3A_140 = vector.shape_cast %get3A_139 : vector<1x16xf32> to vector<1x16xf32>
      %add3A_141 = arith.addf %get3A_136, %get3A_140 : vector<1x16xf32>
      %swap3A_142 = arith.index_cast %add3A_22 : i32 to index
      %swap3A_143 = arith.constant 128 : index
      %swap3A_144 = tpu.vector_load %arg5[%swap3A_142, %swap3A_143] {strides = array<i32>} : memref<64x768xf32, #tpu.memory_space<vmem>>, vector<1x16xf32>,
      %swap3A_145 = vector.shape_cast %swap3A_144 : vector<1x16xf32> to vector<1x16xf32>
      %swap3A_146 = vector.shape_cast %add3A_141 : vector<1x16xf32> to vector<1x16xf32>
      tpu.vector_store %arg5[%swap3A_142, %swap3A_143], %swap3A_146 {strides = array<i32>} : memref<64x768xf32, #tpu.memory_space<vmem>>, vector<1x16xf32>,
      %get3A_147 = arith.index_cast %add3A_22 : i32 to index
      %get3A_148 = arith.constant 144 : index
      %get3A_149 = tpu.vector_load %arg5[%get3A_147, %get3A_148] {strides = array<i32>} : memref<64x768xf32, #tpu.memory_space<vmem>>, vector<1x16xf32>,
      %get3A_150 = vector.shape_cast %get3A_149 : vector<1x16xf32> to vector<1x16xf32>
      %get3A_151 = arith.index_cast %add3A_22 : i32 to index
      %get3A_152 = arith.constant 144 : index
      %get3A_153 = tpu.vector_load %arg6[%get3A_151, %get3A_152] {strides = array<i32>} : memref<64x768xf32, #tpu.memory_space<vmem>>, vector<1x16xf32>,
      %get3A_154 = vector.shape_cast %get3A_153 : vector<1x16xf32> to vector<1x16xf32>
      %add3A_155 = arith.addf %get3A_150, %get3A_154 : vector<1x16xf32>
      %swap3A_156 = arith.index_cast %add3A_22 : i32 to index
      %swap3A_157 = arith.constant 144 : index
      %swap3A_158 = tpu.vector_load %arg5[%swap3A_156, %swap3A_157] {strides = array<i32>} : memref<64x768xf32, #tpu.memory_space<vmem>>, vector<1x16xf32>,
      %swap3A_159 = vector.shape_cast %swap3A_158 : vector<1x16xf32> to vector<1x16xf32>
      %swap3A_160 = vector.shape_cast %add3A_155 : vector<1x16xf32> to vector<1x16xf32>
      tpu.vector_store %arg5[%swap3A_156, %swap3A_157], %swap3A_160 {strides = array<i32>} : memref<64x768xf32, #tpu.memory_space<vmem>>, vector<1x16xf32>,
      %get3A_161 = arith.index_cast %add3A_22 : i32 to index
      %get3A_162 = arith.constant 160 : index
      %get3A_163 = tpu.vector_load %arg5[%get3A_161, %get3A_162] {strides = array<i32>} : memref<64x768xf32, #tpu.memory_space<vmem>>, vector<1x16xf32>,
      %get3A_164 = vector.shape_cast %get3A_163 : vector<1x16xf32> to vector<1x16xf32>
      %get3A_165 = arith.index_cast %add3A_22 : i32 to index
      %get3A_166 = arith.constant 160 : index
      %get3A_167 = tpu.vector_load %arg6[%get3A_165, %get3A_166] {strides = array<i32>} : memref<64x768xf32, #tpu.memory_space<vmem>>, vector<1x16xf32>,
      %get3A_168 = vector.shape_cast %get3A_167 : vector<1x16xf32> to vector<1x16xf32>
      %add3A_169 = arith.addf %get3A_164, %get3A_168 : vector<1x16xf32>
      %swap3A_170 = arith.index_cast %add3A_22 : i32 to index
      %swap3A_171 = arith.constant 160 : index
      %swap3A_172 = tpu.vector_load %arg5[%swap3A_170, %swap3A_171] {strides = array<i32>} : memref<64x768xf32, #tpu.memory_space<vmem>>, vector<1x16xf32>,
      %swap3A_173 = vector.shape_cast %swap3A_172 : vector<1x16xf32> to vector<1x16xf32>
      %swap3A_174 = vector.shape_cast %add3A_169 : vector<1x16xf32> to vector<1x16xf32>
      tpu.vector_store %arg5[%swap3A_170, %swap3A_171], %swap3A_174 {strides = array<i32>} : memref<64x768xf32, #tpu.memory_space<vmem>>, vector<1x16xf32>,
      %get3A_175 = arith.index_cast %add3A_22 : i32 to index
      %get3A_176 = arith.constant 176 : index
      %get3A_177 = tpu.vector_load %arg5[%get3A_175, %get3A_176] {strides = array<i32>} : memref<64x768xf32, #tpu.memory_space<vmem>>, vector<1x16xf32>,
      %get3A_178 = vector.shape_cast %get3A_177 : vector<1x16xf32> to vector<1x16xf32>
      %get3A_179 = arith.index_cast %add3A_22 : i32 to index
      %get3A_180 = arith.constant 176 : index
      %get3A_181 = tpu.vector_load %arg6[%get3A_179, %get3A_180] {strides = array<i32>} : memref<64x768xf32, #tpu.memory_space<vmem>>, vector<1x16xf32>,
      %get3A_182 = vector.shape_cast %get3A_181 : vector<1x16xf32> to vector<1x16xf32>
      %add3A_183 = arith.addf %get3A_178, %get3A_182 : vector<1x16xf32>
      %swap3A_184 = arith.index_cast %add3A_22 : i32 to index
      %swap3A_185 = arith.constant 176 : index
      %swap3A_186 = tpu.vector_load %arg5[%swap3A_184, %swap3A_185] {strides = array<i32>} : memref<64x768xf32, #tpu.memory_space<vmem>>, vector<1x16xf32>,
      %swap3A_187 = vector.shape_cast %swap3A_186 : vector<1x16xf32> to vector<1x16xf32>
      %swap3A_188 = vector.shape_cast %add3A_183 : vector<1x16xf32> to vector<1x16xf32>
      tpu.vector_store %arg5[%swap3A_184, %swap3A_185], %swap3A_188 {strides = array<i32>} : memref<64x768xf32, #tpu.memory_space<vmem>>, vector<1x16xf32>,
      %get3A_189 = arith.index_cast %add3A_22 : i32 to index
      %get3A_190 = arith.constant 192 : index
      %get3A_191 = tpu.vector_load %arg5[%get3A_189, %get3A_190] {strides = array<i32>} : memref<64x768xf32, #tpu.memory_space<vmem>>, vector<1x16xf32>,
      %get3A_192 = vector.shape_cast %get3A_191 : vector<1x16xf32> to vector<1x16xf32>
      %get3A_193 = arith.index_cast %add3A_22 : i32 to index
      %get3A_194 = arith.constant 192 : index
      %get3A_195 = tpu.vector_load %arg6[%get3A_193, %get3A_194] {strides = array<i32>} : memref<64x768xf32, #tpu.memory_space<vmem>>, vector<1x16xf32>,
      %get3A_196 = vector.shape_cast %get3A_195 : vector<1x16xf32> to vector<1x16xf32>
      %add3A_197 = arith.addf %get3A_192, %get3A_196 : vector<1x16xf32>
      %swap3A_198 = arith.index_cast %add3A_22 : i32 to index
      %swap3A_199 = arith.constant 192 : index
      %swap3A_200 = tpu.vector_load %arg5[%swap3A_198, %swap3A_199] {strides = array<i32>} : memref<64x768xf32, #tpu.memory_space<vmem>>, vector<1x16xf32>,
      %swap3A_201 = vector.shape_cast %swap3A_200 : vector<1x16xf32> to vector<1x16xf32>
      %swap3A_202 = vector.shape_cast %add3A_197 : vector<1x16xf32> to vector<1x16xf32>
      tpu.vector_store %arg5[%swap3A_198, %swap3A_199], %swap3A_202 {strides = array<i32>} : memref<64x768xf32, #tpu.memory_space<vmem>>, vector<1x16xf32>,
      %get3A_203 = arith.index_cast %add3A_22 : i32 to index
      %get3A_204 = arith.constant 208 : index
      %get3A_205 = tpu.vector_load %arg5[%get3A_203, %get3A_204] {strides = array<i32>} : memref<64x768xf32, #tpu.memory_space<vmem>>, vector<1x16xf32>,
      %get3A_206 = vector.shape_cast %get3A_205 : vector<1x16xf32> to vector<1x16xf32>
      %get3A_207 = arith.index_cast %add3A_22 : i32 to index
      %get3A_208 = arith.constant 208 : index
      %get3A_209 = tpu.vector_load %arg6[%get3A_207, %get3A_208] {strides = array<i32>} : memref<64x768xf32, #tpu.memory_space<vmem>>, vector<1x16xf32>,
      %get3A_210 = vector.shape_cast %get3A_209 : vector<1x16xf32> to vector<1x16xf32>
      %add3A_211 = arith.addf %get3A_206, %get3A_210 : vector<1x16xf32>
      %swap3A_212 = arith.index_cast %add3A_22 : i32 to index
      %swap3A_213 = arith.constant 208 : index
      %swap3A_214 = tpu.vector_load %arg5[%swap3A_212, %swap3A_213] {strides = array<i32>} : memref<64x768xf32, #tpu.memory_space<vmem>>, vector<1x16xf32>,
      %swap3A_215 = vector.shape_cast %swap3A_214 : vector<1x16xf32> to vector<1x16xf32>
      %swap3A_216 = vector.shape_cast %add3A_211 : vector<1x16xf32> to vector<1x16xf32>
      tpu.vector_store %arg5[%swap3A_212, %swap3A_213], %swap3A_216 {strides = array<i32>} : memref<64x768xf32, #tpu.memory_space<vmem>>, vector<1x16xf32>,
      %get3A_217 = arith.index_cast %add3A_22 : i32 to index
      %get3A_218 = arith.constant 224 : index
      %get3A_219 = tpu.vector_load %arg5[%get3A_217, %get3A_218] {strides = array<i32>} : memref<64x768xf32, #tpu.memory_space<vmem>>, vector<1x16xf32>,
      %get3A_220 = vector.shape_cast %get3A_219 : vector<1x16xf32> to vector<1x16xf32>
      %get3A_221 = arith.index_cast %add3A_22 : i32 to index
      %get3A_222 = arith.constant 224 : index
      %get3A_223 = tpu.vector_load %arg6[%get3A_221, %get3A_222] {strides = array<i32>} : memref<64x768xf32, #tpu.memory_space<vmem>>, vector<1x16xf32>,
      %get3A_224 = vector.shape_cast %get3A_223 : vector<1x16xf32> to vector<1x16xf32>
      %add3A_225 = arith.addf %get3A_220, %get3A_224 : vector<1x16xf32>
      %swap3A_226 = arith.index_cast %add3A_22 : i32 to index
      %swap3A_227 = arith.constant 224 : index
      %swap3A_228 = tpu.vector_load %arg5[%swap3A_226, %swap3A_227] {strides = array<i32>} : memref<64x768xf32, #tpu.memory_space<vmem>>, vector<1x16xf32>,
      %swap3A_229 = vector.shape_cast %swap3A_228 : vector<1x16xf32> to vector<1x16xf32>
      %swap3A_230 = vector.shape_cast %add3A_225 : vector<1x16xf32> to vector<1x16xf32>
      tpu.vector_store %arg5[%swap3A_226, %swap3A_227], %swap3A_230 {strides = array<i32>} : memref<64x768xf32, #tpu.memory_space<vmem>>, vector<1x16xf32>,
      %get3A_231 = arith.index_cast %add3A_22 : i32 to index
      %get3A_232 = arith.constant 240 : index
      %get3A_233 = tpu.vector_load %arg5[%get3A_231, %get3A_232] {strides = array<i32>} : memref<64x768xf32, #tpu.memory_space<vmem>>, vector<1x16xf32>,
      %get3A_234 = vector.shape_cast %get3A_233 : vector<1x16xf32> to vector<1x16xf32>
      %get3A_235 = arith.index_cast %add3A_22 : i32 to index
      %get3A_236 = arith.constant 240 : index
      %get3A_237 = tpu.vector_load %arg6[%get3A_235, %get3A_236] {strides = array<i32>} : memref<64x768xf32, #tpu.memory_space<vmem>>, vector<1x16xf32>,
      %get3A_238 = vector.shape_cast %get3A_237 : vector<1x16xf32> to vector<1x16xf32>
      %add3A_239 = arith.addf %get3A_234, %get3A_238 : vector<1x16xf32>
      %swap3A_240 = arith.index_cast %add3A_22 : i32 to index
      %swap3A_241 = arith.constant 240 : index
      %swap3A_242 = tpu.vector_load %arg5[%swap3A_240, %swap3A_241] {strides = array<i32>} : memref<64x768xf32, #tpu.memory_space<vmem>>, vector<1x16xf32>,
      %swap3A_243 = vector.shape_cast %swap3A_242 : vector<1x16xf32> to vector<1x16xf32>
      %swap3A_244 = vector.shape_cast %add3A_239 : vector<1x16xf32> to vector<1x16xf32>
      tpu.vector_store %arg5[%swap3A_240, %swap3A_241], %swap3A_244 {strides = array<i32>} : memref<64x768xf32, #tpu.memory_space<vmem>>, vector<1x16xf32>,
      %get3A_245 = arith.index_cast %add3A_22 : i32 to index
      %get3A_246 = arith.constant 256 : index
      %get3A_247 = tpu.vector_load %arg5[%get3A_245, %get3A_246] {strides = array<i32>} : memref<64x768xf32, #tpu.memory_space<vmem>>, vector<1x16xf32>,
      %get3A_248 = vector.shape_cast %get3A_247 : vector<1x16xf32> to vector<1x16xf32>
      %get3A_249 = arith.index_cast %add3A_22 : i32 to index
      %get3A_250 = arith.constant 256 : index
      %get3A_251 = tpu.vector_load %arg6[%get3A_249, %get3A_250] {strides = array<i32>} : memref<64x768xf32, #tpu.memory_space<vmem>>, vector<1x16xf32>,
      %get3A_252 = vector.shape_cast %get3A_251 : vector<1x16xf32> to vector<1x16xf32>
      %add3A_253 = arith.addf %get3A_248, %get3A_252 : vector<1x16xf32>
      %swap3A_254 = arith.index_cast %add3A_22 : i32 to index
      %swap3A_255 = arith.constant 256 : index
      %swap3A_256 = tpu.vector_load %arg5[%swap3A_254, %swap3A_255] {strides = array<i32>} : memref<64x768xf32, #tpu.memory_space<vmem>>, vector<1x16xf32>,
      %swap3A_257 = vector.shape_cast %swap3A_256 : vector<1x16xf32> to vector<1x16xf32>
      %swap3A_258 = vector.shape_cast %add3A_253 : vector<1x16xf32> to vector<1x16xf32>
      tpu.vector_store %arg5[%swap3A_254, %swap3A_255], %swap3A_258 {strides = array<i32>} : memref<64x768xf32, #tpu.memory_space<vmem>>, vector<1x16xf32>,
      %get3A_259 = arith.index_cast %add3A_22 : i32 to index
      %get3A_260 = arith.constant 272 : index
      %get3A_261 = tpu.vector_load %arg5[%get3A_259, %get3A_260] {strides = array<i32>} : memref<64x768xf32, #tpu.memory_space<vmem>>, vector<1x16xf32>,
      %get3A_262 = vector.shape_cast %get3A_261 : vector<1x16xf32> to vector<1x16xf32>
      %get3A_263 = arith.index_cast %add3A_22 : i32 to index
      %get3A_264 = arith.constant 272 : index
      %get3A_265 = tpu.vector_load %arg6[%get3A_263, %get3A_264] {strides = array<i32>} : memref<64x768xf32, #tpu.memory_space<vmem>>, vector<1x16xf32>,
      %get3A_266 = vector.shape_cast %get3A_265 : vector<1x16xf32> to vector<1x16xf32>
      %add3A_267 = arith.addf %get3A_262, %get3A_266 : vector<1x16xf32>
      %swap3A_268 = arith.index_cast %add3A_22 : i32 to index
      %swap3A_269 = arith.constant 272 : index
      %swap3A_270 = tpu.vector_load %arg5[%swap3A_268, %swap3A_269] {strides = array<i32>} : memref<64x768xf32, #tpu.memory_space<vmem>>, vector<1x16xf32>,
      %swap3A_271 = vector.shape_cast %swap3A_270 : vector<1x16xf32> to vector<1x16xf32>
      %swap3A_272 = vector.shape_cast %add3A_267 : vector<1x16xf32> to vector<1x16xf32>
      tpu.vector_store %arg5[%swap3A_268, %swap3A_269], %swap3A_272 {strides = array<i32>} : memref<64x768xf32, #tpu.memory_space<vmem>>, vector<1x16xf32>,
      %get3A_273 = arith.index_cast %add3A_22 : i32 to index
      %get3A_274 = arith.constant 288 : index
      %get3A_275 = tpu.vector_load %arg5[%get3A_273, %get3A_274] {strides = array<i32>} : memref<64x768xf32, #tpu.memory_space<vmem>>, vector<1x16xf32>,
      %get3A_276 = vector.shape_cast %get3A_275 : vector<1x16xf32> to vector<1x16xf32>
      %get3A_277 = arith.index_cast %add3A_22 : i32 to index
      %get3A_278 = arith.constant 288 : index
      %get3A_279 = tpu.vector_load %arg6[%get3A_277, %get3A_278] {strides = array<i32>} : memref<64x768xf32, #tpu.memory_space<vmem>>, vector<1x16xf32>,
      %get3A_280 = vector.shape_cast %get3A_279 : vector<1x16xf32> to vector<1x16xf32>
      %add3A_281 = arith.addf %get3A_276, %get3A_280 : vector<1x16xf32>
      %swap3A_282 = arith.index_cast %add3A_22 : i32 to index
      %swap3A_283 = arith.constant 288 : index
      %swap3A_284 = tpu.vector_load %arg5[%swap3A_282, %swap3A_283] {strides = array<i32>} : memref<64x768xf32, #tpu.memory_space<vmem>>, vector<1x16xf32>,
      %swap3A_285 = vector.shape_cast %swap3A_284 : vector<1x16xf32> to vector<1x16xf32>
      %swap3A_286 = vector.shape_cast %add3A_281 : vector<1x16xf32> to vector<1x16xf32>
      tpu.vector_store %arg5[%swap3A_282, %swap3A_283], %swap3A_286 {strides = array<i32>} : memref<64x768xf32, #tpu.memory_space<vmem>>, vector<1x16xf32>,
      %get3A_287 = arith.index_cast %add3A_22 : i32 to index
      %get3A_288 = arith.constant 304 : index
      %get3A_289 = tpu.vector_load %arg5[%get3A_287, %get3A_288] {strides = array<i32>} : memref<64x768xf32, #tpu.memory_space<vmem>>, vector<1x16xf32>,
      %get3A_290 = vector.shape_cast %get3A_289 : vector<1x16xf32> to vector<1x16xf32>
      %get3A_291 = arith.index_cast %add3A_22 : i32 to index
      %get3A_292 = arith.constant 304 : index
      %get3A_293 = tpu.vector_load %arg6[%get3A_291, %get3A_292] {strides = array<i32>} : memref<64x768xf32, #tpu.memory_space<vmem>>, vector<1x16xf32>,
      %get3A_294 = vector.shape_cast %get3A_293 : vector<1x16xf32> to vector<1x16xf32>
      %add3A_295 = arith.addf %get3A_290, %get3A_294 : vector<1x16xf32>
      %swap3A_296 = arith.index_cast %add3A_22 : i32 to index
      %swap3A_297 = arith.constant 304 : index
      %swap3A_298 = tpu.vector_load %arg5[%swap3A_296, %swap3A_297] {strides = array<i32>} : memref<64x768xf32, #tpu.memory_space<vmem>>, vector<1x16xf32>,
      %swap3A_299 = vector.shape_cast %swap3A_298 : vector<1x16xf32> to vector<1x16xf32>
      %swap3A_300 = vector.shape_cast %add3A_295 : vector<1x16xf32> to vector<1x16xf32>
      tpu.vector_store %arg5[%swap3A_296, %swap3A_297], %swap3A_300 {strides = array<i32>} : memref<64x768xf32, #tpu.memory_space<vmem>>, vector<1x16xf32>,
      %get3A_301 = arith.index_cast %add3A_22 : i32 to index
      %get3A_302 = arith.constant 320 : index
      %get3A_303 = tpu.vector_load %arg5[%get3A_301, %get3A_302] {strides = array<i32>} : memref<64x768xf32, #tpu.memory_space<vmem>>, vector<1x16xf32>,
      %get3A_304 = vector.shape_cast %get3A_303 : vector<1x16xf32> to vector<1x16xf32>
      %get3A_305 = arith.index_cast %add3A_22 : i32 to index
      %get3A_306 = arith.constant 320 : index
      %get3A_307 = tpu.vector_load %arg6[%get3A_305, %get3A_306] {strides = array<i32>} : memref<64x768xf32, #tpu.memory_space<vmem>>, vector<1x16xf32>,
      %get3A_308 = vector.shape_cast %get3A_307 : vector<1x16xf32> to vector<1x16xf32>
      %add3A_309 = arith.addf %get3A_304, %get3A_308 : vector<1x16xf32>
      %swap3A_310 = arith.index_cast %add3A_22 : i32 to index
      %swap3A_311 = arith.constant 320 : index
      %swap3A_312 = tpu.vector_load %arg5[%swap3A_310, %swap3A_311] {strides = array<i32>} : memref<64x768xf32, #tpu.memory_space<vmem>>, vector<1x16xf32>,
      %swap3A_313 = vector.shape_cast %swap3A_312 : vector<1x16xf32> to vector<1x16xf32>
      %swap3A_314 = vector.shape_cast %add3A_309 : vector<1x16xf32> to vector<1x16xf32>
      tpu.vector_store %arg5[%swap3A_310, %swap3A_311], %swap3A_314 {strides = array<i32>} : memref<64x768xf32, #tpu.memory_space<vmem>>, vector<1x16xf32>,
      %get3A_315 = arith.index_cast %add3A_22 : i32 to index
      %get3A_316 = arith.constant 336 : index
      %get3A_317 = tpu.vector_load %arg5[%get3A_315, %get3A_316] {strides = array<i32>} : memref<64x768xf32, #tpu.memory_space<vmem>>, vector<1x16xf32>,
      %get3A_318 = vector.shape_cast %get3A_317 : vector<1x16xf32> to vector<1x16xf32>
      %get3A_319 = arith.index_cast %add3A_22 : i32 to index
      %get3A_320 = arith.constant 336 : index
      %get3A_321 = tpu.vector_load %arg6[%get3A_319, %get3A_320] {strides = array<i32>} : memref<64x768xf32, #tpu.memory_space<vmem>>, vector<1x16xf32>,
      %get3A_322 = vector.shape_cast %get3A_321 : vector<1x16xf32> to vector<1x16xf32>
      %add3A_323 = arith.addf %get3A_318, %get3A_322 : vector<1x16xf32>
      %swap3A_324 = arith.index_cast %add3A_22 : i32 to index
      %swap3A_325 = arith.constant 336 : index
      %swap3A_326 = tpu.vector_load %arg5[%swap3A_324, %swap3A_325] {strides = array<i32>} : memref<64x768xf32, #tpu.memory_space<vmem>>, vector<1x16xf32>,
      %swap3A_327 = vector.shape_cast %swap3A_326 : vector<1x16xf32> to vector<1x16xf32>
      %swap3A_328 = vector.shape_cast %add3A_323 : vector<1x16xf32> to vector<1x16xf32>
      tpu.vector_store %arg5[%swap3A_324, %swap3A_325], %swap3A_328 {strides = array<i32>} : memref<64x768xf32, #tpu.memory_space<vmem>>, vector<1x16xf32>,
      %get3A_329 = arith.index_cast %add3A_22 : i32 to index
      %get3A_330 = arith.constant 352 : index
      %get3A_331 = tpu.vector_load %arg5[%get3A_329, %get3A_330] {strides = array<i32>} : memref<64x768xf32, #tpu.memory_space<vmem>>, vector<1x16xf32>,
      %get3A_332 = vector.shape_cast %get3A_331 : vector<1x16xf32> to vector<1x16xf32>
      %get3A_333 = arith.index_cast %add3A_22 : i32 to index
      %get3A_334 = arith.constant 352 : index
      %get3A_335 = tpu.vector_load %arg6[%get3A_333, %get3A_334] {strides = array<i32>} : memref<64x768xf32, #tpu.memory_space<vmem>>, vector<1x16xf32>,
      %get3A_336 = vector.shape_cast %get3A_335 : vector<1x16xf32> to vector<1x16xf32>
      %add3A_337 = arith.addf %get3A_332, %get3A_336 : vector<1x16xf32>
      %swap3A_338 = arith.index_cast %add3A_22 : i32 to index
      %swap3A_339 = arith.constant 352 : index
      %swap3A_340 = tpu.vector_load %arg5[%swap3A_338, %swap3A_339] {strides = array<i32>} : memref<64x768xf32, #tpu.memory_space<vmem>>, vector<1x16xf32>,
      %swap3A_341 = vector.shape_cast %swap3A_340 : vector<1x16xf32> to vector<1x16xf32>
      %swap3A_342 = vector.shape_cast %add3A_337 : vector<1x16xf32> to vector<1x16xf32>
      tpu.vector_store %arg5[%swap3A_338, %swap3A_339], %swap3A_342 {strides = array<i32>} : memref<64x768xf32, #tpu.memory_space<vmem>>, vector<1x16xf32>,
      %get3A_343 = arith.index_cast %add3A_22 : i32 to index
      %get3A_344 = arith.constant 368 : index
      %get3A_345 = tpu.vector_load %arg5[%get3A_343, %get3A_344] {strides = array<i32>} : memref<64x768xf32, #tpu.memory_space<vmem>>, vector<1x16xf32>,
      %get3A_346 = vector.shape_cast %get3A_345 : vector<1x16xf32> to vector<1x16xf32>
      %get3A_347 = arith.index_cast %add3A_22 : i32 to index
      %get3A_348 = arith.constant 368 : index
      %get3A_349 = tpu.vector_load %arg6[%get3A_347, %get3A_348] {strides = array<i32>} : memref<64x768xf32, #tpu.memory_space<vmem>>, vector<1x16xf32>,
      %get3A_350 = vector.shape_cast %get3A_349 : vector<1x16xf32> to vector<1x16xf32>
      %add3A_351 = arith.addf %get3A_346, %get3A_350 : vector<1x16xf32>
      %swap3A_352 = arith.index_cast %add3A_22 : i32 to index
      %swap3A_353 = arith.constant 368 : index
      %swap3A_354 = tpu.vector_load %arg5[%swap3A_352, %swap3A_353] {strides = array<i32>} : memref<64x768xf32, #tpu.memory_space<vmem>>, vector<1x16xf32>,
      %swap3A_355 = vector.shape_cast %swap3A_354 : vector<1x16xf32> to vector<1x16xf32>
      %swap3A_356 = vector.shape_cast %add3A_351 : vector<1x16xf32> to vector<1x16xf32>
      tpu.vector_store %arg5[%swap3A_352, %swap3A_353], %swap3A_356 {strides = array<i32>} : memref<64x768xf32, #tpu.memory_space<vmem>>, vector<1x16xf32>,
      %get3A_357 = arith.index_cast %add3A_22 : i32 to index
      %get3A_358 = arith.constant 384 : index
      %get3A_359 = tpu.vector_load %arg5[%get3A_357, %get3A_358] {strides = array<i32>} : memref<64x768xf32, #tpu.memory_space<vmem>>, vector<1x16xf32>,
      %get3A_360 = vector.shape_cast %get3A_359 : vector<1x16xf32> to vector<1x16xf32>
      %get3A_361 = arith.index_cast %add3A_22 : i32 to index
      %get3A_362 = arith.constant 384 : index
      %get3A_363 = tpu.vector_load %arg6[%get3A_361, %get3A_362] {strides = array<i32>} : memref<64x768xf32, #tpu.memory_space<vmem>>, vector<1x16xf32>,
      %get3A_364 = vector.shape_cast %get3A_363 : vector<1x16xf32> to vector<1x16xf32>
      %add3A_365 = arith.addf %get3A_360, %get3A_364 : vector<1x16xf32>
      %swap3A_366 = arith.index_cast %add3A_22 : i32 to index
      %swap3A_367 = arith.constant 384 : index
      %swap3A_368 = tpu.vector_load %arg5[%swap3A_366, %swap3A_367] {strides = array<i32>} : memref<64x768xf32, #tpu.memory_space<vmem>>, vector<1x16xf32>,
      %swap3A_369 = vector.shape_cast %swap3A_368 : vector<1x16xf32> to vector<1x16xf32>
      %swap3A_370 = vector.shape_cast %add3A_365 : vector<1x16xf32> to vector<1x16xf32>
      tpu.vector_store %arg5[%swap3A_366, %swap3A_367], %swap3A_370 {strides = array<i32>} : memref<64x768xf32, #tpu.memory_space<vmem>>, vector<1x16xf32>,
      %get3A_371 = arith.index_cast %add3A_22 : i32 to index
      %get3A_372 = arith.constant 400 : index
      %get3A_373 = tpu.vector_load %arg5[%get3A_371, %get3A_372] {strides = array<i32>} : memref<64x768xf32, #tpu.memory_space<vmem>>, vector<1x16xf32>,
      %get3A_374 = vector.shape_cast %get3A_373 : vector<1x16xf32> to vector<1x16xf32>
      %get3A_375 = arith.index_cast %add3A_22 : i32 to index
      %get3A_376 = arith.constant 400 : index
      %get3A_377 = tpu.vector_load %arg6[%get3A_375, %get3A_376] {strides = array<i32>} : memref<64x768xf32, #tpu.memory_space<vmem>>, vector<1x16xf32>,
      %get3A_378 = vector.shape_cast %get3A_377 : vector<1x16xf32> to vector<1x16xf32>
      %add3A_379 = arith.addf %get3A_374, %get3A_378 : vector<1x16xf32>
      %swap3A_380 = arith.index_cast %add3A_22 : i32 to index
      %swap3A_381 = arith.constant 400 : index
      %swap3A_382 = tpu.vector_load %arg5[%swap3A_380, %swap3A_381] {strides = array<i32>} : memref<64x768xf32, #tpu.memory_space<vmem>>, vector<1x16xf32>,
      %swap3A_383 = vector.shape_cast %swap3A_382 : vector<1x16xf32> to vector<1x16xf32>
      %swap3A_384 = vector.shape_cast %add3A_379 : vector<1x16xf32> to vector<1x16xf32>
      tpu.vector_store %arg5[%swap3A_380, %swap3A_381], %swap3A_384 {strides = array<i32>} : memref<64x768xf32, #tpu.memory_space<vmem>>, vector<1x16xf32>,
      %get3A_385 = arith.index_cast %add3A_22 : i32 to index
      %get3A_386 = arith.constant 416 : index
      %get3A_387 = tpu.vector_load %arg5[%get3A_385, %get3A_386] {strides = array<i32>} : memref<64x768xf32, #tpu.memory_space<vmem>>, vector<1x16xf32>,
      %get3A_388 = vector.shape_cast %get3A_387 : vector<1x16xf32> to vector<1x16xf32>
      %get3A_389 = arith.index_cast %add3A_22 : i32 to index
      %get3A_390 = arith.constant 416 : index
      %get3A_391 = tpu.vector_load %arg6[%get3A_389, %get3A_390] {strides = array<i32>} : memref<64x768xf32, #tpu.memory_space<vmem>>, vector<1x16xf32>,
      %get3A_392 = vector.shape_cast %get3A_391 : vector<1x16xf32> to vector<1x16xf32>
      %add3A_393 = arith.addf %get3A_388, %get3A_392 : vector<1x16xf32>
      %swap3A_394 = arith.index_cast %add3A_22 : i32 to index
      %swap3A_395 = arith.constant 416 : index
      %swap3A_396 = tpu.vector_load %arg5[%swap3A_394, %swap3A_395] {strides = array<i32>} : memref<64x768xf32, #tpu.memory_space<vmem>>, vector<1x16xf32>,
      %swap3A_397 = vector.shape_cast %swap3A_396 : vector<1x16xf32> to vector<1x16xf32>
      %swap3A_398 = vector.shape_cast %add3A_393 : vector<1x16xf32> to vector<1x16xf32>
      tpu.vector_store %arg5[%swap3A_394, %swap3A_395], %swap3A_398 {strides = array<i32>} : memref<64x768xf32, #tpu.memory_space<vmem>>, vector<1x16xf32>,
      %get3A_399 = arith.index_cast %add3A_22 : i32 to index
      %get3A_400 = arith.constant 432 : index
      %get3A_401 = tpu.vector_load %arg5[%get3A_399, %get3A_400] {strides = array<i32>} : memref<64x768xf32, #tpu.memory_space<vmem>>, vector<1x16xf32>,
      %get3A_402 = vector.shape_cast %get3A_401 : vector<1x16xf32> to vector<1x16xf32>
      %get3A_403 = arith.index_cast %add3A_22 : i32 to index
      %get3A_404 = arith.constant 432 : index
      %get3A_405 = tpu.vector_load %arg6[%get3A_403, %get3A_404] {strides = array<i32>} : memref<64x768xf32, #tpu.memory_space<vmem>>, vector<1x16xf32>,
      %get3A_406 = vector.shape_cast %get3A_405 : vector<1x16xf32> to vector<1x16xf32>
      %add3A_407 = arith.addf %get3A_402, %get3A_406 : vector<1x16xf32>
      %swap3A_408 = arith.index_cast %add3A_22 : i32 to index
      %swap3A_409 = arith.constant 432 : index
      %swap3A_410 = tpu.vector_load %arg5[%swap3A_408, %swap3A_409] {strides = array<i32>} : memref<64x768xf32, #tpu.memory_space<vmem>>, vector<1x16xf32>,
      %swap3A_411 = vector.shape_cast %swap3A_410 : vector<1x16xf32> to vector<1x16xf32>
      %swap3A_412 = vector.shape_cast %add3A_407 : vector<1x16xf32> to vector<1x16xf32>
      tpu.vector_store %arg5[%swap3A_408, %swap3A_409], %swap3A_412 {strides = array<i32>} : memref<64x768xf32, #tpu.memory_space<vmem>>, vector<1x16xf32>,
      %get3A_413 = arith.index_cast %add3A_22 : i32 to index
      %get3A_414 = arith.constant 448 : index
      %get3A_415 = tpu.vector_load %arg5[%get3A_413, %get3A_414] {strides = array<i32>} : memref<64x768xf32, #tpu.memory_space<vmem>>, vector<1x16xf32>,
      %get3A_416 = vector.shape_cast %get3A_415 : vector<1x16xf32> to vector<1x16xf32>
      %get3A_417 = arith.index_cast %add3A_22 : i32 to index
      %get3A_418 = arith.constant 448 : index
      %get3A_419 = tpu.vector_load %arg6[%get3A_417, %get3A_418] {strides = array<i32>} : memref<64x768xf32, #tpu.memory_space<vmem>>, vector<1x16xf32>,
      %get3A_420 = vector.shape_cast %get3A_419 : vector<1x16xf32> to vector<1x16xf32>
      %add3A_421 = arith.addf %get3A_416, %get3A_420 : vector<1x16xf32>
      %swap3A_422 = arith.index_cast %add3A_22 : i32 to index
      %swap3A_423 = arith.constant 448 : index
      %swap3A_424 = tpu.vector_load %arg5[%swap3A_422, %swap3A_423] {strides = array<i32>} : memref<64x768xf32, #tpu.memory_space<vmem>>, vector<1x16xf32>,
      %swap3A_425 = vector.shape_cast %swap3A_424 : vector<1x16xf32> to vector<1x16xf32>
      %swap3A_426 = vector.shape_cast %add3A_421 : vector<1x16xf32> to vector<1x16xf32>
      tpu.vector_store %arg5[%swap3A_422, %swap3A_423], %swap3A_426 {strides = array<i32>} : memref<64x768xf32, #tpu.memory_space<vmem>>, vector<1x16xf32>,
      %get3A_427 = arith.index_cast %add3A_22 : i32 to index
      %get3A_428 = arith.constant 464 : index
      %get3A_429 = tpu.vector_load %arg5[%get3A_427, %get3A_428] {strides = array<i32>} : memref<64x768xf32, #tpu.memory_space<vmem>>, vector<1x16xf32>,
      %get3A_430 = vector.shape_cast %get3A_429 : vector<1x16xf32> to vector<1x16xf32>
      %get3A_431 = arith.index_cast %add3A_22 : i32 to index
      %get3A_432 = arith.constant 464 : index
      %get3A_433 = tpu.vector_load %arg6[%get3A_431, %get3A_432] {strides = array<i32>} : memref<64x768xf32, #tpu.memory_space<vmem>>, vector<1x16xf32>,
      %get3A_434 = vector.shape_cast %get3A_433 : vector<1x16xf32> to vector<1x16xf32>
      %add3A_435 = arith.addf %get3A_430, %get3A_434 : vector<1x16xf32>
      %swap3A_436 = arith.index_cast %add3A_22 : i32 to index
      %swap3A_437 = arith.constant 464 : index
      %swap3A_438 = tpu.vector_load %arg5[%swap3A_436, %swap3A_437] {strides = array<i32>} : memref<64x768xf32, #tpu.memory_space<vmem>>, vector<1x16xf32>,
      %swap3A_439 = vector.shape_cast %swap3A_438 : vector<1x16xf32> to vector<1x16xf32>
      %swap3A_440 = vector.shape_cast %add3A_435 : vector<1x16xf32> to vector<1x16xf32>
      tpu.vector_store %arg5[%swap3A_436, %swap3A_437], %swap3A_440 {strides = array<i32>} : memref<64x768xf32, #tpu.memory_space<vmem>>, vector<1x16xf32>,
      %get3A_441 = arith.index_cast %add3A_22 : i32 to index
      %get3A_442 = arith.constant 480 : index
      %get3A_443 = tpu.vector_load %arg5[%get3A_441, %get3A_442] {strides = array<i32>} : memref<64x768xf32, #tpu.memory_space<vmem>>, vector<1x16xf32>,
      %get3A_444 = vector.shape_cast %get3A_443 : vector<1x16xf32> to vector<1x16xf32>
      %get3A_445 = arith.index_cast %add3A_22 : i32 to index
      %get3A_446 = arith.constant 480 : index
      %get3A_447 = tpu.vector_load %arg6[%get3A_445, %get3A_446] {strides = array<i32>} : memref<64x768xf32, #tpu.memory_space<vmem>>, vector<1x16xf32>,
      %get3A_448 = vector.shape_cast %get3A_447 : vector<1x16xf32> to vector<1x16xf32>
      %add3A_449 = arith.addf %get3A_444, %get3A_448 : vector<1x16xf32>
      %swap3A_450 = arith.index_cast %add3A_22 : i32 to index
      %swap3A_451 = arith.constant 480 : index
      %swap3A_452 = tpu.vector_load %arg5[%swap3A_450, %swap3A_451] {strides = array<i32>} : memref<64x768xf32, #tpu.memory_space<vmem>>, vector<1x16xf32>,
      %swap3A_453 = vector.shape_cast %swap3A_452 : vector<1x16xf32> to vector<1x16xf32>
      %swap3A_454 = vector.shape_cast %add3A_449 : vector<1x16xf32> to vector<1x16xf32>
      tpu.vector_store %arg5[%swap3A_450, %swap3A_451], %swap3A_454 {strides = array<i32>} : memref<64x768xf32, #tpu.memory_space<vmem>>, vector<1x16xf32>,
      %get3A_455 = arith.index_cast %add3A_22 : i32 to index
      %get3A_456 = arith.constant 496 : index
      %get3A_457 = tpu.vector_load %arg5[%get3A_455, %get3A_456] {strides = array<i32>} : memref<64x768xf32, #tpu.memory_space<vmem>>, vector<1x16xf32>,
      %get3A_458 = vector.shape_cast %get3A_457 : vector<1x16xf32> to vector<1x16xf32>
      %get3A_459 = arith.index_cast %add3A_22 : i32 to index
      %get3A_460 = arith.constant 496 : index
      %get3A_461 = tpu.vector_load %arg6[%get3A_459, %get3A_460] {strides = array<i32>} : memref<64x768xf32, #tpu.memory_space<vmem>>, vector<1x16xf32>,
      %get3A_462 = vector.shape_cast %get3A_461 : vector<1x16xf32> to vector<1x16xf32>
      %add3A_463 = arith.addf %get3A_458, %get3A_462 : vector<1x16xf32>
      %swap3A_464 = arith.index_cast %add3A_22 : i32 to index
      %swap3A_465 = arith.constant 496 : index
      %swap3A_466 = tpu.vector_load %arg5[%swap3A_464, %swap3A_465] {strides = array<i32>} : memref<64x768xf32, #tpu.memory_space<vmem>>, vector<1x16xf32>,
      %swap3A_467 = vector.shape_cast %swap3A_466 : vector<1x16xf32> to vector<1x16xf32>
      %swap3A_468 = vector.shape_cast %add3A_463 : vector<1x16xf32> to vector<1x16xf32>
      tpu.vector_store %arg5[%swap3A_464, %swap3A_465], %swap3A_468 {strides = array<i32>} : memref<64x768xf32, #tpu.memory_space<vmem>>, vector<1x16xf32>,
      %get3A_469 = arith.index_cast %add3A_22 : i32 to index
      %get3A_470 = arith.constant 512 : index
      %get3A_471 = tpu.vector_load %arg5[%get3A_469, %get3A_470] {strides = array<i32>} : memref<64x768xf32, #tpu.memory_space<vmem>>, vector<1x16xf32>,
      %get3A_472 = vector.shape_cast %get3A_471 : vector<1x16xf32> to vector<1x16xf32>
      %get3A_473 = arith.index_cast %add3A_22 : i32 to index
      %get3A_474 = arith.constant 512 : index
      %get3A_475 = tpu.vector_load %arg6[%get3A_473, %get3A_474] {strides = array<i32>} : memref<64x768xf32, #tpu.memory_space<vmem>>, vector<1x16xf32>,
      %get3A_476 = vector.shape_cast %get3A_475 : vector<1x16xf32> to vector<1x16xf32>
      %add3A_477 = arith.addf %get3A_472, %get3A_476 : vector<1x16xf32>
      %swap3A_478 = arith.index_cast %add3A_22 : i32 to index
      %swap3A_479 = arith.constant 512 : index
      %swap3A_480 = tpu.vector_load %arg5[%swap3A_478, %swap3A_479] {strides = array<i32>} : memref<64x768xf32, #tpu.memory_space<vmem>>, vector<1x16xf32>,
      %swap3A_481 = vector.shape_cast %swap3A_480 : vector<1x16xf32> to vector<1x16xf32>
      %swap3A_482 = vector.shape_cast %add3A_477 : vector<1x16xf32> to vector<1x16xf32>
      tpu.vector_store %arg5[%swap3A_478, %swap3A_479], %swap3A_482 {strides = array<i32>} : memref<64x768xf32, #tpu.memory_space<vmem>>, vector<1x16xf32>,
      %get3A_483 = arith.index_cast %add3A_22 : i32 to index
      %get3A_484 = arith.constant 528 : index
      %get3A_485 = tpu.vector_load %arg5[%get3A_483, %get3A_484] {strides = array<i32>} : memref<64x768xf32, #tpu.memory_space<vmem>>, vector<1x16xf32>,
      %get3A_486 = vector.shape_cast %get3A_485 : vector<1x16xf32> to vector<1x16xf32>
      %get3A_487 = arith.index_cast %add3A_22 : i32 to index
      %get3A_488 = arith.constant 528 : index
      %get3A_489 = tpu.vector_load %arg6[%get3A_487, %get3A_488] {strides = array<i32>} : memref<64x768xf32, #tpu.memory_space<vmem>>, vector<1x16xf32>,
      %get3A_490 = vector.shape_cast %get3A_489 : vector<1x16xf32> to vector<1x16xf32>
      %add3A_491 = arith.addf %get3A_486, %get3A_490 : vector<1x16xf32>
      %swap3A_492 = arith.index_cast %add3A_22 : i32 to index
      %swap3A_493 = arith.constant 528 : index
      %swap3A_494 = tpu.vector_load %arg5[%swap3A_492, %swap3A_493] {strides = array<i32>} : memref<64x768xf32, #tpu.memory_space<vmem>>, vector<1x16xf32>,
      %swap3A_495 = vector.shape_cast %swap3A_494 : vector<1x16xf32> to vector<1x16xf32>
      %swap3A_496 = vector.shape_cast %add3A_491 : vector<1x16xf32> to vector<1x16xf32>
      tpu.vector_store %arg5[%swap3A_492, %swap3A_493], %swap3A_496 {strides = array<i32>} : memref<64x768xf32, #tpu.memory_space<vmem>>, vector<1x16xf32>,
      %get3A_497 = arith.index_cast %add3A_22 : i32 to index
      %get3A_498 = arith.constant 544 : index
      %get3A_499 = tpu.vector_load %arg5[%get3A_497, %get3A_498] {strides = array<i32>} : memref<64x768xf32, #tpu.memory_space<vmem>>, vector<1x16xf32>,
      %get3A_500 = vector.shape_cast %get3A_499 : vector<1x16xf32> to vector<1x16xf32>
      %get3A_501 = arith.index_cast %add3A_22 : i32 to index
      %get3A_502 = arith.constant 544 : index
      %get3A_503 = tpu.vector_load %arg6[%get3A_501, %get3A_502] {strides = array<i32>} : memref<64x768xf32, #tpu.memory_space<vmem>>, vector<1x16xf32>,
      %get3A_504 = vector.shape_cast %get3A_503 : vector<1x16xf32> to vector<1x16xf32>
      %add3A_505 = arith.addf %get3A_500, %get3A_504 : vector<1x16xf32>
      %swap3A_506 = arith.index_cast %add3A_22 : i32 to index
      %swap3A_507 = arith.constant 544 : index
      %swap3A_508 = tpu.vector_load %arg5[%swap3A_506, %swap3A_507] {strides = array<i32>} : memref<64x768xf32, #tpu.memory_space<vmem>>, vector<1x16xf32>,
      %swap3A_509 = vector.shape_cast %swap3A_508 : vector<1x16xf32> to vector<1x16xf32>
      %swap3A_510 = vector.shape_cast %add3A_505 : vector<1x16xf32> to vector<1x16xf32>
      tpu.vector_store %arg5[%swap3A_506, %swap3A_507], %swap3A_510 {strides = array<i32>} : memref<64x768xf32, #tpu.memory_space<vmem>>, vector<1x16xf32>,
      %get3A_511 = arith.index_cast %add3A_22 : i32 to index
      %get3A_512 = arith.constant 560 : index
      %get3A_513 = tpu.vector_load %arg5[%get3A_511, %get3A_512] {strides = array<i32>} : memref<64x768xf32, #tpu.memory_space<vmem>>, vector<1x16xf32>,
      %get3A_514 = vector.shape_cast %get3A_513 : vector<1x16xf32> to vector<1x16xf32>
      %get3A_515 = arith.index_cast %add3A_22 : i32 to index
      %get3A_516 = arith.constant 560 : index
      %get3A_517 = tpu.vector_load %arg6[%get3A_515, %get3A_516] {strides = array<i32>} : memref<64x768xf32, #tpu.memory_space<vmem>>, vector<1x16xf32>,
      %get3A_518 = vector.shape_cast %get3A_517 : vector<1x16xf32> to vector<1x16xf32>
      %add3A_519 = arith.addf %get3A_514, %get3A_518 : vector<1x16xf32>
      %swap3A_520 = arith.index_cast %add3A_22 : i32 to index
      %swap3A_521 = arith.constant 560 : index
      %swap3A_522 = tpu.vector_load %arg5[%swap3A_520, %swap3A_521] {strides = array<i32>} : memref<64x768xf32, #tpu.memory_space<vmem>>, vector<1x16xf32>,
      %swap3A_523 = vector.shape_cast %swap3A_522 : vector<1x16xf32> to vector<1x16xf32>
      %swap3A_524 = vector.shape_cast %add3A_519 : vector<1x16xf32> to vector<1x16xf32>
      tpu.vector_store %arg5[%swap3A_520, %swap3A_521], %swap3A_524 {strides = array<i32>} : memref<64x768xf32, #tpu.memory_space<vmem>>, vector<1x16xf32>,
      %get3A_525 = arith.index_cast %add3A_22 : i32 to index
      %get3A_526 = arith.constant 576 : index
      %get3A_527 = tpu.vector_load %arg5[%get3A_525, %get3A_526] {strides = array<i32>} : memref<64x768xf32, #tpu.memory_space<vmem>>, vector<1x16xf32>,
      %get3A_528 = vector.shape_cast %get3A_527 : vector<1x16xf32> to vector<1x16xf32>
      %get3A_529 = arith.index_cast %add3A_22 : i32 to index
      %get3A_530 = arith.constant 576 : index
      %get3A_531 = tpu.vector_load %arg6[%get3A_529, %get3A_530] {strides = array<i32>} : memref<64x768xf32, #tpu.memory_space<vmem>>, vector<1x16xf32>,
      %get3A_532 = vector.shape_cast %get3A_531 : vector<1x16xf32> to vector<1x16xf32>
      %add3A_533 = arith.addf %get3A_528, %get3A_532 : vector<1x16xf32>
      %swap3A_534 = arith.index_cast %add3A_22 : i32 to index
      %swap3A_535 = arith.constant 576 : index
      %swap3A_536 = tpu.vector_load %arg5[%swap3A_534, %swap3A_535] {strides = array<i32>} : memref<64x768xf32, #tpu.memory_space<vmem>>, vector<1x16xf32>,
      %swap3A_537 = vector.shape_cast %swap3A_536 : vector<1x16xf32> to vector<1x16xf32>
      %swap3A_538 = vector.shape_cast %add3A_533 : vector<1x16xf32> to vector<1x16xf32>
      tpu.vector_store %arg5[%swap3A_534, %swap3A_535], %swap3A_538 {strides = array<i32>} : memref<64x768xf32, #tpu.memory_space<vmem>>, vector<1x16xf32>,
      %get3A_539 = arith.index_cast %add3A_22 : i32 to index
      %get3A_540 = arith.constant 592 : index
      %get3A_541 = tpu.vector_load %arg5[%get3A_539, %get3A_540] {strides = array<i32>} : memref<64x768xf32, #tpu.memory_space<vmem>>, vector<1x16xf32>,
      %get3A_542 = vector.shape_cast %get3A_541 : vector<1x16xf32> to vector<1x16xf32>
      %get3A_543 = arith.index_cast %add3A_22 : i32 to index
      %get3A_544 = arith.constant 592 : index
      %get3A_545 = tpu.vector_load %arg6[%get3A_543, %get3A_544] {strides = array<i32>} : memref<64x768xf32, #tpu.memory_space<vmem>>, vector<1x16xf32>,
      %get3A_546 = vector.shape_cast %get3A_545 : vector<1x16xf32> to vector<1x16xf32>
      %add3A_547 = arith.addf %get3A_542, %get3A_546 : vector<1x16xf32>
      %swap3A_548 = arith.index_cast %add3A_22 : i32 to index
      %swap3A_549 = arith.constant 592 : index
      %swap3A_550 = tpu.vector_load %arg5[%swap3A_548, %swap3A_549] {strides = array<i32>} : memref<64x768xf32, #tpu.memory_space<vmem>>, vector<1x16xf32>,
      %swap3A_551 = vector.shape_cast %swap3A_550 : vector<1x16xf32> to vector<1x16xf32>
      %swap3A_552 = vector.shape_cast %add3A_547 : vector<1x16xf32> to vector<1x16xf32>
      tpu.vector_store %arg5[%swap3A_548, %swap3A_549], %swap3A_552 {strides = array<i32>} : memref<64x768xf32, #tpu.memory_space<vmem>>, vector<1x16xf32>,
      %get3A_553 = arith.index_cast %add3A_22 : i32 to index
      %get3A_554 = arith.constant 608 : index
      %get3A_555 = tpu.vector_load %arg5[%get3A_553, %get3A_554] {strides = array<i32>} : memref<64x768xf32, #tpu.memory_space<vmem>>, vector<1x16xf32>,
      %get3A_556 = vector.shape_cast %get3A_555 : vector<1x16xf32> to vector<1x16xf32>
      %get3A_557 = arith.index_cast %add3A_22 : i32 to index
      %get3A_558 = arith.constant 608 : index
      %get3A_559 = tpu.vector_load %arg6[%get3A_557, %get3A_558] {strides = array<i32>} : memref<64x768xf32, #tpu.memory_space<vmem>>, vector<1x16xf32>,
      %get3A_560 = vector.shape_cast %get3A_559 : vector<1x16xf32> to vector<1x16xf32>
      %add3A_561 = arith.addf %get3A_556, %get3A_560 : vector<1x16xf32>
      %swap3A_562 = arith.index_cast %add3A_22 : i32 to index
      %swap3A_563 = arith.constant 608 : index
      %swap3A_564 = tpu.vector_load %arg5[%swap3A_562, %swap3A_563] {strides = array<i32>} : memref<64x768xf32, #tpu.memory_space<vmem>>, vector<1x16xf32>,
      %swap3A_565 = vector.shape_cast %swap3A_564 : vector<1x16xf32> to vector<1x16xf32>
      %swap3A_566 = vector.shape_cast %add3A_561 : vector<1x16xf32> to vector<1x16xf32>
      tpu.vector_store %arg5[%swap3A_562, %swap3A_563], %swap3A_566 {strides = array<i32>} : memref<64x768xf32, #tpu.memory_space<vmem>>, vector<1x16xf32>,
      %get3A_567 = arith.index_cast %add3A_22 : i32 to index
      %get3A_568 = arith.constant 624 : index
      %get3A_569 = tpu.vector_load %arg5[%get3A_567, %get3A_568] {strides = array<i32>} : memref<64x768xf32, #tpu.memory_space<vmem>>, vector<1x16xf32>,
      %get3A_570 = vector.shape_cast %get3A_569 : vector<1x16xf32> to vector<1x16xf32>
      %get3A_571 = arith.index_cast %add3A_22 : i32 to index
      %get3A_572 = arith.constant 624 : index
      %get3A_573 = tpu.vector_load %arg6[%get3A_571, %get3A_572] {strides = array<i32>} : memref<64x768xf32, #tpu.memory_space<vmem>>, vector<1x16xf32>,
      %get3A_574 = vector.shape_cast %get3A_573 : vector<1x16xf32> to vector<1x16xf32>
      %add3A_575 = arith.addf %get3A_570, %get3A_574 : vector<1x16xf32>
      %swap3A_576 = arith.index_cast %add3A_22 : i32 to index
      %swap3A_577 = arith.constant 624 : index
      %swap3A_578 = tpu.vector_load %arg5[%swap3A_576, %swap3A_577] {strides = array<i32>} : memref<64x768xf32, #tpu.memory_space<vmem>>, vector<1x16xf32>,
      %swap3A_579 = vector.shape_cast %swap3A_578 : vector<1x16xf32> to vector<1x16xf32>
      %swap3A_580 = vector.shape_cast %add3A_575 : vector<1x16xf32> to vector<1x16xf32>
      tpu.vector_store %arg5[%swap3A_576, %swap3A_577], %swap3A_580 {strides = array<i32>} : memref<64x768xf32, #tpu.memory_space<vmem>>, vector<1x16xf32>,
      %get3A_581 = arith.index_cast %add3A_22 : i32 to index
      %get3A_582 = arith.constant 640 : index
      %get3A_583 = tpu.vector_load %arg5[%get3A_581, %get3A_582] {strides = array<i32>} : memref<64x768xf32, #tpu.memory_space<vmem>>, vector<1x16xf32>,
      %get3A_584 = vector.shape_cast %get3A_583 : vector<1x16xf32> to vector<1x16xf32>
      %get3A_585 = arith.index_cast %add3A_22 : i32 to index
      %get3A_586 = arith.constant 640 : index
      %get3A_587 = tpu.vector_load %arg6[%get3A_585, %get3A_586] {strides = array<i32>} : memref<64x768xf32, #tpu.memory_space<vmem>>, vector<1x16xf32>,
      %get3A_588 = vector.shape_cast %get3A_587 : vector<1x16xf32> to vector<1x16xf32>
      %add3A_589 = arith.addf %get3A_584, %get3A_588 : vector<1x16xf32>
      %swap3A_590 = arith.index_cast %add3A_22 : i32 to index
      %swap3A_591 = arith.constant 640 : index
      %swap3A_592 = tpu.vector_load %arg5[%swap3A_590, %swap3A_591] {strides = array<i32>} : memref<64x768xf32, #tpu.memory_space<vmem>>, vector<1x16xf32>,
      %swap3A_593 = vector.shape_cast %swap3A_592 : vector<1x16xf32> to vector<1x16xf32>
      %swap3A_594 = vector.shape_cast %add3A_589 : vector<1x16xf32> to vector<1x16xf32>
      tpu.vector_store %arg5[%swap3A_590, %swap3A_591], %swap3A_594 {strides = array<i32>} : memref<64x768xf32, #tpu.memory_space<vmem>>, vector<1x16xf32>,
      %get3A_595 = arith.index_cast %add3A_22 : i32 to index
      %get3A_596 = arith.constant 656 : index
      %get3A_597 = tpu.vector_load %arg5[%get3A_595, %get3A_596] {strides = array<i32>} : memref<64x768xf32, #tpu.memory_space<vmem>>, vector<1x16xf32>,
      %get3A_598 = vector.shape_cast %get3A_597 : vector<1x16xf32> to vector<1x16xf32>
      %get3A_599 = arith.index_cast %add3A_22 : i32 to index
      %get3A_600 = arith.constant 656 : index
      %get3A_601 = tpu.vector_load %arg6[%get3A_599, %get3A_600] {strides = array<i32>} : memref<64x768xf32, #tpu.memory_space<vmem>>, vector<1x16xf32>,
      %get3A_602 = vector.shape_cast %get3A_601 : vector<1x16xf32> to vector<1x16xf32>
      %add3A_603 = arith.addf %get3A_598, %get3A_602 : vector<1x16xf32>
      %swap3A_604 = arith.index_cast %add3A_22 : i32 to index
      %swap3A_605 = arith.constant 656 : index
      %swap3A_606 = tpu.vector_load %arg5[%swap3A_604, %swap3A_605] {strides = array<i32>} : memref<64x768xf32, #tpu.memory_space<vmem>>, vector<1x16xf32>,
      %swap3A_607 = vector.shape_cast %swap3A_606 : vector<1x16xf32> to vector<1x16xf32>
      %swap3A_608 = vector.shape_cast %add3A_603 : vector<1x16xf32> to vector<1x16xf32>
      tpu.vector_store %arg5[%swap3A_604, %swap3A_605], %swap3A_608 {strides = array<i32>} : memref<64x768xf32, #tpu.memory_space<vmem>>, vector<1x16xf32>,
      %get3A_609 = arith.index_cast %add3A_22 : i32 to index
      %get3A_610 = arith.constant 672 : index
      %get3A_611 = tpu.vector_load %arg5[%get3A_609, %get3A_610] {strides = array<i32>} : memref<64x768xf32, #tpu.memory_space<vmem>>, vector<1x16xf32>,
      %get3A_612 = vector.shape_cast %get3A_611 : vector<1x16xf32> to vector<1x16xf32>
      %get3A_613 = arith.index_cast %add3A_22 : i32 to index
      %get3A_614 = arith.constant 672 : index
      %get3A_615 = tpu.vector_load %arg6[%get3A_613, %get3A_614] {strides = array<i32>} : memref<64x768xf32, #tpu.memory_space<vmem>>, vector<1x16xf32>,
      %get3A_616 = vector.shape_cast %get3A_615 : vector<1x16xf32> to vector<1x16xf32>
      %add3A_617 = arith.addf %get3A_612, %get3A_616 : vector<1x16xf32>
      %swap3A_618 = arith.index_cast %add3A_22 : i32 to index
      %swap3A_619 = arith.constant 672 : index
      %swap3A_620 = tpu.vector_load %arg5[%swap3A_618, %swap3A_619] {strides = array<i32>} : memref<64x768xf32, #tpu.memory_space<vmem>>, vector<1x16xf32>,
      %swap3A_621 = vector.shape_cast %swap3A_620 : vector<1x16xf32> to vector<1x16xf32>
      %swap3A_622 = vector.shape_cast %add3A_617 : vector<1x16xf32> to vector<1x16xf32>
      tpu.vector_store %arg5[%swap3A_618, %swap3A_619], %swap3A_622 {strides = array<i32>} : memref<64x768xf32, #tpu.memory_space<vmem>>, vector<1x16xf32>,
      %get3A_623 = arith.index_cast %add3A_22 : i32 to index
      %get3A_624 = arith.constant 688 : index
      %get3A_625 = tpu.vector_load %arg5[%get3A_623, %get3A_624] {strides = array<i32>} : memref<64x768xf32, #tpu.memory_space<vmem>>, vector<1x16xf32>,
      %get3A_626 = vector.shape_cast %get3A_625 : vector<1x16xf32> to vector<1x16xf32>
      %get3A_627 = arith.index_cast %add3A_22 : i32 to index
      %get3A_628 = arith.constant 688 : index
      %get3A_629 = tpu.vector_load %arg6[%get3A_627, %get3A_628] {strides = array<i32>} : memref<64x768xf32, #tpu.memory_space<vmem>>, vector<1x16xf32>,
      %get3A_630 = vector.shape_cast %get3A_629 : vector<1x16xf32> to vector<1x16xf32>
      %add3A_631 = arith.addf %get3A_626, %get3A_630 : vector<1x16xf32>
      %swap3A_632 = arith.index_cast %add3A_22 : i32 to index
      %swap3A_633 = arith.constant 688 : index
      %swap3A_634 = tpu.vector_load %arg5[%swap3A_632, %swap3A_633] {strides = array<i32>} : memref<64x768xf32, #tpu.memory_space<vmem>>, vector<1x16xf32>,
      %swap3A_635 = vector.shape_cast %swap3A_634 : vector<1x16xf32> to vector<1x16xf32>
      %swap3A_636 = vector.shape_cast %add3A_631 : vector<1x16xf32> to vector<1x16xf32>
      tpu.vector_store %arg5[%swap3A_632, %swap3A_633], %swap3A_636 {strides = array<i32>} : memref<64x768xf32, #tpu.memory_space<vmem>>, vector<1x16xf32>,
      %get3A_637 = arith.index_cast %add3A_22 : i32 to index
      %get3A_638 = arith.constant 704 : index
      %get3A_639 = tpu.vector_load %arg5[%get3A_637, %get3A_638] {strides = array<i32>} : memref<64x768xf32, #tpu.memory_space<vmem>>, vector<1x16xf32>,
      %get3A_640 = vector.shape_cast %get3A_639 : vector<1x16xf32> to vector<1x16xf32>
      %get3A_641 = arith.index_cast %add3A_22 : i32 to index
      %get3A_642 = arith.constant 704 : index
      %get3A_643 = tpu.vector_load %arg6[%get3A_641, %get3A_642] {strides = array<i32>} : memref<64x768xf32, #tpu.memory_space<vmem>>, vector<1x16xf32>,
      %get3A_644 = vector.shape_cast %get3A_643 : vector<1x16xf32> to vector<1x16xf32>
      %add3A_645 = arith.addf %get3A_640, %get3A_644 : vector<1x16xf32>
      %swap3A_646 = arith.index_cast %add3A_22 : i32 to index
      %swap3A_647 = arith.constant 704 : index
      %swap3A_648 = tpu.vector_load %arg5[%swap3A_646, %swap3A_647] {strides = array<i32>} : memref<64x768xf32, #tpu.memory_space<vmem>>, vector<1x16xf32>,
      %swap3A_649 = vector.shape_cast %swap3A_648 : vector<1x16xf32> to vector<1x16xf32>
      %swap3A_650 = vector.shape_cast %add3A_645 : vector<1x16xf32> to vector<1x16xf32>
      tpu.vector_store %arg5[%swap3A_646, %swap3A_647], %swap3A_650 {strides = array<i32>} : memref<64x768xf32, #tpu.memory_space<vmem>>, vector<1x16xf32>,
      %get3A_651 = arith.index_cast %add3A_22 : i32 to index
      %get3A_652 = arith.constant 720 : index
      %get3A_653 = tpu.vector_load %arg5[%get3A_651, %get3A_652] {strides = array<i32>} : memref<64x768xf32, #tpu.memory_space<vmem>>, vector<1x16xf32>,
      %get3A_654 = vector.shape_cast %get3A_653 : vector<1x16xf32> to vector<1x16xf32>
      %get3A_655 = arith.index_cast %add3A_22 : i32 to index
      %get3A_656 = arith.constant 720 : index
      %get3A_657 = tpu.vector_load %arg6[%get3A_655, %get3A_656] {strides = array<i32>} : memref<64x768xf32, #tpu.memory_space<vmem>>, vector<1x16xf32>,
      %get3A_658 = vector.shape_cast %get3A_657 : vector<1x16xf32> to vector<1x16xf32>
      %add3A_659 = arith.addf %get3A_654, %get3A_658 : vector<1x16xf32>
      %swap3A_660 = arith.index_cast %add3A_22 : i32 to index
      %swap3A_661 = arith.constant 720 : index
      %swap3A_662 = tpu.vector_load %arg5[%swap3A_660, %swap3A_661] {strides = array<i32>} : memref<64x768xf32, #tpu.memory_space<vmem>>, vector<1x16xf32>,
      %swap3A_663 = vector.shape_cast %swap3A_662 : vector<1x16xf32> to vector<1x16xf32>
      %swap3A_664 = vector.shape_cast %add3A_659 : vector<1x16xf32> to vector<1x16xf32>
      tpu.vector_store %arg5[%swap3A_660, %swap3A_661], %swap3A_664 {strides = array<i32>} : memref<64x768xf32, #tpu.memory_space<vmem>>, vector<1x16xf32>,
      %get3A_665 = arith.index_cast %add3A_22 : i32 to index
      %get3A_666 = arith.constant 736 : index
      %get3A_667 = tpu.vector_load %arg5[%get3A_665, %get3A_666] {strides = array<i32>} : memref<64x768xf32, #tpu.memory_space<vmem>>, vector<1x16xf32>,
      %get3A_668 = vector.shape_cast %get3A_667 : vector<1x16xf32> to vector<1x16xf32>
      %get3A_669 = arith.index_cast %add3A_22 : i32 to index
      %get3A_670 = arith.constant 736 : index
      %get3A_671 = tpu.vector_load %arg6[%get3A_669, %get3A_670] {strides = array<i32>} : memref<64x768xf32, #tpu.memory_space<vmem>>, vector<1x16xf32>,
      %get3A_672 = vector.shape_cast %get3A_671 : vector<1x16xf32> to vector<1x16xf32>
      %add3A_673 = arith.addf %get3A_668, %get3A_672 : vector<1x16xf32>
      %swap3A_674 = arith.index_cast %add3A_22 : i32 to index
      %swap3A_675 = arith.constant 736 : index
      %swap3A_676 = tpu.vector_load %arg5[%swap3A_674, %swap3A_675] {strides = array<i32>} : memref<64x768xf32, #tpu.memory_space<vmem>>, vector<1x16xf32>,
      %swap3A_677 = vector.shape_cast %swap3A_676 : vector<1x16xf32> to vector<1x16xf32>
      %swap3A_678 = vector.shape_cast %add3A_673 : vector<1x16xf32> to vector<1x16xf32>
      tpu.vector_store %arg5[%swap3A_674, %swap3A_675], %swap3A_678 {strides = array<i32>} : memref<64x768xf32, #tpu.memory_space<vmem>>, vector<1x16xf32>,
      %get3A_679 = arith.index_cast %add3A_22 : i32 to index
      %get3A_680 = arith.constant 752 : index
      %get3A_681 = tpu.vector_load %arg5[%get3A_679, %get3A_680] {strides = array<i32>} : memref<64x768xf32, #tpu.memory_space<vmem>>, vector<1x16xf32>,
      %get3A_682 = vector.shape_cast %get3A_681 : vector<1x16xf32> to vector<1x16xf32>
      %get3A_683 = arith.index_cast %add3A_22 : i32 to index
      %get3A_684 = arith.constant 752 : index
      %get3A_685 = tpu.vector_load %arg6[%get3A_683, %get3A_684] {strides = array<i32>} : memref<64x768xf32, #tpu.memory_space<vmem>>, vector<1x16xf32>,
      %get3A_686 = vector.shape_cast %get3A_685 : vector<1x16xf32> to vector<1x16xf32>
      %add3A_687 = arith.addf %get3A_682, %get3A_686 : vector<1x16xf32>
      %swap3A_688 = arith.index_cast %add3A_22 : i32 to index
      %swap3A_689 = arith.constant 752 : index
      %swap3A_690 = tpu.vector_load %arg5[%swap3A_688, %swap3A_689] {strides = array<i32>} : memref<64x768xf32, #tpu.memory_space<vmem>>, vector<1x16xf32>,
      %swap3A_691 = vector.shape_cast %swap3A_690 : vector<1x16xf32> to vector<1x16xf32>
      %swap3A_692 = vector.shape_cast %add3A_687 : vector<1x16xf32> to vector<1x16xf32>
      tpu.vector_store %arg5[%swap3A_688, %swap3A_689], %swap3A_692 {strides = array<i32>} : memref<64x768xf32, #tpu.memory_space<vmem>>, vector<1x16xf32>,
    }
    %scan3A_17 = arith.constant 64 : i32
    "tpu.region"() ({
      %run_scoped3A_18 = tpu.sem_alloc : memref<!tpu.dma_semaphore, #tpu.memory_space<semaphore_mem>>
      %dma_start3A_19 = arith.constant 0 : i32
      %dma_start3A_20 = tpu.memref_slice %arg4[%mul3A_2, %dma_start3A_19] : memref<2048x768xf32, #tpu.memory_space<hbm>> -> memref<64x768xf32, #tpu.memory_space<hbm>>
      %dma_start3A_21 = arith.constant 0 : i32
      %dma_start3A_22 = tpu.memref_slice %arg4[%mul3A_2, %dma_start3A_21] : memref<2048x768xf32, #tpu.memory_space<hbm>> -> memref<64x768xf32, #tpu.memory_space<hbm>>
      tpu.enqueue_dma source(%arg5 : memref<64x768xf32, #tpu.memory_space<vmem>>) target(%dma_start3A_22 : memref<64x768xf32, #tpu.memory_space<hbm>>) target_semaphore(%run_scoped3A_18 : memref<!tpu.dma_semaphore, #tpu.memory_space<semaphore_mem>>)
      %dma_wait3A_23 = arith.constant 0 : i32
      %dma_wait3A_24 = tpu.memref_slice %arg4[%mul3A_2, %dma_wait3A_23] : memref<2048x768xf32, #tpu.memory_space<hbm>> -> memref<64x768xf32, #tpu.memory_space<hbm>>
      %dma_wait3A_25 = arith.constant 0 : i32
      %dma_wait3A_26 = tpu.memref_slice %arg4[%mul3A_2, %dma_wait3A_25] : memref<2048x768xf32, #tpu.memory_space<hbm>> -> memref<64x768xf32, #tpu.memory_space<hbm>>
      tpu.wait_dma2 semaphore(%run_scoped3A_18 : memref<!tpu.dma_semaphore, #tpu.memory_space<semaphore_mem>>) src(%arg5 : memref<64x768xf32, #tpu.memory_space<vmem>>) dst(%dma_wait3A_26 : memref<64x768xf32, #tpu.memory_space<hbm>>)
      tpu.yield
    }) : () -> ()
    return
  }
}

#map = affine_map<(d0, d1) -> (0, 0)>
#map1 = affine_map<(d0, d1) -> (0, 0, 0)>
module attributes {stable_mosaic.version = 14 : i64} {
  func.func @_dispatch_kernel(%arg0: i32, %arg1: i32, %arg2: memref<2048x768xf32, #tpu.memory_space<hbm>>, %arg3: memref<2x2048xi32, #tpu.memory_space<hbm>>, %arg4: memref<2x2048x128xf32, #tpu.memory_space<hbm>>, %arg5: memref<4672x896xf32, #tpu.memory_space<hbm>>, %arg6: memref<64x896xf32, #tpu.memory_space<vmem>>, %arg7: memref<64x896xf32, #tpu.memory_space<vmem>>, %arg8: memref<64xi32, #tpu.memory_space<vmem>>, %arg9: memref<64xi32, #tpu.memory_space<vmem>>, %arg10: memref<!tpu.dma_semaphore, #tpu.memory_space<semaphore_mem>>, %arg11: memref<!tpu.dma_semaphore, #tpu.memory_space<semaphore_mem>>) attributes {dimension_semantics = [#tpu.dimension_semantics<core_parallel>, #tpu.dimension_semantics<subcore_parallel>], iteration_bounds = array<i64: 2, 16>, scalar_prefetch = 0 : i64, scratch_operands = 6 : i64, tpu.core_type = #tpu.core_type<sc_vector_subcore>, window_params = [{transform_indices = #map}, {transform_indices = #map}, {transform_indices = #map1}, {transform_indices = #map}]} {
    %mul3A = arith.constant 2 : i32
    %mul3A_0 = arith.muli %arg1, %mul3A : i32
    %add3A = arith.addi %mul3A_0, %arg0 : i32
    %mul3A_1 = arith.constant 64 : i32
    %mul3A_2 = arith.muli %add3A, %mul3A_1 : i32
    %dma_start3A = arith.constant 0 : i32
    %dma_start3A_3 = arith.constant 0 : i32
    %dma_start3A_4 = tpu.memref_slice %arg6[%dma_start3A, %dma_start3A_3] : memref<64x896xf32, #tpu.memory_space<vmem>> -> memref<64x768xf32, #tpu.memory_space<vmem>>
    %dma_start3A_5 = arith.constant 0 : i32
    %dma_start3A_6 = tpu.memref_slice %arg2[%mul3A_2, %dma_start3A_5] : memref<2048x768xf32, #tpu.memory_space<hbm>> -> memref<64x768xf32, #tpu.memory_space<hbm>>
    %dma_start3A_7 = arith.constant 0 : i32
    %dma_start3A_8 = arith.constant 0 : i32
    %dma_start3A_9 = tpu.memref_slice %arg6[%dma_start3A_7, %dma_start3A_8] : memref<64x896xf32, #tpu.memory_space<vmem>> -> memref<64x768xf32, #tpu.memory_space<vmem>>
    %dma_start3A_10 = arith.constant 0 : i32
    %dma_start3A_11 = tpu.memref_slice %arg2[%mul3A_2, %dma_start3A_10] : memref<2048x768xf32, #tpu.memory_space<hbm>> -> memref<64x768xf32, #tpu.memory_space<hbm>>
    tpu.enqueue_dma source(%dma_start3A_11 : memref<64x768xf32, #tpu.memory_space<hbm>>) target(%dma_start3A_9 : memref<64x768xf32, #tpu.memory_space<vmem>>) target_semaphore(%arg10 : memref<!tpu.dma_semaphore, #tpu.memory_space<semaphore_mem>>)
    %dma_start3A_12 = arith.constant 0 : i32
    %dma_start3A_13 = arith.constant 0 : i32
    %dma_start3A_14 = tpu.memref_slice %arg7[%dma_start3A_12, %dma_start3A_13] : memref<64x896xf32, #tpu.memory_space<vmem>> -> memref<64x768xf32, #tpu.memory_space<vmem>>
    %dma_start3A_15 = arith.constant 0 : i32
    %dma_start3A_16 = tpu.memref_slice %arg2[%mul3A_2, %dma_start3A_15] : memref<2048x768xf32, #tpu.memory_space<hbm>> -> memref<64x768xf32, #tpu.memory_space<hbm>>
    %dma_start3A_17 = arith.constant 0 : i32
    %dma_start3A_18 = arith.constant 0 : i32
    %dma_start3A_19 = tpu.memref_slice %arg7[%dma_start3A_17, %dma_start3A_18] : memref<64x896xf32, #tpu.memory_space<vmem>> -> memref<64x768xf32, #tpu.memory_space<vmem>>
    %dma_start3A_20 = arith.constant 0 : i32
    %dma_start3A_21 = tpu.memref_slice %arg2[%mul3A_2, %dma_start3A_20] : memref<2048x768xf32, #tpu.memory_space<hbm>> -> memref<64x768xf32, #tpu.memory_space<hbm>>
    tpu.enqueue_dma source(%dma_start3A_21 : memref<64x768xf32, #tpu.memory_space<hbm>>) target(%dma_start3A_19 : memref<64x768xf32, #tpu.memory_space<vmem>>) target_semaphore(%arg11 : memref<!tpu.dma_semaphore, #tpu.memory_space<semaphore_mem>>)
    %run_scoped3A = arith.constant 0 : i32
    "tpu.region"() ({
      %run_scoped3A_56 = tpu.sem_alloc : memref<!tpu.dma_semaphore, #tpu.memory_space<semaphore_mem>>
      %dma_start3A_57 = tpu.memref_slice %arg3[%run_scoped3A, %mul3A_2] : memref<2x2048xi32, #tpu.memory_space<hbm>> -> memref<1x64xi32, #tpu.memory_space<hbm>>
      %dma_start3A_58 = tpu.memref_squeeze %dma_start3A_57 : memref<1x64xi32, #tpu.memory_space<hbm>> -> memref<64xi32, #tpu.memory_space<hbm>>
      %dma_start3A_59 = tpu.memref_slice %arg3[%run_scoped3A, %mul3A_2] : memref<2x2048xi32, #tpu.memory_space<hbm>> -> memref<1x64xi32, #tpu.memory_space<hbm>>
      %dma_start3A_60 = tpu.memref_squeeze %dma_start3A_59 : memref<1x64xi32, #tpu.memory_space<hbm>> -> memref<64xi32, #tpu.memory_space<hbm>>
      tpu.enqueue_dma source(%dma_start3A_60 : memref<64xi32, #tpu.memory_space<hbm>>) target(%arg8 : memref<64xi32, #tpu.memory_space<vmem>>) target_semaphore(%run_scoped3A_56 : memref<!tpu.dma_semaphore, #tpu.memory_space<semaphore_mem>>)
      %dma_wait3A_61 = tpu.memref_slice %arg3[%run_scoped3A, %mul3A_2] : memref<2x2048xi32, #tpu.memory_space<hbm>> -> memref<1x64xi32, #tpu.memory_space<hbm>>
      %dma_wait3A_62 = tpu.memref_squeeze %dma_wait3A_61 : memref<1x64xi32, #tpu.memory_space<hbm>> -> memref<64xi32, #tpu.memory_space<hbm>>
      %dma_wait3A_63 = tpu.memref_slice %arg3[%run_scoped3A, %mul3A_2] : memref<2x2048xi32, #tpu.memory_space<hbm>> -> memref<1x64xi32, #tpu.memory_space<hbm>>
      %dma_wait3A_64 = tpu.memref_squeeze %dma_wait3A_63 : memref<1x64xi32, #tpu.memory_space<hbm>> -> memref<64xi32, #tpu.memory_space<hbm>>
      tpu.wait_dma2 semaphore(%run_scoped3A_56 : memref<!tpu.dma_semaphore, #tpu.memory_space<semaphore_mem>>) src(%dma_wait3A_64 : memref<64xi32, #tpu.memory_space<hbm>>) dst(%arg8 : memref<64xi32, #tpu.memory_space<vmem>>)
      tpu.yield
    }) : () -> ()
    %run_scoped3A_22 = arith.constant 1 : i32
    "tpu.region"() ({
      %run_scoped3A_56 = tpu.sem_alloc : memref<!tpu.dma_semaphore, #tpu.memory_space<semaphore_mem>>
      %dma_start3A_57 = tpu.memref_slice %arg3[%run_scoped3A_22, %mul3A_2] : memref<2x2048xi32, #tpu.memory_space<hbm>> -> memref<1x64xi32, #tpu.memory_space<hbm>>
      %dma_start3A_58 = tpu.memref_squeeze %dma_start3A_57 : memref<1x64xi32, #tpu.memory_space<hbm>> -> memref<64xi32, #tpu.memory_space<hbm>>
      %dma_start3A_59 = tpu.memref_slice %arg3[%run_scoped3A_22, %mul3A_2] : memref<2x2048xi32, #tpu.memory_space<hbm>> -> memref<1x64xi32, #tpu.memory_space<hbm>>
      %dma_start3A_60 = tpu.memref_squeeze %dma_start3A_59 : memref<1x64xi32, #tpu.memory_space<hbm>> -> memref<64xi32, #tpu.memory_space<hbm>>
      tpu.enqueue_dma source(%dma_start3A_60 : memref<64xi32, #tpu.memory_space<hbm>>) target(%arg9 : memref<64xi32, #tpu.memory_space<vmem>>) target_semaphore(%run_scoped3A_56 : memref<!tpu.dma_semaphore, #tpu.memory_space<semaphore_mem>>)
      %dma_wait3A_61 = tpu.memref_slice %arg3[%run_scoped3A_22, %mul3A_2] : memref<2x2048xi32, #tpu.memory_space<hbm>> -> memref<1x64xi32, #tpu.memory_space<hbm>>
      %dma_wait3A_62 = tpu.memref_squeeze %dma_wait3A_61 : memref<1x64xi32, #tpu.memory_space<hbm>> -> memref<64xi32, #tpu.memory_space<hbm>>
      %dma_wait3A_63 = tpu.memref_slice %arg3[%run_scoped3A_22, %mul3A_2] : memref<2x2048xi32, #tpu.memory_space<hbm>> -> memref<1x64xi32, #tpu.memory_space<hbm>>
      %dma_wait3A_64 = tpu.memref_squeeze %dma_wait3A_63 : memref<1x64xi32, #tpu.memory_space<hbm>> -> memref<64xi32, #tpu.memory_space<hbm>>
      tpu.wait_dma2 semaphore(%run_scoped3A_56 : memref<!tpu.dma_semaphore, #tpu.memory_space<semaphore_mem>>) src(%dma_wait3A_64 : memref<64xi32, #tpu.memory_space<hbm>>) dst(%arg9 : memref<64xi32, #tpu.memory_space<vmem>>)
      tpu.yield
    }) : () -> ()
    %run_scoped3A_23 = arith.constant 0 : i32
    "tpu.region"() ({
      %run_scoped3A_56 = tpu.sem_alloc : memref<!tpu.dma_semaphore, #tpu.memory_space<semaphore_mem>>
      %dma_start3A_57 = arith.constant 0 : i32
      %dma_start3A_58 = arith.constant 768 : i32
      %dma_start3A_59 = tpu.memref_slice %arg6[%dma_start3A_57, %dma_start3A_58] : memref<64x896xf32, #tpu.memory_space<vmem>> -> memref<64x128xf32, #tpu.memory_space<vmem>>
      %dma_start3A_60 = arith.constant 0 : i32
      %dma_start3A_61 = tpu.memref_slice %arg4[%run_scoped3A_23, %mul3A_2, %dma_start3A_60] : memref<2x2048x128xf32, #tpu.memory_space<hbm>> -> memref<1x64x128xf32, #tpu.memory_space<hbm>>
      %dma_start3A_62 = tpu.memref_squeeze %dma_start3A_61 : memref<1x64x128xf32, #tpu.memory_space<hbm>> -> memref<64x128xf32, #tpu.memory_space<hbm>>
      %dma_start3A_63 = arith.constant 0 : i32
      %dma_start3A_64 = arith.constant 768 : i32
      %dma_start3A_65 = tpu.memref_slice %arg6[%dma_start3A_63, %dma_start3A_64] : memref<64x896xf32, #tpu.memory_space<vmem>> -> memref<64x128xf32, #tpu.memory_space<vmem>>
      %dma_start3A_66 = arith.constant 0 : i32
      %dma_start3A_67 = tpu.memref_slice %arg4[%run_scoped3A_23, %mul3A_2, %dma_start3A_66] : memref<2x2048x128xf32, #tpu.memory_space<hbm>> -> memref<1x64x128xf32, #tpu.memory_space<hbm>>
      %dma_start3A_68 = tpu.memref_squeeze %dma_start3A_67 : memref<1x64x128xf32, #tpu.memory_space<hbm>> -> memref<64x128xf32, #tpu.memory_space<hbm>>
      tpu.enqueue_dma source(%dma_start3A_68 : memref<64x128xf32, #tpu.memory_space<hbm>>) target(%dma_start3A_65 : memref<64x128xf32, #tpu.memory_space<vmem>>) target_semaphore(%run_scoped3A_56 : memref<!tpu.dma_semaphore, #tpu.memory_space<semaphore_mem>>)
      %dma_wait3A_69 = arith.constant 0 : i32
      %dma_wait3A_70 = arith.constant 768 : i32
      %dma_wait3A_71 = tpu.memref_slice %arg6[%dma_wait3A_69, %dma_wait3A_70] : memref<64x896xf32, #tpu.memory_space<vmem>> -> memref<64x128xf32, #tpu.memory_space<vmem>>
      %dma_wait3A_72 = arith.constant 0 : i32
      %dma_wait3A_73 = tpu.memref_slice %arg4[%run_scoped3A_23, %mul3A_2, %dma_wait3A_72] : memref<2x2048x128xf32, #tpu.memory_space<hbm>> -> memref<1x64x128xf32, #tpu.memory_space<hbm>>
      %dma_wait3A_74 = tpu.memref_squeeze %dma_wait3A_73 : memref<1x64x128xf32, #tpu.memory_space<hbm>> -> memref<64x128xf32, #tpu.memory_space<hbm>>
      %dma_wait3A_75 = arith.constant 0 : i32
      %dma_wait3A_76 = arith.constant 768 : i32
      %dma_wait3A_77 = tpu.memref_slice %arg6[%dma_wait3A_75, %dma_wait3A_76] : memref<64x896xf32, #tpu.memory_space<vmem>> -> memref<64x128xf32, #tpu.memory_space<vmem>>
      %dma_wait3A_78 = arith.constant 0 : i32
      %dma_wait3A_79 = tpu.memref_slice %arg4[%run_scoped3A_23, %mul3A_2, %dma_wait3A_78] : memref<2x2048x128xf32, #tpu.memory_space<hbm>> -> memref<1x64x128xf32, #tpu.memory_space<hbm>>
      %dma_wait3A_80 = tpu.memref_squeeze %dma_wait3A_79 : memref<1x64x128xf32, #tpu.memory_space<hbm>> -> memref<64x128xf32, #tpu.memory_space<hbm>>
      tpu.wait_dma2 semaphore(%run_scoped3A_56 : memref<!tpu.dma_semaphore, #tpu.memory_space<semaphore_mem>>) src(%dma_wait3A_80 : memref<64x128xf32, #tpu.memory_space<hbm>>) dst(%dma_wait3A_77 : memref<64x128xf32, #tpu.memory_space<vmem>>)
      tpu.yield
    }) : () -> ()
    %run_scoped3A_24 = arith.constant 1 : i32
    "tpu.region"() ({
      %run_scoped3A_56 = tpu.sem_alloc : memref<!tpu.dma_semaphore, #tpu.memory_space<semaphore_mem>>
      %dma_start3A_57 = arith.constant 0 : i32
      %dma_start3A_58 = arith.constant 768 : i32
      %dma_start3A_59 = tpu.memref_slice %arg7[%dma_start3A_57, %dma_start3A_58] : memref<64x896xf32, #tpu.memory_space<vmem>> -> memref<64x128xf32, #tpu.memory_space<vmem>>
      %dma_start3A_60 = arith.constant 0 : i32
      %dma_start3A_61 = tpu.memref_slice %arg4[%run_scoped3A_24, %mul3A_2, %dma_start3A_60] : memref<2x2048x128xf32, #tpu.memory_space<hbm>> -> memref<1x64x128xf32, #tpu.memory_space<hbm>>
      %dma_start3A_62 = tpu.memref_squeeze %dma_start3A_61 : memref<1x64x128xf32, #tpu.memory_space<hbm>> -> memref<64x128xf32, #tpu.memory_space<hbm>>
      %dma_start3A_63 = arith.constant 0 : i32
      %dma_start3A_64 = arith.constant 768 : i32
      %dma_start3A_65 = tpu.memref_slice %arg7[%dma_start3A_63, %dma_start3A_64] : memref<64x896xf32, #tpu.memory_space<vmem>> -> memref<64x128xf32, #tpu.memory_space<vmem>>
      %dma_start3A_66 = arith.constant 0 : i32
      %dma_start3A_67 = tpu.memref_slice %arg4[%run_scoped3A_24, %mul3A_2, %dma_start3A_66] : memref<2x2048x128xf32, #tpu.memory_space<hbm>> -> memref<1x64x128xf32, #tpu.memory_space<hbm>>
      %dma_start3A_68 = tpu.memref_squeeze %dma_start3A_67 : memref<1x64x128xf32, #tpu.memory_space<hbm>> -> memref<64x128xf32, #tpu.memory_space<hbm>>
      tpu.enqueue_dma source(%dma_start3A_68 : memref<64x128xf32, #tpu.memory_space<hbm>>) target(%dma_start3A_65 : memref<64x128xf32, #tpu.memory_space<vmem>>) target_semaphore(%run_scoped3A_56 : memref<!tpu.dma_semaphore, #tpu.memory_space<semaphore_mem>>)
      %dma_wait3A_69 = arith.constant 0 : i32
      %dma_wait3A_70 = arith.constant 768 : i32
      %dma_wait3A_71 = tpu.memref_slice %arg7[%dma_wait3A_69, %dma_wait3A_70] : memref<64x896xf32, #tpu.memory_space<vmem>> -> memref<64x128xf32, #tpu.memory_space<vmem>>
      %dma_wait3A_72 = arith.constant 0 : i32
      %dma_wait3A_73 = tpu.memref_slice %arg4[%run_scoped3A_24, %mul3A_2, %dma_wait3A_72] : memref<2x2048x128xf32, #tpu.memory_space<hbm>> -> memref<1x64x128xf32, #tpu.memory_space<hbm>>
      %dma_wait3A_74 = tpu.memref_squeeze %dma_wait3A_73 : memref<1x64x128xf32, #tpu.memory_space<hbm>> -> memref<64x128xf32, #tpu.memory_space<hbm>>
      %dma_wait3A_75 = arith.constant 0 : i32
      %dma_wait3A_76 = arith.constant 768 : i32
      %dma_wait3A_77 = tpu.memref_slice %arg7[%dma_wait3A_75, %dma_wait3A_76] : memref<64x896xf32, #tpu.memory_space<vmem>> -> memref<64x128xf32, #tpu.memory_space<vmem>>
      %dma_wait3A_78 = arith.constant 0 : i32
      %dma_wait3A_79 = tpu.memref_slice %arg4[%run_scoped3A_24, %mul3A_2, %dma_wait3A_78] : memref<2x2048x128xf32, #tpu.memory_space<hbm>> -> memref<1x64x128xf32, #tpu.memory_space<hbm>>
      %dma_wait3A_80 = tpu.memref_squeeze %dma_wait3A_79 : memref<1x64x128xf32, #tpu.memory_space<hbm>> -> memref<64x128xf32, #tpu.memory_space<hbm>>
      tpu.wait_dma2 semaphore(%run_scoped3A_56 : memref<!tpu.dma_semaphore, #tpu.memory_space<semaphore_mem>>) src(%dma_wait3A_80 : memref<64x128xf32, #tpu.memory_space<hbm>>) dst(%dma_wait3A_77 : memref<64x128xf32, #tpu.memory_space<vmem>>)
      tpu.yield
    }) : () -> ()
    %dma_wait3A = arith.constant 0 : i32
    %dma_wait3A_25 = arith.constant 0 : i32
    %dma_wait3A_26 = tpu.memref_slice %arg6[%dma_wait3A, %dma_wait3A_25] : memref<64x896xf32, #tpu.memory_space<vmem>> -> memref<64x768xf32, #tpu.memory_space<vmem>>
    %dma_wait3A_27 = arith.constant 0 : i32
    %dma_wait3A_28 = tpu.memref_slice %arg2[%mul3A_2, %dma_wait3A_27] : memref<2048x768xf32, #tpu.memory_space<hbm>> -> memref<64x768xf32, #tpu.memory_space<hbm>>
    %dma_wait3A_29 = arith.constant 0 : i32
    %dma_wait3A_30 = arith.constant 0 : i32
    %dma_wait3A_31 = tpu.memref_slice %arg6[%dma_wait3A_29, %dma_wait3A_30] : memref<64x896xf32, #tpu.memory_space<vmem>> -> memref<64x768xf32, #tpu.memory_space<vmem>>
    %dma_wait3A_32 = arith.constant 0 : i32
    %dma_wait3A_33 = tpu.memref_slice %arg2[%mul3A_2, %dma_wait3A_32] : memref<2048x768xf32, #tpu.memory_space<hbm>> -> memref<64x768xf32, #tpu.memory_space<hbm>>
    tpu.wait_dma2 semaphore(%arg10 : memref<!tpu.dma_semaphore, #tpu.memory_space<semaphore_mem>>) src(%dma_wait3A_33 : memref<64x768xf32, #tpu.memory_space<hbm>>) dst(%dma_wait3A_31 : memref<64x768xf32, #tpu.memory_space<vmem>>)
    %dma_wait3A_34 = arith.constant 0 : i32
    %dma_wait3A_35 = arith.constant 0 : i32
    %dma_wait3A_36 = tpu.memref_slice %arg7[%dma_wait3A_34, %dma_wait3A_35] : memref<64x896xf32, #tpu.memory_space<vmem>> -> memref<64x768xf32, #tpu.memory_space<vmem>>
    %dma_wait3A_37 = arith.constant 0 : i32
    %dma_wait3A_38 = tpu.memref_slice %arg2[%mul3A_2, %dma_wait3A_37] : memref<2048x768xf32, #tpu.memory_space<hbm>> -> memref<64x768xf32, #tpu.memory_space<hbm>>
    %dma_wait3A_39 = arith.constant 0 : i32
    %dma_wait3A_40 = arith.constant 0 : i32
    %dma_wait3A_41 = tpu.memref_slice %arg7[%dma_wait3A_39, %dma_wait3A_40] : memref<64x896xf32, #tpu.memory_space<vmem>> -> memref<64x768xf32, #tpu.memory_space<vmem>>
    %dma_wait3A_42 = arith.constant 0 : i32
    %dma_wait3A_43 = tpu.memref_slice %arg2[%mul3A_2, %dma_wait3A_42] : memref<2048x768xf32, #tpu.memory_space<hbm>> -> memref<64x768xf32, #tpu.memory_space<hbm>>
    tpu.wait_dma2 semaphore(%arg11 : memref<!tpu.dma_semaphore, #tpu.memory_space<semaphore_mem>>) src(%dma_wait3A_43 : memref<64x768xf32, #tpu.memory_space<hbm>>) dst(%dma_wait3A_41 : memref<64x768xf32, #tpu.memory_space<vmem>>)
    %dma_start3A_44 = arith.constant 0 : i32
    %dma_start3A_45 = arith.constant 0 : i32
    %dma_start3A_46 = tpu.memref_slice %arg5[%dma_start3A_44, %dma_start3A_45] : memref<4672x896xf32, #tpu.memory_space<hbm>> -> memref<4672x896xf32, #tpu.memory_space<hbm>>
    tpu.enqueue_indirect_dma source(%arg6 : memref<64x896xf32, #tpu.memory_space<vmem>>) target(%dma_start3A_46 : memref<4672x896xf32, #tpu.memory_space<hbm>>) offsets(%arg8 : memref<64xi32, #tpu.memory_space<vmem>>) semaphore(%arg10 : memref<!tpu.dma_semaphore, #tpu.memory_space<semaphore_mem>>)
    %dma_start3A_47 = arith.constant 0 : i32
    %dma_start3A_48 = arith.constant 0 : i32
    %dma_start3A_49 = tpu.memref_slice %arg5[%dma_start3A_47, %dma_start3A_48] : memref<4672x896xf32, #tpu.memory_space<hbm>> -> memref<4672x896xf32, #tpu.memory_space<hbm>>
    tpu.enqueue_indirect_dma source(%arg7 : memref<64x896xf32, #tpu.memory_space<vmem>>) target(%dma_start3A_49 : memref<4672x896xf32, #tpu.memory_space<hbm>>) offsets(%arg9 : memref<64xi32, #tpu.memory_space<vmem>>) semaphore(%arg11 : memref<!tpu.dma_semaphore, #tpu.memory_space<semaphore_mem>>)
    %dma_wait3A_50 = arith.constant 0 : i32
    %dma_wait3A_51 = arith.constant 0 : i32
    %dma_wait3A_52 = tpu.memref_slice %arg5[%dma_wait3A_50, %dma_wait3A_51] : memref<4672x896xf32, #tpu.memory_space<hbm>> -> memref<4672x896xf32, #tpu.memory_space<hbm>>
    tpu.wait_indirect_dma semaphore(%arg10 : memref<!tpu.dma_semaphore, #tpu.memory_space<semaphore_mem>>) src(%arg6 : memref<64x896xf32, #tpu.memory_space<vmem>>) dst(%dma_wait3A_52 : memref<4672x896xf32, #tpu.memory_space<hbm>>)
    %dma_wait3A_53 = arith.constant 0 : i32
    %dma_wait3A_54 = arith.constant 0 : i32
    %dma_wait3A_55 = tpu.memref_slice %arg5[%dma_wait3A_53, %dma_wait3A_54] : memref<4672x896xf32, #tpu.memory_space<hbm>> -> memref<4672x896xf32, #tpu.memory_space<hbm>>
    tpu.wait_indirect_dma semaphore(%arg11 : memref<!tpu.dma_semaphore, #tpu.memory_space<semaphore_mem>>) src(%arg7 : memref<64x896xf32, #tpu.memory_space<vmem>>) dst(%dma_wait3A_55 : memref<4672x896xf32, #tpu.memory_space<hbm>>)
    return
  }
}

module attributes {stable_mosaic.version = 14 : i64} {
  func.func @_router_body(%arg0: memref<2048x768xf32, #tpu.memory_space<vmem>>, %arg1: memref<64x768xf32, #tpu.memory_space<vmem>>, %arg2: memref<2048x2xi32, #tpu.memory_space<vmem>>, %arg3: memref<2048x2xf32, #tpu.memory_space<vmem>>, %arg4: memref<2x64xi32, #tpu.memory_space<vmem>>, %arg5: memref<1x1xf32, #tpu.memory_space<vmem>>) attributes {dimension_semantics = [], scalar_prefetch = 0 : i64, scratch_operands = 0 : i64, tpu.core_type = #tpu.core_type<tc>} {
    %get3A = arith.constant 0 : index
    %get3A_0 = arith.constant 0 : index
    %get3A_1 = vector.load %arg0[%get3A, %get3A_0] : memref<2048x768xf32, #tpu.memory_space<vmem>>, vector<2048x768xf32>
    %get3A_2 = arith.constant 0 : index
    %get3A_3 = arith.constant 0 : index
    %get3A_4 = vector.load %arg1[%get3A_2, %get3A_3] : memref<64x768xf32, #tpu.memory_space<vmem>>, vector<64x768xf32>
    %dot_general3A = arith.constant dense<0.000000e+00> : vector<2048x64xf32>
    %dot_general3A_5 = tpu.matmul %get3A_1, %get3A_4, %dot_general3A {dimension_numbers = #tpu.dot_dimension_numbers<[1], [1], [0], [0], [0, 0, 1, 0], [], []>, transpose_lhs_hint = false} : vector<2048x768xf32>, vector<64x768xf32>, vector<2048x64xf32> -> vector<2048x64xf32>
    %reduce_max3A = arith.constant dense<0xFF800000> : vector<2048xf32>
    %reduce_max3A_6 = vector.multi_reduction <maximumf>, %dot_general3A_5, %reduce_max3A [1] : vector<2048x64xf32> to vector<2048xf32>
    %broadcast_in_dim3A = vector.shape_cast %reduce_max3A_6 : vector<2048xf32> to vector<2048x1xf32>
    %sub3A = vector.broadcast %broadcast_in_dim3A : vector<2048x1xf32> to vector<2048x64xf32>
    %sub3A_7 = arith.subf %dot_general3A_5, %sub3A : vector<2048x64xf32>
    %exp3A = math.exp %sub3A_7 : vector<2048x64xf32>
    %reduce_sum3A = arith.constant dense<0.000000e+00> : vector<2048xf32>
    %reduce_sum3A_8 = vector.multi_reduction <add>, %exp3A, %reduce_sum3A [1] : vector<2048x64xf32> to vector<2048xf32>
    %broadcast_in_dim3A_9 = vector.shape_cast %reduce_sum3A_8 : vector<2048xf32> to vector<2048x1xf32>
    %div3A = vector.broadcast %broadcast_in_dim3A_9 : vector<2048x1xf32> to vector<2048x64xf32>
    %div3A_10 = arith.divf %exp3A, %div3A : vector<2048x64xf32>
    %iota3A = tpu.iota {dimensions = array<i32: 1>} : vector<2048x64xi32>
    %reduce_max3A_11 = arith.constant dense<0xFF800000> : vector<2048xf32>
    %reduce_max3A_12 = vector.multi_reduction <maximumf>, %div3A_10, %reduce_max3A_11 [1] : vector<2048x64xf32> to vector<2048xf32>
    %broadcast_in_dim3A_13 = vector.shape_cast %reduce_max3A_12 : vector<2048xf32> to vector<2048x1xf32>
    %eq3A = vector.broadcast %broadcast_in_dim3A_13 : vector<2048x1xf32> to vector<2048x64xf32>
    %eq3A_14 = arith.cmpf oeq, %div3A_10, %eq3A : vector<2048x64xf32>
    %jit3A = arith.constant 64 : i32
    %broadcast_in_dim3A_15 = vector.broadcast %jit3A : i32 to vector<2048x64xi32>
    %select_n3A = arith.select %eq3A_14, %iota3A, %broadcast_in_dim3A_15 : vector<2048x64xi1>, vector<2048x64xi32>
    %reduce_min3A = arith.constant dense<2147483647> : vector<2048xi32>
    %reduce_min3A_16 = vector.multi_reduction <minsi>, %select_n3A, %reduce_min3A [1] : vector<2048x64xi32> to vector<2048xi32>
    %broadcast_in_dim3A_17 = vector.shape_cast %reduce_min3A_16 : vector<2048xi32> to vector<2048x1xi32>
    %eq3A_18 = vector.broadcast %broadcast_in_dim3A_17 : vector<2048x1xi32> to vector<2048x64xi32>
    %eq3A_19 = arith.cmpi eq, %iota3A, %eq3A_18 : vector<2048x64xi32>
    %jit3A_20 = arith.constant -1.000000e+00 : f32
    %broadcast_in_dim3A_21 = vector.broadcast %jit3A_20 : f32 to vector<2048x64xf32>
    %select_n3A_22 = arith.select %eq3A_19, %broadcast_in_dim3A_21, %div3A_10 : vector<2048x64xi1>, vector<2048x64xf32>
    %reduce_max3A_23 = arith.constant dense<0xFF800000> : vector<2048xf32>
    %reduce_max3A_24 = vector.multi_reduction <maximumf>, %select_n3A_22, %reduce_max3A_23 [1] : vector<2048x64xf32> to vector<2048xf32>
    %broadcast_in_dim3A_25 = vector.shape_cast %reduce_max3A_24 : vector<2048xf32> to vector<2048x1xf32>
    %eq3A_26 = vector.broadcast %broadcast_in_dim3A_25 : vector<2048x1xf32> to vector<2048x64xf32>
    %eq3A_27 = arith.cmpf oeq, %select_n3A_22, %eq3A_26 : vector<2048x64xf32>
    %jit3A_28 = arith.constant 64 : i32
    %broadcast_in_dim3A_29 = vector.broadcast %jit3A_28 : i32 to vector<2048x64xi32>
    %select_n3A_30 = arith.select %eq3A_27, %iota3A, %broadcast_in_dim3A_29 : vector<2048x64xi1>, vector<2048x64xi32>
    %reduce_min3A_31 = arith.constant dense<2147483647> : vector<2048xi32>
    %reduce_min3A_32 = vector.multi_reduction <minsi>, %select_n3A_30, %reduce_min3A_31 [1] : vector<2048x64xi32> to vector<2048xi32>
    %broadcast_in_dim3A_33 = vector.shape_cast %reduce_min3A_32 : vector<2048xi32> to vector<2048x1xi32>
    %eq3A_34 = vector.broadcast %broadcast_in_dim3A_33 : vector<2048x1xi32> to vector<2048x64xi32>
    %eq3A_35 = arith.cmpi eq, %iota3A, %eq3A_34 : vector<2048x64xi32>
    %add3A = arith.addf %broadcast_in_dim3A_13, %broadcast_in_dim3A_25 : vector<2048x1xf32>
    %div3A_36 = arith.divf %broadcast_in_dim3A_13, %add3A : vector<2048x1xf32>
    %div3A_37 = arith.divf %broadcast_in_dim3A_25, %add3A : vector<2048x1xf32>
    %convert_element_type3A = arith.extui %eq3A_19 : vector<2048x64xi1> to vector<2048x64xi32>
    %convert_element_type3A_38 = arith.sitofp %convert_element_type3A : vector<2048x64xi32> to vector<2048x64xf32>
    %convert_element_type3A_39 = arith.extui %eq3A_35 : vector<2048x64xi1> to vector<2048x64xi32>
    %convert_element_type3A_40 = arith.sitofp %convert_element_type3A_39 : vector<2048x64xi32> to vector<2048x64xf32>
    %add3A_41 = arith.addf %convert_element_type3A_38, %convert_element_type3A_40 : vector<2048x64xf32>
    %iota3A_42 = tpu.iota {dimensions = array<i32: 0>} : vector<128x128xi32>
    %iota3A_43 = tpu.iota {dimensions = array<i32: 1>} : vector<128x128xi32>
    %lt3A = arith.cmpi slt, %iota3A_43, %iota3A_42 : vector<128x128xi32>
    %convert_element_type3A_44 = arith.extui %lt3A : vector<128x128xi1> to vector<128x128xi32>
    %convert_element_type3A_45 = arith.sitofp %convert_element_type3A_44 : vector<128x128xi32> to vector<128x128xf32>
    %broadcast_in_dim3A_46 = arith.constant 0.000000e+00 : f32
    %broadcast_in_dim3A_47 = vector.broadcast %broadcast_in_dim3A_46 : f32 to vector<1x64xf32>
    %slice3A = vector.extract_strided_slice %add3A_41 {offsets = [0, 0], sizes = [128, 64], strides = [1, 1]} : vector<2048x64xf32> to vector<128x64xf32>
    %dot_general3A_48 = arith.constant dense<0.000000e+00> : vector<128x64xf32>
    %dot_general3A_49 = tpu.matmul %convert_element_type3A_45, %slice3A, %dot_general3A_48 {dimension_numbers = #tpu.dot_dimension_numbers<[1], [0], [0], [1], [0, 0, 1, 1], [], []>, transpose_lhs_hint = false} : vector<128x128xf32>, vector<128x64xf32>, vector<128x64xf32> -> vector<128x64xf32>
    %add3A_50 = vector.broadcast %broadcast_in_dim3A_47 : vector<1x64xf32> to vector<128x64xf32>
    %add3A_51 = arith.addf %dot_general3A_49, %add3A_50 : vector<128x64xf32>
    %reduce_sum3A_52 = arith.constant dense<0.000000e+00> : vector<64xf32>
    %reduce_sum3A_53 = vector.multi_reduction <add>, %slice3A, %reduce_sum3A_52 [0] : vector<128x64xf32> to vector<64xf32>
    %broadcast_in_dim3A_54 = vector.shape_cast %reduce_sum3A_53 : vector<64xf32> to vector<1x64xf32>
    %add3A_55 = arith.addf %broadcast_in_dim3A_47, %broadcast_in_dim3A_54 : vector<1x64xf32>
    %slice3A_56 = vector.extract_strided_slice %add3A_41 {offsets = [128, 0], sizes = [128, 64], strides = [1, 1]} : vector<2048x64xf32> to vector<128x64xf32>
    %dot_general3A_57 = arith.constant dense<0.000000e+00> : vector<128x64xf32>
    %dot_general3A_58 = tpu.matmul %convert_element_type3A_45, %slice3A_56, %dot_general3A_57 {dimension_numbers = #tpu.dot_dimension_numbers<[1], [0], [0], [1], [0, 0, 1, 1], [], []>, transpose_lhs_hint = false} : vector<128x128xf32>, vector<128x64xf32>, vector<128x64xf32> -> vector<128x64xf32>
    %add3A_59 = vector.broadcast %add3A_55 : vector<1x64xf32> to vector<128x64xf32>
    %add3A_60 = arith.addf %dot_general3A_58, %add3A_59 : vector<128x64xf32>
    %reduce_sum3A_61 = arith.constant dense<0.000000e+00> : vector<64xf32>
    %reduce_sum3A_62 = vector.multi_reduction <add>, %slice3A_56, %reduce_sum3A_61 [0] : vector<128x64xf32> to vector<64xf32>
    %broadcast_in_dim3A_63 = vector.shape_cast %reduce_sum3A_62 : vector<64xf32> to vector<1x64xf32>
    %add3A_64 = arith.addf %add3A_55, %broadcast_in_dim3A_63 : vector<1x64xf32>
    %slice3A_65 = vector.extract_strided_slice %add3A_41 {offsets = [256, 0], sizes = [128, 64], strides = [1, 1]} : vector<2048x64xf32> to vector<128x64xf32>
    %dot_general3A_66 = arith.constant dense<0.000000e+00> : vector<128x64xf32>
    %dot_general3A_67 = tpu.matmul %convert_element_type3A_45, %slice3A_65, %dot_general3A_66 {dimension_numbers = #tpu.dot_dimension_numbers<[1], [0], [0], [1], [0, 0, 1, 1], [], []>, transpose_lhs_hint = false} : vector<128x128xf32>, vector<128x64xf32>, vector<128x64xf32> -> vector<128x64xf32>
    %add3A_68 = vector.broadcast %add3A_64 : vector<1x64xf32> to vector<128x64xf32>
    %add3A_69 = arith.addf %dot_general3A_67, %add3A_68 : vector<128x64xf32>
    %reduce_sum3A_70 = arith.constant dense<0.000000e+00> : vector<64xf32>
    %reduce_sum3A_71 = vector.multi_reduction <add>, %slice3A_65, %reduce_sum3A_70 [0] : vector<128x64xf32> to vector<64xf32>
    %broadcast_in_dim3A_72 = vector.shape_cast %reduce_sum3A_71 : vector<64xf32> to vector<1x64xf32>
    %add3A_73 = arith.addf %add3A_64, %broadcast_in_dim3A_72 : vector<1x64xf32>
    %slice3A_74 = vector.extract_strided_slice %add3A_41 {offsets = [384, 0], sizes = [128, 64], strides = [1, 1]} : vector<2048x64xf32> to vector<128x64xf32>
    %dot_general3A_75 = arith.constant dense<0.000000e+00> : vector<128x64xf32>
    %dot_general3A_76 = tpu.matmul %convert_element_type3A_45, %slice3A_74, %dot_general3A_75 {dimension_numbers = #tpu.dot_dimension_numbers<[1], [0], [0], [1], [0, 0, 1, 1], [], []>, transpose_lhs_hint = false} : vector<128x128xf32>, vector<128x64xf32>, vector<128x64xf32> -> vector<128x64xf32>
    %add3A_77 = vector.broadcast %add3A_73 : vector<1x64xf32> to vector<128x64xf32>
    %add3A_78 = arith.addf %dot_general3A_76, %add3A_77 : vector<128x64xf32>
    %reduce_sum3A_79 = arith.constant dense<0.000000e+00> : vector<64xf32>
    %reduce_sum3A_80 = vector.multi_reduction <add>, %slice3A_74, %reduce_sum3A_79 [0] : vector<128x64xf32> to vector<64xf32>
    %broadcast_in_dim3A_81 = vector.shape_cast %reduce_sum3A_80 : vector<64xf32> to vector<1x64xf32>
    %add3A_82 = arith.addf %add3A_73, %broadcast_in_dim3A_81 : vector<1x64xf32>
    %slice3A_83 = vector.extract_strided_slice %add3A_41 {offsets = [512, 0], sizes = [128, 64], strides = [1, 1]} : vector<2048x64xf32> to vector<128x64xf32>
    %dot_general3A_84 = arith.constant dense<0.000000e+00> : vector<128x64xf32>
    %dot_general3A_85 = tpu.matmul %convert_element_type3A_45, %slice3A_83, %dot_general3A_84 {dimension_numbers = #tpu.dot_dimension_numbers<[1], [0], [0], [1], [0, 0, 1, 1], [], []>, transpose_lhs_hint = false} : vector<128x128xf32>, vector<128x64xf32>, vector<128x64xf32> -> vector<128x64xf32>
    %add3A_86 = vector.broadcast %add3A_82 : vector<1x64xf32> to vector<128x64xf32>
    %add3A_87 = arith.addf %dot_general3A_85, %add3A_86 : vector<128x64xf32>
    %reduce_sum3A_88 = arith.constant dense<0.000000e+00> : vector<64xf32>
    %reduce_sum3A_89 = vector.multi_reduction <add>, %slice3A_83, %reduce_sum3A_88 [0] : vector<128x64xf32> to vector<64xf32>
    %broadcast_in_dim3A_90 = vector.shape_cast %reduce_sum3A_89 : vector<64xf32> to vector<1x64xf32>
    %add3A_91 = arith.addf %add3A_82, %broadcast_in_dim3A_90 : vector<1x64xf32>
    %slice3A_92 = vector.extract_strided_slice %add3A_41 {offsets = [640, 0], sizes = [128, 64], strides = [1, 1]} : vector<2048x64xf32> to vector<128x64xf32>
    %dot_general3A_93 = arith.constant dense<0.000000e+00> : vector<128x64xf32>
    %dot_general3A_94 = tpu.matmul %convert_element_type3A_45, %slice3A_92, %dot_general3A_93 {dimension_numbers = #tpu.dot_dimension_numbers<[1], [0], [0], [1], [0, 0, 1, 1], [], []>, transpose_lhs_hint = false} : vector<128x128xf32>, vector<128x64xf32>, vector<128x64xf32> -> vector<128x64xf32>
    %add3A_95 = vector.broadcast %add3A_91 : vector<1x64xf32> to vector<128x64xf32>
    %add3A_96 = arith.addf %dot_general3A_94, %add3A_95 : vector<128x64xf32>
    %reduce_sum3A_97 = arith.constant dense<0.000000e+00> : vector<64xf32>
    %reduce_sum3A_98 = vector.multi_reduction <add>, %slice3A_92, %reduce_sum3A_97 [0] : vector<128x64xf32> to vector<64xf32>
    %broadcast_in_dim3A_99 = vector.shape_cast %reduce_sum3A_98 : vector<64xf32> to vector<1x64xf32>
    %add3A_100 = arith.addf %add3A_91, %broadcast_in_dim3A_99 : vector<1x64xf32>
    %slice3A_101 = vector.extract_strided_slice %add3A_41 {offsets = [768, 0], sizes = [128, 64], strides = [1, 1]} : vector<2048x64xf32> to vector<128x64xf32>
    %dot_general3A_102 = arith.constant dense<0.000000e+00> : vector<128x64xf32>
    %dot_general3A_103 = tpu.matmul %convert_element_type3A_45, %slice3A_101, %dot_general3A_102 {dimension_numbers = #tpu.dot_dimension_numbers<[1], [0], [0], [1], [0, 0, 1, 1], [], []>, transpose_lhs_hint = false} : vector<128x128xf32>, vector<128x64xf32>, vector<128x64xf32> -> vector<128x64xf32>
    %add3A_104 = vector.broadcast %add3A_100 : vector<1x64xf32> to vector<128x64xf32>
    %add3A_105 = arith.addf %dot_general3A_103, %add3A_104 : vector<128x64xf32>
    %reduce_sum3A_106 = arith.constant dense<0.000000e+00> : vector<64xf32>
    %reduce_sum3A_107 = vector.multi_reduction <add>, %slice3A_101, %reduce_sum3A_106 [0] : vector<128x64xf32> to vector<64xf32>
    %broadcast_in_dim3A_108 = vector.shape_cast %reduce_sum3A_107 : vector<64xf32> to vector<1x64xf32>
    %add3A_109 = arith.addf %add3A_100, %broadcast_in_dim3A_108 : vector<1x64xf32>
    %slice3A_110 = vector.extract_strided_slice %add3A_41 {offsets = [896, 0], sizes = [128, 64], strides = [1, 1]} : vector<2048x64xf32> to vector<128x64xf32>
    %dot_general3A_111 = arith.constant dense<0.000000e+00> : vector<128x64xf32>
    %dot_general3A_112 = tpu.matmul %convert_element_type3A_45, %slice3A_110, %dot_general3A_111 {dimension_numbers = #tpu.dot_dimension_numbers<[1], [0], [0], [1], [0, 0, 1, 1], [], []>, transpose_lhs_hint = false} : vector<128x128xf32>, vector<128x64xf32>, vector<128x64xf32> -> vector<128x64xf32>
    %add3A_113 = vector.broadcast %add3A_109 : vector<1x64xf32> to vector<128x64xf32>
    %add3A_114 = arith.addf %dot_general3A_112, %add3A_113 : vector<128x64xf32>
    %reduce_sum3A_115 = arith.constant dense<0.000000e+00> : vector<64xf32>
    %reduce_sum3A_116 = vector.multi_reduction <add>, %slice3A_110, %reduce_sum3A_115 [0] : vector<128x64xf32> to vector<64xf32>
    %broadcast_in_dim3A_117 = vector.shape_cast %reduce_sum3A_116 : vector<64xf32> to vector<1x64xf32>
    %add3A_118 = arith.addf %add3A_109, %broadcast_in_dim3A_117 : vector<1x64xf32>
    %slice3A_119 = vector.extract_strided_slice %add3A_41 {offsets = [1024, 0], sizes = [128, 64], strides = [1, 1]} : vector<2048x64xf32> to vector<128x64xf32>
    %dot_general3A_120 = arith.constant dense<0.000000e+00> : vector<128x64xf32>
    %dot_general3A_121 = tpu.matmul %convert_element_type3A_45, %slice3A_119, %dot_general3A_120 {dimension_numbers = #tpu.dot_dimension_numbers<[1], [0], [0], [1], [0, 0, 1, 1], [], []>, transpose_lhs_hint = false} : vector<128x128xf32>, vector<128x64xf32>, vector<128x64xf32> -> vector<128x64xf32>
    %add3A_122 = vector.broadcast %add3A_118 : vector<1x64xf32> to vector<128x64xf32>
    %add3A_123 = arith.addf %dot_general3A_121, %add3A_122 : vector<128x64xf32>
    %reduce_sum3A_124 = arith.constant dense<0.000000e+00> : vector<64xf32>
    %reduce_sum3A_125 = vector.multi_reduction <add>, %slice3A_119, %reduce_sum3A_124 [0] : vector<128x64xf32> to vector<64xf32>
    %broadcast_in_dim3A_126 = vector.shape_cast %reduce_sum3A_125 : vector<64xf32> to vector<1x64xf32>
    %add3A_127 = arith.addf %add3A_118, %broadcast_in_dim3A_126 : vector<1x64xf32>
    %slice3A_128 = vector.extract_strided_slice %add3A_41 {offsets = [1152, 0], sizes = [128, 64], strides = [1, 1]} : vector<2048x64xf32> to vector<128x64xf32>
    %dot_general3A_129 = arith.constant dense<0.000000e+00> : vector<128x64xf32>
    %dot_general3A_130 = tpu.matmul %convert_element_type3A_45, %slice3A_128, %dot_general3A_129 {dimension_numbers = #tpu.dot_dimension_numbers<[1], [0], [0], [1], [0, 0, 1, 1], [], []>, transpose_lhs_hint = false} : vector<128x128xf32>, vector<128x64xf32>, vector<128x64xf32> -> vector<128x64xf32>
    %add3A_131 = vector.broadcast %add3A_127 : vector<1x64xf32> to vector<128x64xf32>
    %add3A_132 = arith.addf %dot_general3A_130, %add3A_131 : vector<128x64xf32>
    %reduce_sum3A_133 = arith.constant dense<0.000000e+00> : vector<64xf32>
    %reduce_sum3A_134 = vector.multi_reduction <add>, %slice3A_128, %reduce_sum3A_133 [0] : vector<128x64xf32> to vector<64xf32>
    %broadcast_in_dim3A_135 = vector.shape_cast %reduce_sum3A_134 : vector<64xf32> to vector<1x64xf32>
    %add3A_136 = arith.addf %add3A_127, %broadcast_in_dim3A_135 : vector<1x64xf32>
    %slice3A_137 = vector.extract_strided_slice %add3A_41 {offsets = [1280, 0], sizes = [128, 64], strides = [1, 1]} : vector<2048x64xf32> to vector<128x64xf32>
    %dot_general3A_138 = arith.constant dense<0.000000e+00> : vector<128x64xf32>
    %dot_general3A_139 = tpu.matmul %convert_element_type3A_45, %slice3A_137, %dot_general3A_138 {dimension_numbers = #tpu.dot_dimension_numbers<[1], [0], [0], [1], [0, 0, 1, 1], [], []>, transpose_lhs_hint = false} : vector<128x128xf32>, vector<128x64xf32>, vector<128x64xf32> -> vector<128x64xf32>
    %add3A_140 = vector.broadcast %add3A_136 : vector<1x64xf32> to vector<128x64xf32>
    %add3A_141 = arith.addf %dot_general3A_139, %add3A_140 : vector<128x64xf32>
    %reduce_sum3A_142 = arith.constant dense<0.000000e+00> : vector<64xf32>
    %reduce_sum3A_143 = vector.multi_reduction <add>, %slice3A_137, %reduce_sum3A_142 [0] : vector<128x64xf32> to vector<64xf32>
    %broadcast_in_dim3A_144 = vector.shape_cast %reduce_sum3A_143 : vector<64xf32> to vector<1x64xf32>
    %add3A_145 = arith.addf %add3A_136, %broadcast_in_dim3A_144 : vector<1x64xf32>
    %slice3A_146 = vector.extract_strided_slice %add3A_41 {offsets = [1408, 0], sizes = [128, 64], strides = [1, 1]} : vector<2048x64xf32> to vector<128x64xf32>
    %dot_general3A_147 = arith.constant dense<0.000000e+00> : vector<128x64xf32>
    %dot_general3A_148 = tpu.matmul %convert_element_type3A_45, %slice3A_146, %dot_general3A_147 {dimension_numbers = #tpu.dot_dimension_numbers<[1], [0], [0], [1], [0, 0, 1, 1], [], []>, transpose_lhs_hint = false} : vector<128x128xf32>, vector<128x64xf32>, vector<128x64xf32> -> vector<128x64xf32>
    %add3A_149 = vector.broadcast %add3A_145 : vector<1x64xf32> to vector<128x64xf32>
    %add3A_150 = arith.addf %dot_general3A_148, %add3A_149 : vector<128x64xf32>
    %reduce_sum3A_151 = arith.constant dense<0.000000e+00> : vector<64xf32>
    %reduce_sum3A_152 = vector.multi_reduction <add>, %slice3A_146, %reduce_sum3A_151 [0] : vector<128x64xf32> to vector<64xf32>
    %broadcast_in_dim3A_153 = vector.shape_cast %reduce_sum3A_152 : vector<64xf32> to vector<1x64xf32>
    %add3A_154 = arith.addf %add3A_145, %broadcast_in_dim3A_153 : vector<1x64xf32>
    %slice3A_155 = vector.extract_strided_slice %add3A_41 {offsets = [1536, 0], sizes = [128, 64], strides = [1, 1]} : vector<2048x64xf32> to vector<128x64xf32>
    %dot_general3A_156 = arith.constant dense<0.000000e+00> : vector<128x64xf32>
    %dot_general3A_157 = tpu.matmul %convert_element_type3A_45, %slice3A_155, %dot_general3A_156 {dimension_numbers = #tpu.dot_dimension_numbers<[1], [0], [0], [1], [0, 0, 1, 1], [], []>, transpose_lhs_hint = false} : vector<128x128xf32>, vector<128x64xf32>, vector<128x64xf32> -> vector<128x64xf32>
    %add3A_158 = vector.broadcast %add3A_154 : vector<1x64xf32> to vector<128x64xf32>
    %add3A_159 = arith.addf %dot_general3A_157, %add3A_158 : vector<128x64xf32>
    %reduce_sum3A_160 = arith.constant dense<0.000000e+00> : vector<64xf32>
    %reduce_sum3A_161 = vector.multi_reduction <add>, %slice3A_155, %reduce_sum3A_160 [0] : vector<128x64xf32> to vector<64xf32>
    %broadcast_in_dim3A_162 = vector.shape_cast %reduce_sum3A_161 : vector<64xf32> to vector<1x64xf32>
    %add3A_163 = arith.addf %add3A_154, %broadcast_in_dim3A_162 : vector<1x64xf32>
    %slice3A_164 = vector.extract_strided_slice %add3A_41 {offsets = [1664, 0], sizes = [128, 64], strides = [1, 1]} : vector<2048x64xf32> to vector<128x64xf32>
    %dot_general3A_165 = arith.constant dense<0.000000e+00> : vector<128x64xf32>
    %dot_general3A_166 = tpu.matmul %convert_element_type3A_45, %slice3A_164, %dot_general3A_165 {dimension_numbers = #tpu.dot_dimension_numbers<[1], [0], [0], [1], [0, 0, 1, 1], [], []>, transpose_lhs_hint = false} : vector<128x128xf32>, vector<128x64xf32>, vector<128x64xf32> -> vector<128x64xf32>
    %add3A_167 = vector.broadcast %add3A_163 : vector<1x64xf32> to vector<128x64xf32>
    %add3A_168 = arith.addf %dot_general3A_166, %add3A_167 : vector<128x64xf32>
    %reduce_sum3A_169 = arith.constant dense<0.000000e+00> : vector<64xf32>
    %reduce_sum3A_170 = vector.multi_reduction <add>, %slice3A_164, %reduce_sum3A_169 [0] : vector<128x64xf32> to vector<64xf32>
    %broadcast_in_dim3A_171 = vector.shape_cast %reduce_sum3A_170 : vector<64xf32> to vector<1x64xf32>
    %add3A_172 = arith.addf %add3A_163, %broadcast_in_dim3A_171 : vector<1x64xf32>
    %slice3A_173 = vector.extract_strided_slice %add3A_41 {offsets = [1792, 0], sizes = [128, 64], strides = [1, 1]} : vector<2048x64xf32> to vector<128x64xf32>
    %dot_general3A_174 = arith.constant dense<0.000000e+00> : vector<128x64xf32>
    %dot_general3A_175 = tpu.matmul %convert_element_type3A_45, %slice3A_173, %dot_general3A_174 {dimension_numbers = #tpu.dot_dimension_numbers<[1], [0], [0], [1], [0, 0, 1, 1], [], []>, transpose_lhs_hint = false} : vector<128x128xf32>, vector<128x64xf32>, vector<128x64xf32> -> vector<128x64xf32>
    %add3A_176 = vector.broadcast %add3A_172 : vector<1x64xf32> to vector<128x64xf32>
    %add3A_177 = arith.addf %dot_general3A_175, %add3A_176 : vector<128x64xf32>
    %reduce_sum3A_178 = arith.constant dense<0.000000e+00> : vector<64xf32>
    %reduce_sum3A_179 = vector.multi_reduction <add>, %slice3A_173, %reduce_sum3A_178 [0] : vector<128x64xf32> to vector<64xf32>
    %broadcast_in_dim3A_180 = vector.shape_cast %reduce_sum3A_179 : vector<64xf32> to vector<1x64xf32>
    %add3A_181 = arith.addf %add3A_172, %broadcast_in_dim3A_180 : vector<1x64xf32>
    %slice3A_182 = vector.extract_strided_slice %add3A_41 {offsets = [1920, 0], sizes = [128, 64], strides = [1, 1]} : vector<2048x64xf32> to vector<128x64xf32>
    %dot_general3A_183 = arith.constant dense<0.000000e+00> : vector<128x64xf32>
    %dot_general3A_184 = tpu.matmul %convert_element_type3A_45, %slice3A_182, %dot_general3A_183 {dimension_numbers = #tpu.dot_dimension_numbers<[1], [0], [0], [1], [0, 0, 1, 1], [], []>, transpose_lhs_hint = false} : vector<128x128xf32>, vector<128x64xf32>, vector<128x64xf32> -> vector<128x64xf32>
    %add3A_185 = vector.broadcast %add3A_181 : vector<1x64xf32> to vector<128x64xf32>
    %add3A_186 = arith.addf %dot_general3A_184, %add3A_185 : vector<128x64xf32>
    %reduce_sum3A_187 = arith.constant dense<0.000000e+00> : vector<64xf32>
    %reduce_sum3A_188 = vector.multi_reduction <add>, %slice3A_182, %reduce_sum3A_187 [0] : vector<128x64xf32> to vector<64xf32>
    %broadcast_in_dim3A_189 = vector.shape_cast %reduce_sum3A_188 : vector<64xf32> to vector<1x64xf32>
    %add3A_190 = arith.addf %add3A_181, %broadcast_in_dim3A_189 : vector<1x64xf32>
    %concatenate3A = tpu.concatenate %add3A_51, %add3A_60, %add3A_69, %add3A_78, %add3A_87, %add3A_96, %add3A_105, %add3A_114, %add3A_123, %add3A_132, %add3A_141, %add3A_150, %add3A_159, %add3A_168, %add3A_177, %add3A_186 in 0 : vector<128x64xf32>, vector<128x64xf32>, vector<128x64xf32>, vector<128x64xf32>, vector<128x64xf32>, vector<128x64xf32>, vector<128x64xf32>, vector<128x64xf32>, vector<128x64xf32>, vector<128x64xf32>, vector<128x64xf32>, vector<128x64xf32>, vector<128x64xf32>, vector<128x64xf32>, vector<128x64xf32>, vector<128x64xf32> -> vector<2048x64xf32>
    %add3A_191 = arith.constant 7.000000e+00 : f32
    %add3A_192 = vector.broadcast %add3A_191 : f32 to vector<1x64xf32>
    %add3A_193 = arith.addf %add3A_190, %add3A_192 : vector<1x64xf32>
    %mul3A = arith.constant 1.250000e-01 : f32
    %mul3A_194 = vector.broadcast %mul3A : f32 to vector<1x64xf32>
    %mul3A_195 = arith.mulf %add3A_193, %mul3A_194 : vector<1x64xf32>
    %floor3A = math.floor %mul3A_195 : vector<1x64xf32>
    %mul3A_196 = arith.constant 8.000000e+00 : f32
    %mul3A_197 = vector.broadcast %mul3A_196 : f32 to vector<1x64xf32>
    %mul3A_198 = arith.mulf %floor3A, %mul3A_197 : vector<1x64xf32>
    %broadcast_in_dim3A_199 = arith.constant 0.000000e+00 : f32
    %broadcast_in_dim3A_200 = vector.broadcast %broadcast_in_dim3A_199 : f32 to vector<1x1xf32>
    %slice3A_201 = vector.extract_strided_slice %mul3A_198 {offsets = [0, 0], sizes = [1, 63], strides = [1, 1]} : vector<1x64xf32> to vector<1x63xf32>
    %concatenate3A_202 = tpu.concatenate %broadcast_in_dim3A_200, %slice3A_201 in 1 : vector<1x1xf32>, vector<1x63xf32> -> vector<1x64xf32>
    %add3A_203 = arith.addf %mul3A_198, %concatenate3A_202 : vector<1x64xf32>
    %broadcast_in_dim3A_204 = arith.constant 0.000000e+00 : f32
    %broadcast_in_dim3A_205 = vector.broadcast %broadcast_in_dim3A_204 : f32 to vector<1x2xf32>
    %slice3A_206 = vector.extract_strided_slice %add3A_203 {offsets = [0, 0], sizes = [1, 62], strides = [1, 1]} : vector<1x64xf32> to vector<1x62xf32>
    %concatenate3A_207 = tpu.concatenate %broadcast_in_dim3A_205, %slice3A_206 in 1 : vector<1x2xf32>, vector<1x62xf32> -> vector<1x64xf32>
    %add3A_208 = arith.addf %add3A_203, %concatenate3A_207 : vector<1x64xf32>
    %broadcast_in_dim3A_209 = arith.constant 0.000000e+00 : f32
    %broadcast_in_dim3A_210 = vector.broadcast %broadcast_in_dim3A_209 : f32 to vector<1x4xf32>
    %slice3A_211 = vector.extract_strided_slice %add3A_208 {offsets = [0, 0], sizes = [1, 60], strides = [1, 1]} : vector<1x64xf32> to vector<1x60xf32>
    %concatenate3A_212 = tpu.concatenate %broadcast_in_dim3A_210, %slice3A_211 in 1 : vector<1x4xf32>, vector<1x60xf32> -> vector<1x64xf32>
    %add3A_213 = arith.addf %add3A_208, %concatenate3A_212 : vector<1x64xf32>
    %broadcast_in_dim3A_214 = arith.constant 0.000000e+00 : f32
    %broadcast_in_dim3A_215 = vector.broadcast %broadcast_in_dim3A_214 : f32 to vector<1x8xf32>
    %slice3A_216 = vector.extract_strided_slice %add3A_213 {offsets = [0, 0], sizes = [1, 56], strides = [1, 1]} : vector<1x64xf32> to vector<1x56xf32>
    %concatenate3A_217 = tpu.concatenate %broadcast_in_dim3A_215, %slice3A_216 in 1 : vector<1x8xf32>, vector<1x56xf32> -> vector<1x64xf32>
    %add3A_218 = arith.addf %add3A_213, %concatenate3A_217 : vector<1x64xf32>
    %broadcast_in_dim3A_219 = arith.constant 0.000000e+00 : f32
    %broadcast_in_dim3A_220 = vector.broadcast %broadcast_in_dim3A_219 : f32 to vector<1x16xf32>
    %slice3A_221 = vector.extract_strided_slice %add3A_218 {offsets = [0, 0], sizes = [1, 48], strides = [1, 1]} : vector<1x64xf32> to vector<1x48xf32>
    %concatenate3A_222 = tpu.concatenate %broadcast_in_dim3A_220, %slice3A_221 in 1 : vector<1x16xf32>, vector<1x48xf32> -> vector<1x64xf32>
    %add3A_223 = arith.addf %add3A_218, %concatenate3A_222 : vector<1x64xf32>
    %broadcast_in_dim3A_224 = arith.constant 0.000000e+00 : f32
    %broadcast_in_dim3A_225 = vector.broadcast %broadcast_in_dim3A_224 : f32 to vector<1x32xf32>
    %slice3A_226 = vector.extract_strided_slice %add3A_223 {offsets = [0, 0], sizes = [1, 32], strides = [1, 1]} : vector<1x64xf32> to vector<1x32xf32>
    %concatenate3A_227 = tpu.concatenate %broadcast_in_dim3A_225, %slice3A_226 in 1 : vector<1x32xf32>, vector<1x32xf32> -> vector<1x64xf32>
    %add3A_228 = arith.addf %add3A_223, %concatenate3A_227 : vector<1x64xf32>
    %sub3A_229 = arith.subf %add3A_228, %mul3A_198 : vector<1x64xf32>
    %jit3A_230 = arith.constant 0.000000e+00 : f32
    %broadcast_in_dim3A_231 = vector.shape_cast %sub3A_229 : vector<1x64xf32> to vector<1x64xf32>
    %broadcast_in_dim3A_232 = vector.broadcast %broadcast_in_dim3A_231 : vector<1x64xf32> to vector<2048x64xf32>
    %broadcast_in_dim3A_233 = vector.broadcast %jit3A_230 : f32 to vector<2048x64xf32>
    %select_n3A_234 = arith.select %eq3A_19, %broadcast_in_dim3A_232, %broadcast_in_dim3A_233 : vector<2048x64xi1>, vector<2048x64xf32>
    %reduce_sum3A_235 = arith.constant dense<0.000000e+00> : vector<2048xf32>
    %reduce_sum3A_236 = vector.multi_reduction <add>, %select_n3A_234, %reduce_sum3A_235 [1] : vector<2048x64xf32> to vector<2048xf32>
    %broadcast_in_dim3A_237 = vector.shape_cast %reduce_sum3A_236 : vector<2048xf32> to vector<2048x1xf32>
    %jit3A_238 = arith.constant 0.000000e+00 : f32
    %broadcast_in_dim3A_239 = vector.shape_cast %sub3A_229 : vector<1x64xf32> to vector<1x64xf32>
    %broadcast_in_dim3A_240 = vector.broadcast %broadcast_in_dim3A_239 : vector<1x64xf32> to vector<2048x64xf32>
    %broadcast_in_dim3A_241 = vector.broadcast %jit3A_238 : f32 to vector<2048x64xf32>
    %select_n3A_242 = arith.select %eq3A_35, %broadcast_in_dim3A_240, %broadcast_in_dim3A_241 : vector<2048x64xi1>, vector<2048x64xf32>
    %reduce_sum3A_243 = arith.constant dense<0.000000e+00> : vector<2048xf32>
    %reduce_sum3A_244 = vector.multi_reduction <add>, %select_n3A_242, %reduce_sum3A_243 [1] : vector<2048x64xf32> to vector<2048xf32>
    %broadcast_in_dim3A_245 = vector.shape_cast %reduce_sum3A_244 : vector<2048xf32> to vector<2048x1xf32>
    %jit3A_246 = arith.constant 0.000000e+00 : f32
    %broadcast_in_dim3A_247 = vector.broadcast %jit3A_246 : f32 to vector<2048x64xf32>
    %select_n3A_248 = arith.select %eq3A_19, %concatenate3A, %broadcast_in_dim3A_247 : vector<2048x64xi1>, vector<2048x64xf32>
    %reduce_sum3A_249 = arith.constant dense<0.000000e+00> : vector<2048xf32>
    %reduce_sum3A_250 = vector.multi_reduction <add>, %select_n3A_248, %reduce_sum3A_249 [1] : vector<2048x64xf32> to vector<2048xf32>
    %broadcast_in_dim3A_251 = vector.shape_cast %reduce_sum3A_250 : vector<2048xf32> to vector<2048x1xf32>
    %jit3A_252 = arith.constant 0.000000e+00 : f32
    %broadcast_in_dim3A_253 = vector.broadcast %jit3A_252 : f32 to vector<2048x64xf32>
    %select_n3A_254 = arith.select %eq3A_35, %concatenate3A, %broadcast_in_dim3A_253 : vector<2048x64xi1>, vector<2048x64xf32>
    %reduce_sum3A_255 = arith.constant dense<0.000000e+00> : vector<2048xf32>
    %reduce_sum3A_256 = vector.multi_reduction <add>, %select_n3A_254, %reduce_sum3A_255 [1] : vector<2048x64xf32> to vector<2048xf32>
    %broadcast_in_dim3A_257 = vector.shape_cast %reduce_sum3A_256 : vector<2048xf32> to vector<2048x1xf32>
    %add3A_258 = arith.addf %broadcast_in_dim3A_237, %broadcast_in_dim3A_251 : vector<2048x1xf32>
    %add3A_259 = arith.addf %broadcast_in_dim3A_245, %broadcast_in_dim3A_257 : vector<2048x1xf32>
    %concatenate3A_260 = tpu.concatenate %add3A_258, %add3A_259 in 1 : vector<2048x1xf32>, vector<2048x1xf32> -> vector<2048x2xf32>
    %convert_element_type3A_261 = arith.fptosi %concatenate3A_260 : vector<2048x2xf32> to vector<2048x2xi32>
    %swap3A = arith.constant 0 : index
    %swap3A_262 = arith.constant 0 : index
    %swap3A_263 = vector.load %arg2[%swap3A, %swap3A_262] : memref<2048x2xi32, #tpu.memory_space<vmem>>, vector<2048x2xi32>
    tpu.vector_store %arg2[%swap3A, %swap3A_262], %convert_element_type3A_261 {strides = array<i32>} : memref<2048x2xi32, #tpu.memory_space<vmem>>, vector<2048x2xi32>,
    %concatenate3A_264 = tpu.concatenate %div3A_36, %div3A_37 in 1 : vector<2048x1xf32>, vector<2048x1xf32> -> vector<2048x2xf32>
    %swap3A_265 = arith.constant 0 : index
    %swap3A_266 = arith.constant 0 : index
    %swap3A_267 = vector.load %arg3[%swap3A_265, %swap3A_266] : memref<2048x2xf32, #tpu.memory_space<vmem>>, vector<2048x2xf32>
    tpu.vector_store %arg3[%swap3A_265, %swap3A_266], %concatenate3A_264 {strides = array<i32>} : memref<2048x2xf32, #tpu.memory_space<vmem>>, vector<2048x2xf32>,
    %concatenate3A_268 = tpu.concatenate %add3A_190, %sub3A_229 in 0 : vector<1x64xf32>, vector<1x64xf32> -> vector<2x64xf32>
    %convert_element_type3A_269 = arith.fptosi %concatenate3A_268 : vector<2x64xf32> to vector<2x64xi32>
    %swap3A_270 = arith.constant 0 : index
    %swap3A_271 = arith.constant 0 : index
    %swap3A_272 = vector.load %arg4[%swap3A_270, %swap3A_271] : memref<2x64xi32, #tpu.memory_space<vmem>>, vector<2x64xi32>
    tpu.vector_store %arg4[%swap3A_270, %swap3A_271], %convert_element_type3A_269 {strides = array<i32>} : memref<2x64xi32, #tpu.memory_space<vmem>>, vector<2x64xi32>,
    %div3A_273 = arith.constant 4.096000e+03 : f32
    %div3A_274 = vector.broadcast %div3A_273 : f32 to vector<1x64xf32>
    %div3A_275 = arith.divf %add3A_190, %div3A_274 : vector<1x64xf32>
    %reduce_sum3A_276 = arith.constant dense<0.000000e+00> : vector<64xf32>
    %reduce_sum3A_277 = vector.multi_reduction <add>, %div3A_10, %reduce_sum3A_276 [0] : vector<2048x64xf32> to vector<64xf32>
    %broadcast_in_dim3A_278 = vector.shape_cast %reduce_sum3A_277 : vector<64xf32> to vector<1x64xf32>
    %div3A_279 = arith.constant 2.048000e+03 : f32
    %div3A_280 = vector.broadcast %div3A_279 : f32 to vector<1x64xf32>
    %div3A_281 = arith.divf %broadcast_in_dim3A_278, %div3A_280 : vector<1x64xf32>
    %mul3A_282 = arith.mulf %div3A_275, %div3A_281 : vector<1x64xf32>
    %reduce_sum3A_283 = vector.shape_cast %mul3A_282 : vector<1x64xf32> to vector<1x1x64xf32>
    %reduce_sum3A_284 = arith.constant dense<0.000000e+00> : vector<1xf32>
    %reduce_sum3A_285 = vector.multi_reduction <add>, %reduce_sum3A_283, %reduce_sum3A_284 [1, 2] : vector<1x1x64xf32> to vector<1xf32>
    %reduce_sum3A_286 = vector.shape_cast %reduce_sum3A_285 : vector<1xf32> to vector<1x1x1xf32>
    %reduce_sum3A_287 = vector.extract %reduce_sum3A_286[0, 0, 0] : f32 from vector<1x1x1xf32>
    %reshape3A = vector.broadcast %reduce_sum3A_287 : f32 to vector<1x1xf32>
    %mul3A_288 = arith.constant 6.400000e-01 : f32
    %mul3A_289 = vector.broadcast %mul3A_288 : f32 to vector<1x1xf32>
    %mul3A_290 = arith.mulf %mul3A_289, %reshape3A : vector<1x1xf32>
    %swap3A_291 = arith.constant 0 : index
    %swap3A_292 = arith.constant 0 : index
    %swap3A_293 = vector.load %arg5[%swap3A_291, %swap3A_292] : memref<1x1xf32, #tpu.memory_space<vmem>>, vector<1x1xf32>
    tpu.vector_store %arg5[%swap3A_291, %swap3A_292], %mul3A_290 {strides = array<i32>} : memref<1x1xf32, #tpu.memory_space<vmem>>, vector<1x1xf32>,
    return
  }
}

module attributes {stable_mosaic.version = 14 : i64} {
  func.func @_experts_body(%arg0: i32, %arg1: memref<2x64xi32, #tpu.memory_space<smem>>, %arg2: memref<4672x896xf32, #tpu.memory_space<vmem>>, %arg3: memref<1x768x768xf32, #tpu.memory_space<vmem>>, %arg4: memref<1x768x768xf32, #tpu.memory_space<vmem>>, %arg5: memref<1x768x768xf32, #tpu.memory_space<vmem>>, %arg6: memref<1x768x768xf32, #tpu.memory_space<vmem>>, %arg7: memref<1x768x768xf32, #tpu.memory_space<vmem>>, %arg8: memref<1x768x768xf32, #tpu.memory_space<vmem>>, %arg9: memref<4672x768xf32, #tpu.memory_space<vmem>>) attributes {dimension_semantics = [#tpu.dimension_semantics<arbitrary>], iteration_bounds = array<i64: 64>, scalar_prefetch = 0 : i64, scratch_operands = 0 : i64, tpu.core_type = #tpu.core_type<tc>, window_params = [{transform_indices = @transform_0, window_bounds = array<i64: 2, 64>}, {pipeline_mode = #tpu.pipeline_mode<synchronous>, transform_indices = @transform_1, window_bounds = array<i64: 4672, 896>}, {transform_indices = @transform_2, window_bounds = array<i64: 1, 768, 768>}, {transform_indices = @transform_3, window_bounds = array<i64: 1, 768, 768>}, {transform_indices = @transform_4, window_bounds = array<i64: 1, 768, 768>}, {transform_indices = @transform_5, window_bounds = array<i64: 1, 768, 768>}, {transform_indices = @transform_6, window_bounds = array<i64: 1, 768, 768>}, {transform_indices = @transform_7, window_bounds = array<i64: 1, 768, 768>}, {pipeline_mode = #tpu.pipeline_mode<synchronous>, transform_indices = @transform_8, window_bounds = array<i64: 4672, 768>}]} {
    %get3A = arith.constant 0 : index
    %get3A_0 = arith.index_cast %arg0 : i32 to index
    %get3A_1 = memref.load %arg1[%get3A, %get3A_0] : memref<2x64xi32, #tpu.memory_space<smem>>
    %get3A_2 = arith.constant 1 : index
    %get3A_3 = arith.index_cast %arg0 : i32 to index
    %get3A_4 = memref.load %arg1[%get3A_2, %get3A_3] : memref<2x64xi32, #tpu.memory_space<smem>>
    %add3A = arith.constant 128 : i32
    %add3A_5 = arith.addi %get3A_1, %add3A : i32
    %sub3A = arith.constant 1 : i32
    %sub3A_6 = arith.subi %add3A_5, %sub3A : i32
    %jit3A = arith.constant 128 : i32
    %div3A = arith.divsi %sub3A_6, %jit3A : i32
    %sign3A = arith.constant 0 : i32
    %sign3A_7 = arith.cmpi sgt, %sub3A_6, %sign3A : i32
    %sign3A_8 = arith.extui %sign3A_7 : i1 to i32
    %sign3A_9 = arith.constant 0 : i32
    %sign3A_10 = arith.cmpi slt, %sub3A_6, %sign3A_9 : i32
    %sign3A_11 = arith.extui %sign3A_10 : i1 to i32
    %sign3A_12 = arith.subi %sign3A_8, %sign3A_11 : i32
    %sign3A_13 = arith.constant 0 : i32
    %sign3A_14 = arith.cmpi sgt, %jit3A, %sign3A_13 : i32
    %sign3A_15 = arith.extui %sign3A_14 : i1 to i32
    %sign3A_16 = arith.constant 0 : i32
    %sign3A_17 = arith.cmpi slt, %jit3A, %sign3A_16 : i32
    %sign3A_18 = arith.extui %sign3A_17 : i1 to i32
    %sign3A_19 = arith.subi %sign3A_15, %sign3A_18 : i32
    %ne3A = arith.cmpi ne, %sign3A_12, %sign3A_19 : i32
    %rem3A = arith.remsi %sub3A_6, %jit3A : i32
    %ne3A_20 = arith.constant 0 : i32
    %ne3A_21 = arith.cmpi ne, %rem3A, %ne3A_20 : i32
    %and3A = arith.andi %ne3A, %ne3A_21 : i1
    %sub3A_22 = arith.constant 1 : i32
    %sub3A_23 = arith.subi %div3A, %sub3A_22 : i32
    %select_n3A = arith.select %and3A, %sub3A_23, %div3A : i32
    %while3A = arith.constant 0 : i32
    %while3A_24 = arith.constant 0 : i32
    %while3A_25 = arith.subi %select_n3A, %while3A_24 : i32
    %while3A_26 = arith.addi %while3A_24, %while3A_25 : i32
    %while3A_27 = arith.constant 1 : i32
    %while3A_28 = arith.divsi %while3A_25, %while3A_27 : i32
    %while3A_29 = arith.muli %while3A_28, %while3A_27 : i32
    %while3A_30 = arith.addi %while3A_24, %while3A_29 : i32
    %while3A_31 = arith.constant 1 : i32
    scf.for %while3A_33 = %while3A_24 to %while3A_30 step %while3A_31  : i32 {
      %mul3A = arith.constant 128 : i32
      %mul3A_34 = arith.muli %while3A_33, %mul3A : i32
      %add3A_35 = arith.addi %get3A_4, %mul3A_34 : i32
      %multiple_of3A = tpu.assume_multiple %add3A_35, 8 : i32
      %get3A_36 = arith.index_cast %multiple_of3A : i32 to index
      %get3A_37 = arith.constant 0 : index
      %get3A_38 = vector.load %arg2[%get3A_36, %get3A_37] : memref<4672x896xf32, #tpu.memory_space<vmem>>, vector<128x768xf32>
      %get3A_39 = arith.constant 0 : index
      %get3A_40 = arith.constant 0 : index
      %get3A_41 = arith.constant 0 : index
      %get3A_42 = vector.load %arg3[%get3A_39, %get3A_40, %get3A_41] : memref<1x768x768xf32, #tpu.memory_space<vmem>>, vector<1x768x768xf32>
      %get3A_43 = vector.shape_cast %get3A_42 : vector<1x768x768xf32> to vector<768x768xf32>
      %dot_general3A = arith.constant dense<0.000000e+00> : vector<128x768xf32>
      %dot_general3A_44 = tpu.matmul %get3A_38, %get3A_43, %dot_general3A {dimension_numbers = #tpu.dot_dimension_numbers<[1], [1], [0], [0], [0, 0, 1, 0], [], []>, transpose_lhs_hint = false} : vector<128x768xf32>, vector<768x768xf32>, vector<128x768xf32> -> vector<128x768xf32>
      %get3A_45 = arith.constant 0 : index
      %get3A_46 = arith.constant 0 : index
      %get3A_47 = arith.constant 0 : index
      %get3A_48 = vector.load %arg4[%get3A_45, %get3A_46, %get3A_47] : memref<1x768x768xf32, #tpu.memory_space<vmem>>, vector<1x768x768xf32>
      %get3A_49 = vector.shape_cast %get3A_48 : vector<1x768x768xf32> to vector<768x768xf32>
      %dot_general3A_50 = arith.constant dense<0.000000e+00> : vector<128x768xf32>
      %dot_general3A_51 = tpu.matmul %get3A_38, %get3A_49, %dot_general3A_50 {dimension_numbers = #tpu.dot_dimension_numbers<[1], [1], [0], [0], [0, 0, 1, 0], [], []>, transpose_lhs_hint = false} : vector<128x768xf32>, vector<768x768xf32>, vector<128x768xf32> -> vector<128x768xf32>
      %get3A_52 = arith.constant 0 : index
      %get3A_53 = arith.constant 0 : index
      %get3A_54 = arith.constant 0 : index
      %get3A_55 = vector.load %arg5[%get3A_52, %get3A_53, %get3A_54] : memref<1x768x768xf32, #tpu.memory_space<vmem>>, vector<1x768x768xf32>
      %get3A_56 = vector.shape_cast %get3A_55 : vector<1x768x768xf32> to vector<768x768xf32>
      %dot_general3A_57 = arith.constant dense<0.000000e+00> : vector<128x768xf32>
      %dot_general3A_58 = tpu.matmul %get3A_38, %get3A_56, %dot_general3A_57 {dimension_numbers = #tpu.dot_dimension_numbers<[1], [1], [0], [0], [0, 0, 1, 0], [], []>, transpose_lhs_hint = false} : vector<128x768xf32>, vector<768x768xf32>, vector<128x768xf32> -> vector<128x768xf32>
      %get3A_59 = arith.constant 0 : index
      %get3A_60 = arith.constant 0 : index
      %get3A_61 = arith.constant 0 : index
      %get3A_62 = vector.load %arg6[%get3A_59, %get3A_60, %get3A_61] : memref<1x768x768xf32, #tpu.memory_space<vmem>>, vector<1x768x768xf32>
      %get3A_63 = vector.shape_cast %get3A_62 : vector<1x768x768xf32> to vector<768x768xf32>
      %dot_general3A_64 = arith.constant dense<0.000000e+00> : vector<128x768xf32>
      %dot_general3A_65 = tpu.matmul %get3A_38, %get3A_63, %dot_general3A_64 {dimension_numbers = #tpu.dot_dimension_numbers<[1], [1], [0], [0], [0, 0, 1, 0], [], []>, transpose_lhs_hint = false} : vector<128x768xf32>, vector<768x768xf32>, vector<128x768xf32> -> vector<128x768xf32>
      %neg3A = arith.constant 0.000000e+00 : f32
      %neg3A_66 = vector.broadcast %neg3A : f32 to vector<128x768xf32>
      %neg3A_67 = arith.subf %neg3A_66, %dot_general3A_44 : vector<128x768xf32>
      %exp3A = math.exp %neg3A_67 : vector<128x768xf32>
      %add3A_68 = arith.constant 1.000000e+00 : f32
      %add3A_69 = vector.broadcast %add3A_68 : f32 to vector<128x768xf32>
      %add3A_70 = arith.addf %add3A_69, %exp3A : vector<128x768xf32>
      %div3A_71 = arith.divf %dot_general3A_44, %add3A_70 : vector<128x768xf32>
      %mul3A_72 = arith.mulf %div3A_71, %dot_general3A_58 : vector<128x768xf32>
      %neg3A_73 = arith.constant 0.000000e+00 : f32
      %neg3A_74 = vector.broadcast %neg3A_73 : f32 to vector<128x768xf32>
      %neg3A_75 = arith.subf %neg3A_74, %dot_general3A_51 : vector<128x768xf32>
      %exp3A_76 = math.exp %neg3A_75 : vector<128x768xf32>
      %add3A_77 = arith.constant 1.000000e+00 : f32
      %add3A_78 = vector.broadcast %add3A_77 : f32 to vector<128x768xf32>
      %add3A_79 = arith.addf %add3A_78, %exp3A_76 : vector<128x768xf32>
      %div3A_80 = arith.divf %dot_general3A_51, %add3A_79 : vector<128x768xf32>
      %mul3A_81 = arith.mulf %div3A_80, %dot_general3A_65 : vector<128x768xf32>
      %get3A_82 = arith.constant 0 : index
      %get3A_83 = arith.constant 0 : index
      %get3A_84 = arith.constant 0 : index
      %get3A_85 = vector.load %arg7[%get3A_82, %get3A_83, %get3A_84] : memref<1x768x768xf32, #tpu.memory_space<vmem>>, vector<1x768x768xf32>
      %get3A_86 = vector.shape_cast %get3A_85 : vector<1x768x768xf32> to vector<768x768xf32>
      %dot_general3A_87 = arith.constant dense<0.000000e+00> : vector<128x768xf32>
      %dot_general3A_88 = tpu.matmul %mul3A_72, %get3A_86, %dot_general3A_87 {dimension_numbers = #tpu.dot_dimension_numbers<[1], [1], [0], [0], [0, 0, 1, 0], [], []>, transpose_lhs_hint = false} : vector<128x768xf32>, vector<768x768xf32>, vector<128x768xf32> -> vector<128x768xf32>
      %get3A_89 = arith.constant 0 : index
      %get3A_90 = arith.constant 0 : index
      %get3A_91 = arith.constant 0 : index
      %get3A_92 = vector.load %arg8[%get3A_89, %get3A_90, %get3A_91] : memref<1x768x768xf32, #tpu.memory_space<vmem>>, vector<1x768x768xf32>
      %get3A_93 = vector.shape_cast %get3A_92 : vector<1x768x768xf32> to vector<768x768xf32>
      %dot_general3A_94 = arith.constant dense<0.000000e+00> : vector<128x768xf32>
      %dot_general3A_95 = tpu.matmul %mul3A_81, %get3A_93, %dot_general3A_94 {dimension_numbers = #tpu.dot_dimension_numbers<[1], [1], [0], [0], [0, 0, 1, 0], [], []>, transpose_lhs_hint = false} : vector<128x768xf32>, vector<768x768xf32>, vector<128x768xf32> -> vector<128x768xf32>
      %add3A_96 = arith.addf %dot_general3A_88, %dot_general3A_95 : vector<128x768xf32>
      %get3A_97 = arith.index_cast %multiple_of3A : i32 to index
      %get3A_98 = arith.constant 768 : index
      %get3A_99 = vector.load %arg2[%get3A_97, %get3A_98] : memref<4672x896xf32, #tpu.memory_space<vmem>>, vector<128x128xf32>
      %slice3A = vector.extract_strided_slice %get3A_99 {offsets = [0, 0], sizes = [128, 1], strides = [1, 1]} : vector<128x128xf32> to vector<128x1xf32>
      %mul3A_100 = vector.broadcast %slice3A : vector<128x1xf32> to vector<128x768xf32>
      %mul3A_101 = arith.mulf %add3A_96, %mul3A_100 : vector<128x768xf32>
      %swap3A = arith.index_cast %multiple_of3A : i32 to index
      %swap3A_102 = arith.constant 0 : index
      %swap3A_103 = vector.load %arg9[%swap3A, %swap3A_102] : memref<4672x768xf32, #tpu.memory_space<vmem>>, vector<128x768xf32>
      tpu.vector_store %arg9[%swap3A, %swap3A_102], %mul3A_101 {strides = array<i32>} : memref<4672x768xf32, #tpu.memory_space<vmem>>, vector<128x768xf32>,
    }
    %while3A_32 = arith.constant 1 : i32
    scf.for %while3A_33 = %while3A_30 to %while3A_26 step %while3A_32  : i32 {
      %mul3A = arith.constant 128 : i32
      %mul3A_34 = arith.muli %while3A_33, %mul3A : i32
      %add3A_35 = arith.addi %get3A_4, %mul3A_34 : i32
      %multiple_of3A = tpu.assume_multiple %add3A_35, 8 : i32
      %get3A_36 = arith.index_cast %multiple_of3A : i32 to index
      %get3A_37 = arith.constant 0 : index
      %get3A_38 = vector.load %arg2[%get3A_36, %get3A_37] : memref<4672x896xf32, #tpu.memory_space<vmem>>, vector<128x768xf32>
      %get3A_39 = arith.constant 0 : index
      %get3A_40 = arith.constant 0 : index
      %get3A_41 = arith.constant 0 : index
      %get3A_42 = vector.load %arg3[%get3A_39, %get3A_40, %get3A_41] : memref<1x768x768xf32, #tpu.memory_space<vmem>>, vector<1x768x768xf32>
      %get3A_43 = vector.shape_cast %get3A_42 : vector<1x768x768xf32> to vector<768x768xf32>
      %dot_general3A = arith.constant dense<0.000000e+00> : vector<128x768xf32>
      %dot_general3A_44 = tpu.matmul %get3A_38, %get3A_43, %dot_general3A {dimension_numbers = #tpu.dot_dimension_numbers<[1], [1], [0], [0], [0, 0, 1, 0], [], []>, transpose_lhs_hint = false} : vector<128x768xf32>, vector<768x768xf32>, vector<128x768xf32> -> vector<128x768xf32>
      %get3A_45 = arith.constant 0 : index
      %get3A_46 = arith.constant 0 : index
      %get3A_47 = arith.constant 0 : index
      %get3A_48 = vector.load %arg4[%get3A_45, %get3A_46, %get3A_47] : memref<1x768x768xf32, #tpu.memory_space<vmem>>, vector<1x768x768xf32>
      %get3A_49 = vector.shape_cast %get3A_48 : vector<1x768x768xf32> to vector<768x768xf32>
      %dot_general3A_50 = arith.constant dense<0.000000e+00> : vector<128x768xf32>
      %dot_general3A_51 = tpu.matmul %get3A_38, %get3A_49, %dot_general3A_50 {dimension_numbers = #tpu.dot_dimension_numbers<[1], [1], [0], [0], [0, 0, 1, 0], [], []>, transpose_lhs_hint = false} : vector<128x768xf32>, vector<768x768xf32>, vector<128x768xf32> -> vector<128x768xf32>
      %get3A_52 = arith.constant 0 : index
      %get3A_53 = arith.constant 0 : index
      %get3A_54 = arith.constant 0 : index
      %get3A_55 = vector.load %arg5[%get3A_52, %get3A_53, %get3A_54] : memref<1x768x768xf32, #tpu.memory_space<vmem>>, vector<1x768x768xf32>
      %get3A_56 = vector.shape_cast %get3A_55 : vector<1x768x768xf32> to vector<768x768xf32>
      %dot_general3A_57 = arith.constant dense<0.000000e+00> : vector<128x768xf32>
      %dot_general3A_58 = tpu.matmul %get3A_38, %get3A_56, %dot_general3A_57 {dimension_numbers = #tpu.dot_dimension_numbers<[1], [1], [0], [0], [0, 0, 1, 0], [], []>, transpose_lhs_hint = false} : vector<128x768xf32>, vector<768x768xf32>, vector<128x768xf32> -> vector<128x768xf32>
      %get3A_59 = arith.constant 0 : index
      %get3A_60 = arith.constant 0 : index
      %get3A_61 = arith.constant 0 : index
      %get3A_62 = vector.load %arg6[%get3A_59, %get3A_60, %get3A_61] : memref<1x768x768xf32, #tpu.memory_space<vmem>>, vector<1x768x768xf32>
      %get3A_63 = vector.shape_cast %get3A_62 : vector<1x768x768xf32> to vector<768x768xf32>
      %dot_general3A_64 = arith.constant dense<0.000000e+00> : vector<128x768xf32>
      %dot_general3A_65 = tpu.matmul %get3A_38, %get3A_63, %dot_general3A_64 {dimension_numbers = #tpu.dot_dimension_numbers<[1], [1], [0], [0], [0, 0, 1, 0], [], []>, transpose_lhs_hint = false} : vector<128x768xf32>, vector<768x768xf32>, vector<128x768xf32> -> vector<128x768xf32>
      %neg3A = arith.constant 0.000000e+00 : f32
      %neg3A_66 = vector.broadcast %neg3A : f32 to vector<128x768xf32>
      %neg3A_67 = arith.subf %neg3A_66, %dot_general3A_44 : vector<128x768xf32>
      %exp3A = math.exp %neg3A_67 : vector<128x768xf32>
      %add3A_68 = arith.constant 1.000000e+00 : f32
      %add3A_69 = vector.broadcast %add3A_68 : f32 to vector<128x768xf32>
      %add3A_70 = arith.addf %add3A_69, %exp3A : vector<128x768xf32>
      %div3A_71 = arith.divf %dot_general3A_44, %add3A_70 : vector<128x768xf32>
      %mul3A_72 = arith.mulf %div3A_71, %dot_general3A_58 : vector<128x768xf32>
      %neg3A_73 = arith.constant 0.000000e+00 : f32
      %neg3A_74 = vector.broadcast %neg3A_73 : f32 to vector<128x768xf32>
      %neg3A_75 = arith.subf %neg3A_74, %dot_general3A_51 : vector<128x768xf32>
      %exp3A_76 = math.exp %neg3A_75 : vector<128x768xf32>
      %add3A_77 = arith.constant 1.000000e+00 : f32
      %add3A_78 = vector.broadcast %add3A_77 : f32 to vector<128x768xf32>
      %add3A_79 = arith.addf %add3A_78, %exp3A_76 : vector<128x768xf32>
      %div3A_80 = arith.divf %dot_general3A_51, %add3A_79 : vector<128x768xf32>
      %mul3A_81 = arith.mulf %div3A_80, %dot_general3A_65 : vector<128x768xf32>
      %get3A_82 = arith.constant 0 : index
      %get3A_83 = arith.constant 0 : index
      %get3A_84 = arith.constant 0 : index
      %get3A_85 = vector.load %arg7[%get3A_82, %get3A_83, %get3A_84] : memref<1x768x768xf32, #tpu.memory_space<vmem>>, vector<1x768x768xf32>
      %get3A_86 = vector.shape_cast %get3A_85 : vector<1x768x768xf32> to vector<768x768xf32>
      %dot_general3A_87 = arith.constant dense<0.000000e+00> : vector<128x768xf32>
      %dot_general3A_88 = tpu.matmul %mul3A_72, %get3A_86, %dot_general3A_87 {dimension_numbers = #tpu.dot_dimension_numbers<[1], [1], [0], [0], [0, 0, 1, 0], [], []>, transpose_lhs_hint = false} : vector<128x768xf32>, vector<768x768xf32>, vector<128x768xf32> -> vector<128x768xf32>
      %get3A_89 = arith.constant 0 : index
      %get3A_90 = arith.constant 0 : index
      %get3A_91 = arith.constant 0 : index
      %get3A_92 = vector.load %arg8[%get3A_89, %get3A_90, %get3A_91] : memref<1x768x768xf32, #tpu.memory_space<vmem>>, vector<1x768x768xf32>
      %get3A_93 = vector.shape_cast %get3A_92 : vector<1x768x768xf32> to vector<768x768xf32>
      %dot_general3A_94 = arith.constant dense<0.000000e+00> : vector<128x768xf32>
      %dot_general3A_95 = tpu.matmul %mul3A_81, %get3A_93, %dot_general3A_94 {dimension_numbers = #tpu.dot_dimension_numbers<[1], [1], [0], [0], [0, 0, 1, 0], [], []>, transpose_lhs_hint = false} : vector<128x768xf32>, vector<768x768xf32>, vector<128x768xf32> -> vector<128x768xf32>
      %add3A_96 = arith.addf %dot_general3A_88, %dot_general3A_95 : vector<128x768xf32>
      %get3A_97 = arith.index_cast %multiple_of3A : i32 to index
      %get3A_98 = arith.constant 768 : index
      %get3A_99 = vector.load %arg2[%get3A_97, %get3A_98] : memref<4672x896xf32, #tpu.memory_space<vmem>>, vector<128x128xf32>
      %slice3A = vector.extract_strided_slice %get3A_99 {offsets = [0, 0], sizes = [128, 1], strides = [1, 1]} : vector<128x128xf32> to vector<128x1xf32>
      %mul3A_100 = vector.broadcast %slice3A : vector<128x1xf32> to vector<128x768xf32>
      %mul3A_101 = arith.mulf %add3A_96, %mul3A_100 : vector<128x768xf32>
      %swap3A = arith.index_cast %multiple_of3A : i32 to index
      %swap3A_102 = arith.constant 0 : index
      %swap3A_103 = vector.load %arg9[%swap3A, %swap3A_102] : memref<4672x768xf32, #tpu.memory_space<vmem>>, vector<128x768xf32>
      tpu.vector_store %arg9[%swap3A, %swap3A_102], %mul3A_101 {strides = array<i32>} : memref<4672x768xf32, #tpu.memory_space<vmem>>, vector<128x768xf32>,
    }
    return
  }
  func.func @transform_0(%arg0: i32) -> (i32, i32) {
    %c0_i32 = arith.constant 0 : i32
    %c0_i32_0 = arith.constant 0 : i32
    %c0_i32_1 = arith.constant 0 : i32
    return %c0_i32, %c0_i32_0 : i32, i32
  }
  func.func @transform_1(%arg0: i32) -> (i32, i32) {
    %c0_i32 = arith.constant 0 : i32
    %c0_i32_0 = arith.constant 0 : i32
    %c0_i32_1 = arith.constant 0 : i32
    return %c0_i32, %c0_i32_0 : i32, i32
  }
  func.func @transform_2(%arg0: i32) -> (i32, i32, i32) {
    %mul3A = arith.constant 2 : i32
    %mul3A_0 = arith.muli %mul3A, %arg0 : i32
    %c0_i32 = arith.constant 0 : i32
    %c0_i32_1 = arith.constant 0 : i32
    %c0_i32_2 = arith.constant 0 : i32
    return %mul3A_0, %c0_i32, %c0_i32_1 : i32, i32, i32
  }
  func.func @transform_3(%arg0: i32) -> (i32, i32, i32) {
    %mul3A = arith.constant 2 : i32
    %mul3A_0 = arith.muli %mul3A, %arg0 : i32
    %add3A = arith.constant 1 : i32
    %add3A_1 = arith.addi %mul3A_0, %add3A : i32
    %c0_i32 = arith.constant 0 : i32
    %c0_i32_2 = arith.constant 0 : i32
    %c0_i32_3 = arith.constant 0 : i32
    return %add3A_1, %c0_i32, %c0_i32_2 : i32, i32, i32
  }
  func.func @transform_4(%arg0: i32) -> (i32, i32, i32) {
    %mul3A = arith.constant 2 : i32
    %mul3A_0 = arith.muli %mul3A, %arg0 : i32
    %c0_i32 = arith.constant 0 : i32
    %c0_i32_1 = arith.constant 0 : i32
    %c0_i32_2 = arith.constant 0 : i32
    return %mul3A_0, %c0_i32, %c0_i32_1 : i32, i32, i32
  }
  func.func @transform_5(%arg0: i32) -> (i32, i32, i32) {
    %mul3A = arith.constant 2 : i32
    %mul3A_0 = arith.muli %mul3A, %arg0 : i32
    %add3A = arith.constant 1 : i32
    %add3A_1 = arith.addi %mul3A_0, %add3A : i32
    %c0_i32 = arith.constant 0 : i32
    %c0_i32_2 = arith.constant 0 : i32
    %c0_i32_3 = arith.constant 0 : i32
    return %add3A_1, %c0_i32, %c0_i32_2 : i32, i32, i32
  }
  func.func @transform_6(%arg0: i32) -> (i32, i32, i32) {
    %c0_i32 = arith.constant 0 : i32
    %c0_i32_0 = arith.constant 0 : i32
    %c0_i32_1 = arith.constant 0 : i32
    return %arg0, %c0_i32, %c0_i32_0 : i32, i32, i32
  }
  func.func @transform_7(%arg0: i32) -> (i32, i32, i32) {
    %c0_i32 = arith.constant 0 : i32
    %c1_i32 = arith.constant 1 : i32
    %c0_i32_0 = arith.constant 0 : i32
    return %arg0, %c0_i32, %c1_i32 : i32, i32, i32
  }
  func.func @transform_8(%arg0: i32) -> (i32, i32) {
    %c0_i32 = arith.constant 0 : i32
    %c0_i32_0 = arith.constant 0 : i32
    %c0_i32_1 = arith.constant 0 : i32
    return %c0_i32, %c0_i32_0 : i32, i32
  }
}

</mosaic_0001>

<sc_bundles>
// kernel: kernel.6.cloned.1.call-start
scs
__scs_entry_jumppad:
0x0: {  	(pc) =	sbr.rel $0x88, $3  }
0x1: {  	(tag) =	ssettag $0x0;
	lr =	simm.s32 $0x1  }
0x2: {  	[smem:$0x3F9C] =	sst lr;
	_ =	strace $0xD0000000  }
0x3: {  	_ = 	snop  }
0x4: {  	_ = 	snop  }
0x5: {  	_ = 	snop  }
0x6: {  	_ = 	snop  }
0x7: {  	_ = 	snop  }
__scs_overlays_trampoline_lowered:
0x8: {  	[smem:$0x3FAB] =	sst s0  }
0x9: {  	[smem:$0x3FAC] =	sst s1  }
0xa: {  	[smem:$0x3FAD] =	sst s2  }
0xb: {  	[smem:$0x3FAE] =	sst s3  }
0xc: {  	[smem:$0x3FAF] =	sst s4  }
0xd: {  	[smem:$0x3FB0] =	sst s5  }
0xe: {  	[smem:$0x3FB1] =	sst s6  }
0xf: {  	[smem:$0x3FB2] =	sst s7  }
0x10: {  	[smem:$0x3FB3] =	sst s8  }
0x11: {  	[smem:$0x3FB4] =	sst s9;
	s0 =	simm.s32 @!p0 $0x0  }
0x12: {  	s1 =	sld [smem:$0x3F9A];
	s0 =	simm.s32 @p0 $0x1  }
0x13: {  	[smem:$0x3FB5] =	sst s0;
	s0 =	simm.s32 @!p1 $0x0  }
0x14: {  	s2 =	sld [smem:$0x3F99];
	s0 =	simm.s32 @p1 $0x1  }
0x15: {  	[smem:$0x3FB6] =	sst s0;
	s0 =	simm.s32 @!p2 $0x0  }
0x16: {  	s3 =	sld [smem:$0x3FDB];
	s0 =	simm.s32 @p2 $0x1  }
0x17: {  	s4 =	simm.s32 $0x1BF5;
	[smem:$0x3FB8] =	sst s0  }
0x18: {  	s0 =	sld [smem:$0x3F9B];
	_ =	swait.ge [sflag:s4], $0x0  }
0x19: {  	s7 =	sld [smem:$0x3F9C]  }
0x1a: {  	s8 =	sadd.s32 $0xFFFFE003, lr  }
0x1b: {  	s9 =	sadd.s32 $0xFFFFFEF7, lr;
	s5 =	simm.s32 $0xFFFFFFFF;
	p2 =	slt.u32 s8, $0xFFFFF086  }
0x1c: {  	p1 =	slt.u32 s9, $0xF7A;
	s5 =	simm.s32 @!p2 $0x0  }
0x1d: {  	s5 =	simm.s32 @p1 $0x1;
	p0 =	seq.s32 s7, s2  }
0x1e: {  	s7 =	smul.u32 @!p0 $0xF7A, s2;
	p2 =	seq.s32 @!p0 s5, $0x0  }
0x1f: {  	s9 =	smul.u32 $0xF7A, s1;
	s8 =	simm.s32 @!p0 $0x1BF5;
	p2 =	por !p2, p0  }
0x20: {  	[sflag:s8] =	ssyncset.s32 @!p0 $0xFFFFF086;
	s6 =	sadd.s32 @!p0 s3, s7;
	s7 =	simm.s32 @!p0 $0x108  }
0x21: {  	s3 =	sadd.s32 s3, s9;
	s6 =	sadd.s32 @!p0 $0x88, s6;
	s7 =	simm.s32 @p2 $0x1082  }
0x22: {  	[simem:s7], [sflag:s8] =	dma.local @!p0 [hbm:s6], $0xF7A  }
0x23: {  	s9 =	sor.u32 $0xD0000000, s2;
	s6 =	simm.s32 $0x108;
	_ =	swait.ge @!p0 [sflag:s8], $0x0  }
0x24: {  	s3 =	sadd.s32 $0x88, s3;
	s6 =	simm.s32 @!p1 $0x1082;
	[sflag:s4] =	ssyncset.s32 $0xFFFFF086  }
0x25: {  	[simem:s6], [sflag:s4] =	dma.local [hbm:s3], $0xF7A  }
0x26: {  	[smem:$0x3F9C] =	sst s1;
	(tag) =	ssettag s2;
	_ =	strace s9  }
0x27: {  	s1 =	sld [smem:$0x3FAC]  }
0x28: {  	s2 =	sld [smem:$0x3FAD]  }
0x29: {  	s4 =	sld [smem:$0x3FAF]  }
0x2a: {  	p0 =	seq.s32 s5, $0x0;
	s5 =	sld [smem:$0x3FB0]  }
0x2b: {  	s6 =	sld [smem:$0x3FB1]  }
0x2c: {  	s7 =	sld [smem:$0x3FB2]  }
0x2d: {  	s3 =	simm.s32 $0x108;
	s8 =	sld [smem:$0x3FB3]  }
0x2e: {  	s3 =	simm.s32 @!p0 $0x1082;
	s9 =	sld [smem:$0x3FB4]  }
0x2f: {  	lr =	sadd.s32 s0, s3;
	s0 =	sld [smem:$0x3FAB]  }
0x30: {  	s3 =	sld [smem:$0x3FAE]  }
0x31: {  	[smem:$0x3FB7] =	sst s10  }
0x32: {  	s10 =	sld [smem:$0x3FB5];
	_ =	sdelay $0x3  }
0x33: {  	p0 =	seq.s32 s10, $0x1;
	s10 =	sld [smem:$0x3FB7];
	_ =	sdelay $0x3  }
0x34: {  	[smem:$0x3FB7] =	sst s10  }
0x35: {  	s10 =	sld [smem:$0x3FB6];
	_ =	sdelay $0x3  }
0x36: {  	p1 =	seq.s32 s10, $0x1;
	s10 =	sld [smem:$0x3FB7];
	_ =	sdelay $0x3  }
0x37: {  	[smem:$0x3FB7] =	sst s10  }
0x38: {  	s10 =	sld [smem:$0x3FB8]  }
0x39: {  	_ = 	snop;
	(pc) =	sbr.ind lr, $3  }
0x3a: {  	_ = 	snop  }
0x3b: {  	_ = 	snop  }
0x3c: {  	p2 =	seq.s32 s10, $0x1;
	s10 =	sld [smem:$0x3FB7]  }
0x3d: {  	_ =	shalt  }
0x3e: {  	_ =	shalt  }
0x3f: {  	_ =	shalt  }
0x40: {  	_ =	shalt  }
0x41: {  	_ =	shalt  }
0x42: {  	_ =	shalt  }
0x43: {  	_ =	shalt  }
0x44: {  	_ =	shalt  }
0x45: {  	_ =	shalt  }
0x46: {  	_ =	shalt  }
0x47: {  	_ =	shalt  }
0x48: {  	_ =	shalt  }
0x49: {  	_ =	shalt  }
0x4a: {  	_ =	shalt  }
0x4b: {  	_ =	shalt  }
0x4c: {  	_ =	shalt  }
0x4d: {  	_ =	shalt  }
0x4e: {  	_ =	shalt  }
0x4f: {  	_ =	shalt  }
0x50: {  	_ =	shalt  }
0x51: {  	_ =	shalt  }
0x52: {  	_ =	shalt  }
0x53: {  	_ =	shalt  }
0x54: {  	_ =	shalt  }
0x55: {  	_ =	shalt  }
0x56: {  	_ =	shalt  }
0x57: {  	_ =	shalt  }
0x58: {  	_ =	shalt  }
0x59: {  	_ =	shalt  }
0x5a: {  	_ =	shalt  }
0x5b: {  	_ =	shalt  }
0x5c: {  	_ =	shalt  }
0x5d: {  	_ =	shalt  }
0x5e: {  	_ =	shalt  }
0x5f: {  	_ =	shalt  }
0x60: {  	_ =	shalt  }
0x61: {  	_ =	shalt  }
0x62: {  	_ =	shalt  }
0x63: {  	_ =	shalt  }
0x64: {  	_ =	shalt  }
0x65: {  	_ =	shalt  }
0x66: {  	_ =	shalt  }
0x67: {  	_ =	shalt  }
0x68: {  	_ =	shalt  }
0x69: {  	_ =	shalt  }
0x6a: {  	_ =	shalt  }
0x6b: {  	_ =	shalt  }
0x6c: {  	_ =	shalt  }
0x6d: {  	_ =	shalt  }
0x6e: {  	_ =	shalt  }
0x6f: {  	_ =	shalt  }
0x70: {  	_ =	shalt  }
0x71: {  	_ =	shalt  }
0x72: {  	_ =	shalt  }
0x73: {  	_ =	shalt  }
0x74: {  	_ =	shalt  }
0x75: {  	_ =	shalt  }
0x76: {  	_ =	shalt  }
0x77: {  	_ =	shalt  }
0x78: {  	_ =	shalt  }
0x79: {  	_ =	shalt  }
0x7a: {  	_ =	shalt  }
0x7b: {  	_ =	shalt  }
0x7c: {  	_ =	shalt  }
0x7d: {  	_ =	shalt  }
0x7e: {  	_ =	shalt  }
0x7f: {  	_ =	shalt  }
0x80: {  	_ =	shalt  }
0x81: {  	_ =	shalt  }
0x82: {  	_ =	shalt  }
0x83: {  	_ =	shalt  }
0x84: {  	_ =	shalt  }
0x85: {  	_ =	shalt  }
0x86: {  	_ =	shalt  }
0x87: {  	_ =	shalt  }
.Lfunc_end0:
.L_simem_size_0:
called_computation_lowered:
.L_overlay_start_0:
0x88: {  	s2 =	sld [smem:$0x3FD9]  }
0x89: {  	s3 =	sld [smem:$0x3FFE];
	_ =	sdelay $0x1  }
0x8a: {  	s1 =	srdreg.scid  }
0x8b: {  	s0 =	sand.u32 $0x1, s1  }
0x8c: {  	s14 =	sshll.u32 s0, $0xA;
	s2 =	sadd.s32 s3, s2  }
0x8d: {  	s2 =	sadd.s32 s2, s14  }
0x8e: {  	[smem:$0x3FC3] =	sst s2  }
0x8f: {  	_ = 	snop  }
0x90: {  	s2 =	sld [smem:$0x3FD0];
	_ =	sdelay $0x2  }
0x91: {  	s4 =	simm.s32 $0xA;
	s5 =	simm.s32 $0x10;
	s15 =	sld [smem:$0x3FC9]  }
0x92: {  	[smem:s5], [sflag:s4] =	dma.local [hbm:s2], $0x1  }
0x93: {  	_ =	swait.eq [sflag:s4], $0x1  }
0x94: {  	[sflag:s4] =	ssyncset.done $0x0  }
0x95: {  	[sflag:s4] =	ssyncadd.s32 $0xFFFFFFFF  }
0x96: {  	s16 =	sld [smem:$0x10];
	(tm) =	ssettm $0x1  }
0x97: {  	s17 =	sld [smem:$0x3FFB];
	_ =	sdelay $0x3  }
0x98: {  	_ =	strace s17  }
0x99: {  	s4 =	sld [smem:$0x3FFC];
	_ =	sdelay $0x3  }
0x9a: {  	_ =	strace s4  }
0x9b: {  	s4 =	sld [smem:$0x3FFD];
	_ =	sdelay $0x3  }
0x9c: {  	_ =	strace s4  }
0x9d: {  	_ =	strace $0x8FFFFFFF  }
0x9e: {  	s18 =	sld [smem:$0x3FDB];
	_ =	sdelay $0x1  }
0x9f: {  	s19 =	simm.s32 $_scs_section_size  }
0xa0: {  	s6 =	simm.s32 $_size__tile_overlayer_lowered;
	s7 =	simm.s32 $_tile_overlayer_lowered  }
0xa1: {  	s22 =	simm.s32 $0x1BFF;
	s21 =	sshll.u32 s7, $0x1;
	s4 =	sadd.s32 s19, s18  }
0xa2: {  	s8 =	simm.s32 $0x0;
	s20 =	sshll.u32 s6, $0x1;
	s6 =	sadd.s32 s21, s4  }
0xa3: {  	[timem:s8], [sflag:s22] =	dma.local [hbm:s6], s20  }
0xa4: {  	_ =	swait.ge [sflag:s22], s20  }
0xa5: {  	s5 =	ssub.s32 $0x0, s20;
	[sflag:s22] =	ssyncset.done $0x0  }
0xa6: {  	[sflag:s22] =	ssyncadd.s32 s5;
	_ =	sdelay $0x1  }
0xa7: {  	s23 =	simm.s32 $0x1B8B  }
0xa8: {  	_ =	swait.ge [sflag:s23], $0x1  }
0xa9: {  	[sflag:s23] =	ssyncset.done $0x0  }
0xaa: {  	s25 =	simm.s32 $0x1B8E;
	s24 =	sld [smem:$0x3FFE];
	[sflag:s23] =	ssyncadd.s32 $0xFFFFFFFF  }
0xab: {  	s26 =	simm.s32 $execute0_lowered;
	[smem:$0x3FD2] =	sst s25  }
0xac: {  	s6 =	sshll.u32 s26, $0x1;
	_ =	strace $0x80000046;
	[dreg:$0x1] =	wrdreg $0xFFFFFFFF  }
0xad: {  	s28 =	simm.s32 $_size_execute0_lowered;
	s4 =	sadd.s32 s4, s6;
	[dreg:$0x0] =	wrdreg $0x0  }
0xae: {  	s6 =	sshll.u32 s28, $0x1;
	[dreg:$0x2] =	wrdreg s4  }
0xaf: {  	[dreg:$0x3] =	wrdreg s6  }
0xb0: {  	[dreg:$0x4] =	wrdreg $0xC0  }
0xb1: {  	_ =	task [dreg:s8], $0x5FFFF  }
0xb2: {  	[dreg:$0x1] =	wrdreg $0xFFFFFFFF  }
0xb3: {  	[dreg:$0x0] =	wrdreg $0x60  }
0xb4: {  	[dreg:$0x2] =	wrdreg s15  }
0xb5: {  	[dreg:$0x3] =	wrdreg s24  }
0xb6: {  	[dreg:$0x4] =	wrdreg s16  }
0xb7: {  	[dreg:$0x5] =	wrdreg $0x9  }
0xb8: {  	_ =	task.clear_ibuf [dreg:s8], $0x6FFFF;
	_ =	strace $0x90000046  }
0xb9: {  	s29 =	simm.s32 $0x9;
	_ =	strace $0x80000048  }
0xba: {  	_ =	swait.ge [sflag:s29], $0x1  }
0xbb: {  	[sflag:s29] =	ssyncadd.s32 $0xFFFFFFFF  }
0xbc: {  	_ =	strace $0x90000048  }
0xbd: {  	_ =	sfence  }
0xbe: {  	s30 =	sld [smem:$0x0];
	_ =	sdelay $0x2  }
0xbf: {  	s31 =	sshll.u32 s1, $0xD;
	s1 =	sshrl.u32 s1, $0x2  }
0xc0: {  	s3 =	sand.u32 $0x4000, s31;
	s1 =	sadd.s32 s1, s30  }
0xc1: {  	s0 =	sor.u32 s3, s0;
	s1 =	sshll.u32 s1, $0x11  }
0xc2: {  	s0 =	sor.u32 s1, s0  }
0xc3: {  	s0 =	sadd.s32 $0x8F2B, s0  }
0xc4: {  	[sflag:s0] =	ssyncadd.remote.s32 $0x1  }
0xc5: {  	_ =	sfence.sel $0xFFFF  }
0xc6: {  	[dreg:$0x0] =	wrdreg $0xFFFFFFFF;
	(pc) =	sbr.abs _section_cstart, $3  }
0xc7: {  	[dreg:$0x1] =	wrdreg $0xFFFFFFFF  }
0xc8: {  	_ =	task.clear_ibuf [dreg:s8], $0x2FFFF;
	_ =	strace $0x9FFFFFFF  }
0xc9: {  	(tm) =	ssettm $0x7FFFFFFF  }
tec
execute0_lowered:
.L_overlay_start_1:
0x0: {  	(tag) =	ssettag $0x1  }
0x1: {  	s0 =	srdreg.scid  }
0x2: {  	s2 =	stileid.u32;
	s4 =	rddreg [dreg:$0x0];
	s1 =	sand.u32 $0x1, s0  }
0x3: {  	s6 =	rddreg [dreg:$0x2];
	s2 =	sshll.u32 s2, $0x7;
	s3 =	sshll.u32 s1, $0x6  }
0x4: {  	s0 =	rddreg [dreg:$0x1];
	s5 =	sor.u32 s3, s2;
	s2 =	simm.s32 $0x0  }
0x5: {  	s22 =	simm.s32 $0x1C000;
	[smem:$0x7FF] =	sst s2  }
0x6: {  	s23 =	simm.s32 $0x1C080;
	_ =	strace $0x80000047;
	[dreg:$0x6] =	wrdreg s22  }
0x7: {  	s24 =	simm.s32 $0x800;
	[dreg:$0x7] =	wrdreg s23  }
0x8: {  	s25 =	simm.s32 $0x1000;
	[dreg:$0x8] =	wrdreg s24  }
0x9: {  	s26 =	simm.s32 $0x2400;
	[dreg:$0x9] =	wrdreg s25  }
0xa: {  	s9 =	simm.s32 $0x4800;
	[dreg:$0xa] =	wrdreg s26  }
0xb: {  	s10 =	simm.s32 $0x5C00;
	[dreg:$0xd] =	wrdreg s9  }
0xc: {  	s11 =	simm.s32 $0x6400;
	[dreg:$0xe] =	wrdreg s10  }
0xd: {  	s13 =	simm.s32 $0x7800;
	[dreg:$0xf] =	wrdreg s11  }
0xe: {  	s14 =	simm.s32 $0x8000;
	[dreg:$0x10] =	wrdreg s13  }
0xf: {  	s15 =	simm.s32 $0x9400;
	[dreg:$0x11] =	wrdreg s14  }
0x10: {  	s16 =	simm.s32 $0x9C00;
	[dreg:$0x12] =	wrdreg s15  }
0x11: {  	s17 =	simm.s32 $0xB000;
	[dreg:$0x13] =	wrdreg s16  }
0x12: {  	s18 =	simm.s32 $0xB800;
	s19 =	simm.s32 $0xCC00;
	[dreg:$0x14] =	wrdreg s17  }
0x13: {  	s20 =	simm.s32 $0xD400;
	s28 =	simm.s32 $0x5400;
	[dreg:$0x15] =	wrdreg s18  }
0x14: {  	s29 =	simm.s32 $0x7000;
	s30 =	simm.s32 $0x8C00;
	[dreg:$0x16] =	wrdreg s19  }
0x15: {  	s31 =	simm.s32 $0xA800;
	[dreg:$0x17] =	wrdreg s20;
	s10 =	simm.s32 $0xF000  }
0x16: {  	s21 =	sadd.s32 $0x1200, s0;
	s22 =	simm.s32 $0x10400;
	[dreg:$0x19] =	wrdreg s10  }
0x17: {  	s1 =	ssub.s32 $0x2, s1;
	s23 =	simm.s32 $0x10C00;
	[dreg:$0x1a] =	wrdreg s22  }
0x18: {  	s12 =	sshrl.u32 s1, $0x1;
	s25 =	simm.s32 $0x12000;
	[dreg:$0x1b] =	wrdreg s23  }
0x19: {  	s7 =	sshll.u32 s5, $0x1;
	s11 =	simm.s32 $0x12800;
	[dreg:$0x1c] =	wrdreg s25  }
0x1a: {  	s1 =	ssub.s32 s1, s12;
	s13 =	simm.s32 $0x13C00;
	[dreg:$0x1d] =	wrdreg s11  }
0x1b: {  	s8 =	sand.u32 $0xF00, s7;
	s15 =	simm.s32 $0x14400;
	[dreg:$0x1e] =	wrdreg s13  }
0x1c: {  	s9 =	sshrl.u32 s5, $0x3;
	s17 =	simm.s32 $0x15800;
	[dreg:$0x1f] =	wrdreg s15  }
0x1d: {  	s19 =	simm.s32 $0x16000;
	s8 =	sor.u32 s3, s8;
	[smem:$0x7F4] =	sst s17  }
0x1e: {  	s3 =	sor.u32 s3, s7;
	s7 =	simm.s32 $0x2C00;
	[smem:$0x7F7] =	sst s19  }
0x1f: {  	s5 =	sshll.u32 s5, $0x4;
	s22 =	simm.s32 $0x17C00;
	[dreg:$0xb] =	wrdreg s7  }
0x20: {  	s9 =	smul.u32 $0x300, s9;
	s23 =	simm.s32 $0x19000;
	[smem:$0x7F9] =	sst s22  }
0x21: {  	s25 =	simm.s32 $0x1AC00;
	s8 =	sshrl.u32 s8, $0x3;
	[smem:$0x7FA] =	sst s23  }
0x22: {  	s3 =	sshrl.u32 s3, $0x3;
	[smem:$0x7FC] =	sst s25;
	s8 =	sadd.s32 s21, s8  }
0x23: {  	s3 =	sor.u32 $0x10, s3;
	s4 =	sadd.s32 s4, s9;
	[dreg:$0x5] =	wrdreg s8  }
0x24: {  	s5 =	sadd.s32 s6, s5;
	s3 =	sadd.s32 s21, s3;
	[smem:$0x7F5] =	sst s4  }
0x25: {  	s10 =	smax.u32 s1, $0x1;
	s8 =	simm.s32 $0x4000;
	[dreg:$0x4] =	wrdreg s3  }
0x26: {  	s1 =	simm.s32 $0x8800;
	s21 =	simm.s32 $0xE800;
	[dreg:$0xc] =	wrdreg s8  }
0x27: {  	s19 =	simm.s32 $0x13000;
	s24 =	sadd.s32 $0x300, s4;
	[dreg:$0x18] =	wrdreg s21  }
0x28: {  	s6 =	sadd.s32 $0x8000, s5;
	s26 =	sadd.s32 $0x600, s4;
	[smem:$0x7EE] =	sst s24  }
0x29: {  	s7 =	sadd.s32 $0x1500, s0;
	s12 =	sadd.s32 $0x900, s4;
	[smem:$0x7EF] =	sst s26  }
0x2a: {  	s22 =	simm.s32 $0x2;
	s14 =	sadd.s32 $0xC00, s4;
	[smem:$0x7F0] =	sst s12  }
0x2b: {  	s25 =	simm.s32 $0x1C00;
	s16 =	sadd.s32 $0xF00, s4;
	[smem:$0x7F1] =	sst s14  }
0x2c: {  	s9 =	sadd.s32 $0x1700, s0;
	s18 =	sadd.s32 $0x1200, s4;
	[smem:$0x7F2] =	sst s16  }
0x2d: {  	s20 =	sadd.s32 $0x1500, s4;
	s3 =	sadd.s32 $0x1400, s0;
	[smem:$0x7F3] =	sst s18  }
0x2e: {  	s8 =	sadd.s32 $0x1600, s0;
	[smem:$0x7F6] =	sst s20;
	s21 =	simm.s32 $0x17400  }
0x2f: {  	v2 =	vlaneseq.u32;
	s24 =	simm.s32 $0x19800;
	s26 =	simm.s32 $0x1B400;
	[smem:$0x7F8] =	sst s21  }
0x30: {  	vm0 =	vmmov $0xffff;
	vm1 =	vmmov $0xff;
	v1 =	vshrl.u32 v2, $0x3;
	s18 =	simm.s32 $0x3;
	s20 =	simm.s32 $0xC400;
	[smem:$0x7FB] =	sst s24  }
0x31: {  	v0 =	vand.u32 $0x7, v2;
	v2 =	vor.u32 $0x8, v2;
	v1 =	vmul.u32 $0x8, v1;
	[smem:$0x7FD] =	sst s26;
	s21 =	simm.s32 $0x1;
	s26 =	simm.s32 $0x3800  }
.LBB2_1:
0x32: {  	s4 =	sld [smem:$0x7F5];
	_ =	sdelay $0x1  }
0x33: {  	s11 =	sld [smem:$0x7EE]  }
0x34: {  	[tilespmem:s2], [sflag:$0x1] =	stream.linear.gather [hbm4b:s4+s2], $0x1800, $0x38;
	[tilespmem:$0x1C100] =	vst v63  }
0x35: {  	s12 =	sld [smem:$0x7EF]  }
0x36: {  	[tilespmem:s25], [sflag:$0x1] =	stream.linear.gather [hbm4b:s11+s2], $0x1800, $0x38;
	[tilespmem:$0x1C100] =	vst v63  }
0x37: {  	s13 =	sld [smem:$0x7F0]  }
0x38: {  	[tilespmem:s26], [sflag:$0x1] =	stream.linear.gather [hbm4b:s12+s2], $0x1800, $0x38;
	[tilespmem:$0x1C100] =	vst v63  }
0x39: {  	s14 =	sld [smem:$0x7F1]  }
0x3a: {  	[tilespmem:s28], [sflag:$0x1] =	stream.linear.gather [hbm4b:s13+s2], $0x1800, $0x38;
	[tilespmem:$0x1C100] =	vst v63  }
0x3b: {  	s15 =	sld [smem:$0x7F2]  }
0x3c: {  	[tilespmem:s29], [sflag:$0x1] =	stream.linear.gather [hbm4b:s14+s2], $0x1800, $0x38;
	[tilespmem:$0x1C100] =	vst v63  }
0x3d: {  	s16 =	sld [smem:$0x7F3]  }
0x3e: {  	[tilespmem:s30], [sflag:$0x1] =	stream.linear.gather [hbm4b:s15+s2], $0x1800, $0x38;
	[tilespmem:$0x1C100] =	vst v63  }
0x3f: {  	s17 =	sld [smem:$0x7F6]  }
0x40: {  	[tilespmem:s31], [sflag:$0x1] =	stream.linear.gather [hbm4b:s16+s2], $0x1800, $0x38;
	[tilespmem:$0x1C100] =	vst v63  }
0x41: {  	_ = 	snop  }
0x42: {  	[tilespmem:s20], [sflag:$0x1] =	stream.linear.gather [hbm4b:s17+s2], $0x1800, $0x38;
	[tilespmem:$0x1C100] =	vst v63  }
0x43: {  	s0 =	simm.s32 $0xE000  }
0x44: {  	[tilespmem:s0], [sflag:$0x2] =	stream.linear.gather [hbm4b:s4+s2], $0x1800, $0x38;
	[tilespmem:$0x1C100] =	vst v63  }
0x45: {  	s24 =	simm.s32 $0xFC00  }
0x46: {  	[tilespmem:s24], [sflag:$0x2] =	stream.linear.gather [hbm4b:s11+s2], $0x1800, $0x38;
	[tilespmem:$0x1C100] =	vst v63  }
0x47: {  	s4 =	simm.s32 $0x11800  }
0x48: {  	[tilespmem:s4], [sflag:$0x2] =	stream.linear.gather [hbm4b:s12+s2], $0x1800, $0x38;
	[tilespmem:$0x1C100] =	vst v63  }
0x49: {  	s11 =	simm.s32 $0x13400  }
0x4a: {  	[tilespmem:s11], [sflag:$0x2] =	stream.linear.gather [hbm4b:s13+s2], $0x1800, $0x38;
	[tilespmem:$0x1C100] =	vst v63  }
0x4b: {  	s12 =	simm.s32 $0x15000  }
0x4c: {  	[tilespmem:s12], [sflag:$0x2] =	stream.linear.gather [hbm4b:s14+s2], $0x1800, $0x38;
	[tilespmem:$0x1C100] =	vst v63  }
0x4d: {  	s13 =	simm.s32 $0x16C00  }
0x4e: {  	[tilespmem:s13], [sflag:$0x2] =	stream.linear.gather [hbm4b:s15+s2], $0x1800, $0x38;
	[tilespmem:$0x1C100] =	vst v63  }
0x4f: {  	s14 =	simm.s32 $0x18800  }
0x50: {  	[tilespmem:s14], [sflag:$0x2] =	stream.linear.gather [hbm4b:s16+s2], $0x1800, $0x38;
	[tilespmem:$0x1C100] =	vst v63  }
0x51: {  	s23 =	rddreg [dreg:$0x5];
	s15 =	simm.s32 $0x1A400  }
0x52: {  	[tilespmem:s15], [sflag:$0x2] =	stream.linear.gather [hbm4b:s17+s2], $0x1800, $0x38;
	[tilespmem:$0x1C100] =	vst v63  }
0x53: {  	s24 =	rddreg [dreg:$0x6]  }
0x54: {  	[tilespmem:s24], [sflag:$0x3] =	stream.linear.gather [hbm4b:s23+s2], $0x40, $0x38;
	[tilespmem:$0x1C100] =	vst v63  }
0x55: {  	_ =	swait.ge [sflag:s18], $0x40  }
0x56: {  	s16 =	rddreg [dreg:$0x4];
	[sflag:s18] =	ssyncset.done $0x0  }
0x57: {  	s17 =	rddreg [dreg:$0x7];
	[sflag:s18] =	ssyncadd.s32 $0xFFFFFFC0  }
0x58: {  	[tilespmem:s17], [sflag:$0x3] =	stream.linear.gather [hbm4b:s16+s2], $0x40, $0x38;
	[tilespmem:$0x1C100] =	vst v63  }
0x59: {  	_ =	swait.ge [sflag:s18], $0x40  }
0x5a: {  	[sflag:s18] =	ssyncset.done $0x0  }
0x5b: {  	s4 =	simm.s32 $0x1800;
	[sflag:s18] =	ssyncadd.s32 $0xFFFFFFC0  }
0x5c: {  	[tilespmem:s4], [sflag:$0x3] =	stream.linear.gather [hbm4b:s5+s2], $0x400, $0x38;
	[tilespmem:$0x1C100] =	vst v63  }
0x5d: {  	s24 =	sadd.s32 $0x80, s5;
	s16 =	simm.s32 $0x3400  }
0x5e: {  	[tilespmem:s16], [sflag:$0x3] =	stream.linear.gather [hbm4b:s24+s2], $0x400, $0x38;
	[tilespmem:$0x1C100] =	vst v63  }
0x5f: {  	s0 =	sadd.s32 $0x100, s5;
	s17 =	simm.s32 $0x5000  }
0x60: {  	[tilespmem:s17], [sflag:$0x3] =	stream.linear.gather [hbm4b:s0+s2], $0x400, $0x38;
	[tilespmem:$0x1C100] =	vst v63  }
0x61: {  	s11 =	sadd.s32 $0x180, s5;
	s0 =	simm.s32 $0x6C00  }
0x62: {  	[tilespmem:s0], [sflag:$0x3] =	stream.linear.gather [hbm4b:s11+s2], $0x400, $0x38;
	[tilespmem:$0x1C100] =	vst v63  }
0x63: {  	s12 =	sadd.s32 $0x200, s5  }
0x64: {  	[tilespmem:s1], [sflag:$0x3] =	stream.linear.gather [hbm4b:s12+s2], $0x400, $0x38;
	[tilespmem:$0x1C100] =	vst v63  }
0x65: {  	s13 =	sadd.s32 $0x280, s5;
	s11 =	simm.s32 $0xA400  }
0x66: {  	[tilespmem:s11], [sflag:$0x3] =	stream.linear.gather [hbm4b:s13+s2], $0x400, $0x38;
	[tilespmem:$0x1C100] =	vst v63  }
0x67: {  	s14 =	sadd.s32 $0x300, s5;
	s12 =	simm.s32 $0xC000  }
0x68: {  	[tilespmem:s12], [sflag:$0x3] =	stream.linear.gather [hbm4b:s14+s2], $0x400, $0x38;
	[tilespmem:$0x1C100] =	vst v63  }
0x69: {  	s15 =	sadd.s32 $0x380, s5;
	s13 =	simm.s32 $0xDC00  }
0x6a: {  	[tilespmem:s13], [sflag:$0x3] =	stream.linear.gather [hbm4b:s15+s2], $0x400, $0x38;
	[tilespmem:$0x1C100] =	vst v63  }
0x6b: {  	_ =	swait.ge [sflag:s18], $0x2000  }
0x6c: {  	[sflag:s18] =	ssyncset.done $0x0  }
0x6d: {  	s14 =	simm.s32 $0xF800;
	[sflag:s18] =	ssyncadd.s32 $0xFFFFE000  }
0x6e: {  	[tilespmem:s14], [sflag:$0x3] =	stream.linear.gather [hbm4b:s6+s2], $0x400, $0x38;
	[tilespmem:$0x1C100] =	vst v63  }
0x6f: {  	s24 =	sadd.s32 $0x80, s6;
	s15 =	simm.s32 $0x11400  }
0x70: {  	[tilespmem:s15], [sflag:$0x3] =	stream.linear.gather [hbm4b:s24+s2], $0x400, $0x38;
	[tilespmem:$0x1C100] =	vst v63  }
0x71: {  	s24 =	sadd.s32 $0x100, s6  }
0x72: {  	[tilespmem:s19], [sflag:$0x3] =	stream.linear.gather [hbm4b:s24+s2], $0x400, $0x38;
	[tilespmem:$0x1C100] =	vst v63  }
0x73: {  	s23 =	sadd.s32 $0x180, s6;
	s24 =	simm.s32 $0x14C00  }
0x74: {  	[tilespmem:s24], [sflag:$0x3] =	stream.linear.gather [hbm4b:s23+s2], $0x400, $0x38;
	[tilespmem:$0x1C100] =	vst v63  }
0x75: {  	s23 =	sadd.s32 $0x200, s6;
	s24 =	simm.s32 $0x16800  }
0x76: {  	[tilespmem:s24], [sflag:$0x3] =	stream.linear.gather [hbm4b:s23+s2], $0x400, $0x38;
	[tilespmem:$0x1C100] =	vst v63  }
0x77: {  	s23 =	sadd.s32 $0x280, s6;
	s24 =	simm.s32 $0x18400  }
0x78: {  	[tilespmem:s24], [sflag:$0x3] =	stream.linear.gather [hbm4b:s23+s2], $0x400, $0x38;
	[tilespmem:$0x1C100] =	vst v63  }
0x79: {  	s23 =	sadd.s32 $0x300, s6;
	s24 =	simm.s32 $0x1A000  }
0x7a: {  	[tilespmem:s24], [sflag:$0x3] =	stream.linear.gather [hbm4b:s23+s2], $0x400, $0x38;
	[tilespmem:$0x1C100] =	vst v63  }
0x7b: {  	s23 =	sadd.s32 $0x380, s6;
	s24 =	simm.s32 $0x1BC00  }
0x7c: {  	[tilespmem:s24], [sflag:$0x3] =	stream.linear.gather [hbm4b:s23+s2], $0x400, $0x38;
	[tilespmem:$0x1C100] =	vst v63  }
0x7d: {  	_ =	swait.ge [sflag:s18], $0x2000  }
0x7e: {  	[sflag:s18] =	ssyncset.done $0x0  }
0x7f: {  	[sflag:s18] =	ssyncadd.s32 $0xFFFFE000  }
0x80: {  	_ =	swait.ge [sflag:s21], $0xC000  }
0x81: {  	[sflag:s21] =	ssyncset.done $0x0  }
0x82: {  	[sflag:s21] =	ssyncadd.s32 $0xFFFF4000  }
0x83: {  	_ =	swait.ge [sflag:s22], $0xC000  }
0x84: {  	[sflag:s22] =	ssyncset.done $0x0  }
0x85: {  	[sflag:s22] =	ssyncadd.s32 $0xFFFF4000  }
0x86: {  	v3 =	vld [tilespmem:$0x1C000];
	_ =	sdelay $0x4  }
0x87: {  	v4 =	vshrl.u32 v3, $0x3  }
0x88: {  	v4 =	vmul.u32 $0x38, v4  }
0x89: {  	v3 =	vand.u32 $0x7, v3  }
0x8a: {  	v3 =	vor.u32 v3, v4  }
0x8b: {  	v4 =	vperm.xlane v3, v0;
	_ =	sdelay $0x1  }
0x8c: {  	v4 =	vadd.s32 v1, v4;
	_ =	sdelay $0x4  }
0x8d: {  	[hbm4b:s3+s2] =	stream.indirect_vreg.scatter [tilespmem:s2], [sflag:$0x1], $0x80, v4, vm0, $0xb8;
	[tilespmem:$0x1C100] =	vst v63  }
0x8e: {  	s23 =	rddreg [dreg:$0x8];
	v3 =	vperm.xlane v3, v2  }
0x8f: {  	[hbm4b:s7+s2] =	stream.indirect_vreg.scatter [tilespmem:s23], [sflag:$0x1], $0x80, v4, vm0, $0xb8;
	[tilespmem:$0x1C100] =	vst v63  }
0x90: {  	s24 =	rddreg [dreg:$0x9];
	v3 =	vadd.s32 v1, v3  }
0x91: {  	[hbm4b:s8+s2] =	stream.indirect_vreg.scatter [tilespmem:s24], [sflag:$0x1], $0x80, v4, vm0, $0xb8;
	[tilespmem:$0x1C100] =	vst v63  }
0x92: {  	_ = 	snop  }
0x93: {  	[hbm4b:s9+s2] =	stream.indirect_vreg.scatter [tilespmem:s4], [sflag:$0x1], $0x80, v4, vm1, $0xb8;
	[tilespmem:$0x1C100] =	vst v63  }
0x94: {  	_ = 	snop  }
0x95: {  	[hbm4b:s3+s2] =	stream.indirect_vreg.scatter [tilespmem:s25], [sflag:$0x1], $0x80, v3, vm0, $0xb8;
	[tilespmem:$0x1C100] =	vst v63  }
0x96: {  	s24 =	rddreg [dreg:$0xa]  }
0x97: {  	[hbm4b:s7+s2] =	stream.indirect_vreg.scatter [tilespmem:s24], [sflag:$0x1], $0x80, v3, vm0, $0xb8;
	[tilespmem:$0x1C100] =	vst v63  }
0x98: {  	s4 =	rddreg [dreg:$0xb]  }
0x99: {  	[hbm4b:s8+s2] =	stream.indirect_vreg.scatter [tilespmem:s4], [sflag:$0x1], $0x80, v3, vm0, $0xb8;
	[tilespmem:$0x1C100] =	vst v63  }
0x9a: {  	_ = 	snop  }
0x9b: {  	[hbm4b:s9+s2] =	stream.indirect_vreg.scatter [tilespmem:s16], [sflag:$0x1], $0x80, v3, vm1, $0xb8;
	[tilespmem:$0x1C100] =	vst v63  }
0x9c: {  	v3 =	vld [tilespmem:$0x1C010];
	_ =	sdelay $0x4  }
0x9d: {  	v57 =	vshrl.u32 v3, $0x3  }
0x9e: {  	v4 =	vmul.u32 $0x38, v57  }
0x9f: {  	v3 =	vand.u32 $0x7, v3  }
0xa0: {  	v3 =	vor.u32 v3, v4  }
0xa1: {  	v4 =	vperm.xlane v3, v0;
	_ =	sdelay $0x1  }
0xa2: {  	v4 =	vadd.s32 v1, v4;
	_ =	sdelay $0x4  }
0xa3: {  	[hbm4b:s3+s2] =	stream.indirect_vreg.scatter [tilespmem:s26], [sflag:$0x1], $0x80, v4, vm0, $0xb8;
	[tilespmem:$0x1C100] =	vst v63  }
0xa4: {  	s4 =	rddreg [dreg:$0xc];
	v3 =	vperm.xlane v3, v2  }
0xa5: {  	[hbm4b:s7+s2] =	stream.indirect_vreg.scatter [tilespmem:s4], [sflag:$0x1], $0x80, v4, vm0, $0xb8;
	[tilespmem:$0x1C100] =	vst v63  }
0xa6: {  	s16 =	rddreg [dreg:$0xd];
	v3 =	vadd.s32 v1, v3  }
0xa7: {  	[hbm4b:s8+s2] =	stream.indirect_vreg.scatter [tilespmem:s16], [sflag:$0x1], $0x80, v4, vm0, $0xb8;
	[tilespmem:$0x1C100] =	vst v63  }
0xa8: {  	_ = 	snop  }
0xa9: {  	[hbm4b:s9+s2] =	stream.indirect_vreg.scatter [tilespmem:s17], [sflag:$0x1], $0x80, v4, vm1, $0xb8;
	[tilespmem:$0x1C100] =	vst v63  }
0xaa: {  	_ = 	snop  }
0xab: {  	[hbm4b:s3+s2] =	stream.indirect_vreg.scatter [tilespmem:s28], [sflag:$0x1], $0x80, v3, vm0, $0xb8;
	[tilespmem:$0x1C100] =	vst v63  }
0xac: {  	s24 =	rddreg [dreg:$0xe]  }
0xad: {  	[hbm4b:s7+s2] =	stream.indirect_vreg.scatter [tilespmem:s24], [sflag:$0x1], $0x80, v3, vm0, $0xb8;
	[tilespmem:$0x1C100] =	vst v63  }
0xae: {  	s4 =	rddreg [dreg:$0xf]  }
0xaf: {  	[hbm4b:s8+s2] =	stream.indirect_vreg.scatter [tilespmem:s4], [sflag:$0x1], $0x80, v3, vm0, $0xb8;
	[tilespmem:$0x1C100] =	vst v63  }
0xb0: {  	_ = 	snop  }
0xb1: {  	[hbm4b:s9+s2] =	stream.indirect_vreg.scatter [tilespmem:s0], [sflag:$0x1], $0x80, v3, vm1, $0xb8;
	[tilespmem:$0x1C100] =	vst v63  }
0xb2: {  	v3 =	vld [tilespmem:$0x1C020];
	_ =	sdelay $0x4  }
0xb3: {  	v58 =	vshrl.u32 v3, $0x3  }
0xb4: {  	v4 =	vmul.u32 $0x38, v58  }
0xb5: {  	v3 =	vand.u32 $0x7, v3  }
0xb6: {  	v3 =	vor.u32 v3, v4  }
0xb7: {  	v4 =	vperm.xlane v3, v0;
	_ =	sdelay $0x1  }
0xb8: {  	v4 =	vadd.s32 v1, v4;
	_ =	sdelay $0x4  }
0xb9: {  	[hbm4b:s3+s2] =	stream.indirect_vreg.scatter [tilespmem:s29], [sflag:$0x1], $0x80, v4, vm0, $0xb8;
	[tilespmem:$0x1C100] =	vst v63  }
0xba: {  	s16 =	rddreg [dreg:$0x10];
	v3 =	vperm.xlane v3, v2  }
0xbb: {  	[hbm4b:s7+s2] =	stream.indirect_vreg.scatter [tilespmem:s16], [sflag:$0x1], $0x80, v4, vm0, $0xb8;
	[tilespmem:$0x1C100] =	vst v63  }
0xbc: {  	s17 =	rddreg [dreg:$0x11];
	v3 =	vadd.s32 v1, v3  }
0xbd: {  	[hbm4b:s8+s2] =	stream.indirect_vreg.scatter [tilespmem:s17], [sflag:$0x1], $0x80, v4, vm0, $0xb8;
	[tilespmem:$0x1C100] =	vst v63  }
0xbe: {  	_ = 	snop  }
0xbf: {  	[hbm4b:s9+s2] =	stream.indirect_vreg.scatter [tilespmem:s1], [sflag:$0x1], $0x80, v4, vm1, $0xb8;
	[tilespmem:$0x1C100] =	vst v63  }
0xc0: {  	_ = 	snop  }
0xc1: {  	[hbm4b:s3+s2] =	stream.indirect_vreg.scatter [tilespmem:s30], [sflag:$0x1], $0x80, v3, vm0, $0xb8;
	[tilespmem:$0x1C100] =	vst v63  }
0xc2: {  	s24 =	rddreg [dreg:$0x12]  }
0xc3: {  	[hbm4b:s7+s2] =	stream.indirect_vreg.scatter [tilespmem:s24], [sflag:$0x1], $0x80, v3, vm0, $0xb8;
	[tilespmem:$0x1C100] =	vst v63  }
0xc4: {  	s0 =	rddreg [dreg:$0x13]  }
0xc5: {  	[hbm4b:s8+s2] =	stream.indirect_vreg.scatter [tilespmem:s0], [sflag:$0x1], $0x80, v3, vm0, $0xb8;
	[tilespmem:$0x1C100] =	vst v63  }
0xc6: {  	_ = 	snop  }
0xc7: {  	[hbm4b:s9+s2] =	stream.indirect_vreg.scatter [tilespmem:s11], [sflag:$0x1], $0x80, v3, vm1, $0xb8;
	[tilespmem:$0x1C100] =	vst v63  }
0xc8: {  	v3 =	vld [tilespmem:$0x1C030];
	_ =	sdelay $0x4  }
0xc9: {  	v59 =	vshrl.u32 v3, $0x3  }
0xca: {  	v4 =	vmul.u32 $0x38, v59  }
0xcb: {  	v3 =	vand.u32 $0x7, v3  }
0xcc: {  	v3 =	vor.u32 v3, v4  }
0xcd: {  	v4 =	vperm.xlane v3, v0;
	_ =	sdelay $0x1  }
0xce: {  	v4 =	vadd.s32 v1, v4;
	_ =	sdelay $0x4  }
0xcf: {  	[hbm4b:s3+s2] =	stream.indirect_vreg.scatter [tilespmem:s31], [sflag:$0x1], $0x80, v4, vm0, $0xb8;
	[tilespmem:$0x1C100] =	vst v63  }
0xd0: {  	s4 =	rddreg [dreg:$0x14];
	v3 =	vperm.xlane v3, v2  }
0xd1: {  	[hbm4b:s7+s2] =	stream.indirect_vreg.scatter [tilespmem:s4], [sflag:$0x1], $0x80, v4, vm0, $0xb8;
	[tilespmem:$0x1C100] =	vst v63  }
0xd2: {  	s11 =	rddreg [dreg:$0x15];
	v3 =	vadd.s32 v1, v3  }
0xd3: {  	[hbm4b:s8+s2] =	stream.indirect_vreg.scatter [tilespmem:s11], [sflag:$0x1], $0x80, v4, vm0, $0xb8;
	[tilespmem:$0x1C100] =	vst v63  }
0xd4: {  	_ = 	snop  }
0xd5: {  	[hbm4b:s9+s2] =	stream.indirect_vreg.scatter [tilespmem:s12], [sflag:$0x1], $0x80, v4, vm1, $0xb8;
	[tilespmem:$0x1C100] =	vst v63  }
0xd6: {  	_ = 	snop  }
0xd7: {  	[hbm4b:s3+s2] =	stream.indirect_vreg.scatter [tilespmem:s20], [sflag:$0x1], $0x80, v3, vm0, $0xb8;
	[tilespmem:$0x1C100] =	vst v63  }
0xd8: {  	s16 =	rddreg [dreg:$0x16]  }
0xd9: {  	[hbm4b:s7+s2] =	stream.indirect_vreg.scatter [tilespmem:s16], [sflag:$0x1], $0x80, v3, vm0, $0xb8;
	[tilespmem:$0x1C100] =	vst v63  }
0xda: {  	s17 =	rddreg [dreg:$0x17]  }
0xdb: {  	[hbm4b:s8+s2] =	stream.indirect_vreg.scatter [tilespmem:s17], [sflag:$0x1], $0x80, v3, vm0, $0xb8;
	[tilespmem:$0x1C100] =	vst v63  }
0xdc: {  	_ = 	snop  }
0xdd: {  	[hbm4b:s9+s2] =	stream.indirect_vreg.scatter [tilespmem:s13], [sflag:$0x1], $0x80, v3, vm1, $0xb8;
	[tilespmem:$0x1C100] =	vst v63  }
0xde: {  	v3 =	vld [tilespmem:$0x1C080];
	_ =	sdelay $0x4  }
0xdf: {  	v60 =	vshrl.u32 v3, $0x3  }
0xe0: {  	v4 =	vmul.u32 $0x38, v60  }
0xe1: {  	v3 =	vand.u32 $0x7, v3  }
0xe2: {  	v3 =	vor.u32 v3, v4  }
0xe3: {  	v4 =	vperm.xlane v3, v0;
	_ =	sdelay $0x1  }
0xe4: {  	v4 =	vadd.s32 v1, v4;
	_ =	sdelay $0x3  }
0xe5: {  	s4 =	simm.s32 $0xE000  }
0xe6: {  	[hbm4b:s3+s2] =	stream.indirect_vreg.scatter [tilespmem:s4], [sflag:$0x2], $0x80, v4, vm0, $0xb8;
	[tilespmem:$0x1C100] =	vst v63  }
0xe7: {  	s24 =	rddreg [dreg:$0x18];
	v3 =	vperm.xlane v3, v2  }
0xe8: {  	[hbm4b:s7+s2] =	stream.indirect_vreg.scatter [tilespmem:s24], [sflag:$0x2], $0x80, v4, vm0, $0xb8;
	[tilespmem:$0x1C100] =	vst v63  }
0xe9: {  	s11 =	rddreg [dreg:$0x19];
	v3 =	vadd.s32 v1, v3  }
0xea: {  	[hbm4b:s8+s2] =	stream.indirect_vreg.scatter [tilespmem:s11], [sflag:$0x2], $0x80, v4, vm0, $0xb8;
	[tilespmem:$0x1C100] =	vst v63  }
0xeb: {  	_ = 	snop  }
0xec: {  	[hbm4b:s9+s2] =	stream.indirect_vreg.scatter [tilespmem:s14], [sflag:$0x2], $0x80, v4, vm1, $0xb8;
	[tilespmem:$0x1C100] =	vst v63  }
0xed: {  	s13 =	simm.s32 $0xFC00  }
0xee: {  	[hbm4b:s3+s2] =	stream.indirect_vreg.scatter [tilespmem:s13], [sflag:$0x2], $0x80, v3, vm0, $0xb8;
	[tilespmem:$0x1C100] =	vst v63  }
0xef: {  	s12 =	rddreg [dreg:$0x1a]  }
0xf0: {  	[hbm4b:s7+s2] =	stream.indirect_vreg.scatter [tilespmem:s12], [sflag:$0x2], $0x80, v3, vm0, $0xb8;
	[tilespmem:$0x1C100] =	vst v63  }
0xf1: {  	s14 =	rddreg [dreg:$0x1b]  }
0xf2: {  	[hbm4b:s8+s2] =	stream.indirect_vreg.scatter [tilespmem:s14], [sflag:$0x2], $0x80, v3, vm0, $0xb8;
	[tilespmem:$0x1C100] =	vst v63  }
0xf3: {  	_ = 	snop  }
0xf4: {  	[hbm4b:s9+s2] =	stream.indirect_vreg.scatter [tilespmem:s15], [sflag:$0x2], $0x80, v3, vm1, $0xb8;
	[tilespmem:$0x1C100] =	vst v63  }
0xf5: {  	v3 =	vld [tilespmem:$0x1C090];
	_ =	sdelay $0x4  }
0xf6: {  	v61 =	vshrl.u32 v3, $0x3  }
0xf7: {  	v4 =	vmul.u32 $0x38, v61  }
0xf8: {  	v3 =	vand.u32 $0x7, v3  }
0xf9: {  	v3 =	vor.u32 v3, v4  }
0xfa: {  	v4 =	vperm.xlane v3, v0;
	_ =	sdelay $0x1  }
0xfb: {  	v4 =	vadd.s32 v1, v4;
	_ =	sdelay $0x3  }
0xfc: {  	s16 =	simm.s32 $0x11800  }
0xfd: {  	[hbm4b:s3+s2] =	stream.indirect_vreg.scatter [tilespmem:s16], [sflag:$0x2], $0x80, v4, vm0, $0xb8;
	[tilespmem:$0x1C100] =	vst v63  }
0xfe: {  	s15 =	rddreg [dreg:$0x1c];
	v3 =	vperm.xlane v3, v2  }
0xff: {  	[hbm4b:s7+s2] =	stream.indirect_vreg.scatter [tilespmem:s15], [sflag:$0x2], $0x80, v4, vm0, $0xb8;
	[tilespmem:$0x1C100] =	vst v63  }
0x100: {  	s17 =	rddreg [dreg:$0x1d];
	v3 =	vadd.s32 v1, v3  }
0x101: {  	[hbm4b:s8+s2] =	stream.indirect_vreg.scatter [tilespmem:s17], [sflag:$0x2], $0x80, v4, vm0, $0xb8;
	[tilespmem:$0x1C100] =	vst v63  }
0x102: {  	_ = 	snop  }
0x103: {  	[hbm4b:s9+s2] =	stream.indirect_vreg.scatter [tilespmem:s19], [sflag:$0x2], $0x80, v4, vm1, $0xb8;
	[tilespmem:$0x1C100] =	vst v63  }
0x104: {  	s4 =	simm.s32 $0x13400  }
0x105: {  	[hbm4b:s3+s2] =	stream.indirect_vreg.scatter [tilespmem:s4], [sflag:$0x2], $0x80, v3, vm0, $0xb8;
	[tilespmem:$0x1C100] =	vst v63  }
0x106: {  	s24 =	rddreg [dreg:$0x1e]  }
0x107: {  	[hbm4b:s7+s2] =	stream.indirect_vreg.scatter [tilespmem:s24], [sflag:$0x2], $0x80, v3, vm0, $0xb8;
	[tilespmem:$0x1C100] =	vst v63  }
0x108: {  	s11 =	rddreg [dreg:$0x1f]  }
0x109: {  	[hbm4b:s8+s2] =	stream.indirect_vreg.scatter [tilespmem:s11], [sflag:$0x2], $0x80, v3, vm0, $0xb8;
	[tilespmem:$0x1C100] =	vst v63  }
0x10a: {  	s12 =	simm.s32 $0x14C00  }
0x10b: {  	[hbm4b:s9+s2] =	stream.indirect_vreg.scatter [tilespmem:s12], [sflag:$0x2], $0x80, v3, vm1, $0xb8;
	[tilespmem:$0x1C100] =	vst v63  }
0x10c: {  	v3 =	vld [tilespmem:$0x1C0A0];
	_ =	sdelay $0x4  }
0x10d: {  	v62 =	vshrl.u32 v3, $0x3  }
0x10e: {  	v4 =	vmul.u32 $0x38, v62  }
0x10f: {  	v3 =	vand.u32 $0x7, v3  }
0x110: {  	v3 =	vor.u32 v3, v4  }
0x111: {  	v4 =	vperm.xlane v3, v0;
	_ =	sdelay $0x1  }
0x112: {  	v4 =	vadd.s32 v1, v4;
	_ =	sdelay $0x3  }
0x113: {  	s13 =	sld [smem:$0x7F4];
	s14 =	simm.s32 $0x15000  }
0x114: {  	[hbm4b:s3+s2] =	stream.indirect_vreg.scatter [tilespmem:s14], [sflag:$0x2], $0x80, v4, vm0, $0xb8;
	[tilespmem:$0x1C100] =	vst v63  }
0x115: {  	s15 =	sld [smem:$0x7F7];
	v3 =	vperm.xlane v3, v2  }
0x116: {  	[hbm4b:s7+s2] =	stream.indirect_vreg.scatter [tilespmem:s13], [sflag:$0x2], $0x80, v4, vm0, $0xb8;
	[tilespmem:$0x1C100] =	vst v63  }
0x117: {  	v3 =	vadd.s32 v1, v3  }
0x118: {  	[hbm4b:s8+s2] =	stream.indirect_vreg.scatter [tilespmem:s15], [sflag:$0x2], $0x80, v4, vm0, $0xb8;
	[tilespmem:$0x1C100] =	vst v63  }
0x119: {  	s16 =	simm.s32 $0x16800  }
0x11a: {  	[hbm4b:s9+s2] =	stream.indirect_vreg.scatter [tilespmem:s16], [sflag:$0x2], $0x80, v4, vm1, $0xb8;
	[tilespmem:$0x1C100] =	vst v63  }
0x11b: {  	s17 =	sld [smem:$0x7F8];
	s24 =	simm.s32 $0x16C00  }
0x11c: {  	[hbm4b:s3+s2] =	stream.indirect_vreg.scatter [tilespmem:s24], [sflag:$0x2], $0x80, v3, vm0, $0xb8;
	[tilespmem:$0x1C100] =	vst v63  }
0x11d: {  	s0 =	sld [smem:$0x7F9]  }
0x11e: {  	[hbm4b:s7+s2] =	stream.indirect_vreg.scatter [tilespmem:s17], [sflag:$0x2], $0x80, v3, vm0, $0xb8;
	[tilespmem:$0x1C100] =	vst v63  }
0x11f: {  	_ = 	snop  }
0x120: {  	[hbm4b:s8+s2] =	stream.indirect_vreg.scatter [tilespmem:s0], [sflag:$0x2], $0x80, v3, vm0, $0xb8;
	[tilespmem:$0x1C100] =	vst v63  }
0x121: {  	s4 =	simm.s32 $0x18400  }
0x122: {  	[hbm4b:s9+s2] =	stream.indirect_vreg.scatter [tilespmem:s4], [sflag:$0x2], $0x80, v3, vm1, $0xb8;
	[tilespmem:$0x1C100] =	vst v63  }
0x123: {  	v3 =	vld [tilespmem:$0x1C0B0];
	_ =	sdelay $0x4  }
0x124: {  	v63 =	vshrl.u32 v3, $0x3  }
0x125: {  	v4 =	vmul.u32 $0x38, v63  }
0x126: {  	v3 =	vand.u32 $0x7, v3  }
0x127: {  	v3 =	vor.u32 v3, v4  }
0x128: {  	v4 =	vperm.xlane v3, v0;
	_ =	sdelay $0x1  }
0x129: {  	v4 =	vadd.s32 v1, v4;
	_ =	sdelay $0x3  }
0x12a: {  	s11 =	sld [smem:$0x7FA];
	s12 =	simm.s32 $0x18800  }
0x12b: {  	[hbm4b:s3+s2] =	stream.indirect_vreg.scatter [tilespmem:s12], [sflag:$0x2], $0x80, v4, vm0, $0xb8;
	[tilespmem:$0x1C100] =	vst v63  }
0x12c: {  	s13 =	sld [smem:$0x7FB];
	v3 =	vperm.xlane v3, v2  }
0x12d: {  	[hbm4b:s7+s2] =	stream.indirect_vreg.scatter [tilespmem:s11], [sflag:$0x2], $0x80, v4, vm0, $0xb8;
	[tilespmem:$0x1C100] =	vst v63  }
0x12e: {  	v3 =	vadd.s32 v1, v3  }
0x12f: {  	[hbm4b:s8+s2] =	stream.indirect_vreg.scatter [tilespmem:s13], [sflag:$0x2], $0x80, v4, vm0, $0xb8;
	[tilespmem:$0x1C100] =	vst v63  }
0x130: {  	s14 =	simm.s32 $0x1A000  }
0x131: {  	[hbm4b:s9+s2] =	stream.indirect_vreg.scatter [tilespmem:s14], [sflag:$0x2], $0x80, v4, vm1, $0xb8;
	[tilespmem:$0x1C100] =	vst v63  }
0x132: {  	s15 =	sld [smem:$0x7FC];
	s16 =	simm.s32 $0x1A400  }
0x133: {  	[hbm4b:s3+s2] =	stream.indirect_vreg.scatter [tilespmem:s16], [sflag:$0x2], $0x80, v3, vm0, $0xb8;
	[tilespmem:$0x1C100] =	vst v63  }
0x134: {  	s17 =	sld [smem:$0x7FD]  }
0x135: {  	[hbm4b:s7+s2] =	stream.indirect_vreg.scatter [tilespmem:s15], [sflag:$0x2], $0x80, v3, vm0, $0xb8;
	[tilespmem:$0x1C100] =	vst v63  }
0x136: {  	_ = 	snop  }
0x137: {  	[hbm4b:s8+s2] =	stream.indirect_vreg.scatter [tilespmem:s17], [sflag:$0x2], $0x80, v3, vm0, $0xb8;
	[tilespmem:$0x1C100] =	vst v63  }
0x138: {  	s24 =	simm.s32 $0x1BC00  }
0x139: {  	[hbm4b:s9+s2] =	stream.indirect_vreg.scatter [tilespmem:s24], [sflag:$0x2], $0x80, v3, vm1, $0xb8;
	[tilespmem:$0x1C100] =	vst v63  }
0x13a: {  	p0 =	sne.s32 s10, $0x1;
	_ =	swait.ge [sflag:s21], $0xE000  }
.Ltmp0:
0x13b: {  	[sflag:s21] =	ssyncset.done $0x0;
	(pc) =	sbr.rel @p0 .LBB2_1-.Ltmp0, $4  }
0x13c: {  	[sflag:s21] =	ssyncadd.s32 $0xFFFF2000  }
0x13d: {  	_ =	swait.ge [sflag:s22], $0xE000  }
0x13e: {  	[sflag:s22] =	ssyncset.done $0x0  }
0x13f: {  	s10 =	sadd.s32 $0xFFFFFFFF, s10;
	[sflag:s22] =	ssyncadd.s32 $0xFFFF2000  }
0x140: {  	_ =	sfence.sel $0x180000  }
0x141: {  	[bflag:$0x0] =	sbarrier.arrive $0xFFFF  }
0x142: {  	_ =	strace $0x90000047  }
0x143: {  	s0 =	stileid.u32;
	[bflag:$0x2] =	sbarrier.arrive $0xFFFF  }
0x144: {  	p0 =	sne.s32 s0, $0x0;
	s0 =	rddreg [dreg:$0x3]  }
0x145: {  	s0 =	sadd.s32 @!p0 $0x100000, s0  }
0x146: {  	[sflag:s0] =	ssyncadd.tile.s32 @!p0 $0x1;
	_ =	shalt  }
.Lfunc_end2:
_tile_overlayer_lowered:
.L_overlay_start_2:
0x147: {  	(tag) =	ssettag $0x2  }
0x148: {  	s0 =	rddreg [dreg:$0x0];
	s2 =	stileid.u32  }
0x149: {  	s1 =	rddreg [dreg:$0x1];
	p0 =	sne.s32 s2, $0x0  }
0x14a: {  	s3 =	rddreg [dreg:$0x2];
	[bflag:$0x3] =	sbarrier.arrive $0xFFFF;
	s2 =	simm.s32 @!p0 $0x1C03  }
0x14b: {  	[timem:s3], [sflag:s2] =	dma.local @!p0 [hbm:s0], s1  }
0x14c: {  	s0 =	simm.s32 @!p0 $0x3  }
0x14d: {  	_ =	swait.ge @!p0 [sflag:s0], s1  }
0x14e: {  	s1 =	ssub.s32 @!p0 $0x0, s1;
	[sflag:s0] =	ssyncset.done @!p0 $0x0  }
0x14f: {  	[sflag:s0] =	ssyncadd.s32 @!p0 s1  }
0x150: {  	[bflag:$0x3] =	sbarrier.arrive $0xFFFF  }
0x151: {  	_ =	shalt  }

// kernel: kernel.9.cloned.1.call-start
scs
__scs_entry_jumppad:
0x0: {  	(pc) =	sbr.rel $0x88, $3  }
0x1: {  	(tag) =	ssettag $0x0;
	lr =	simm.s32 $0x1  }
0x2: {  	[smem:$0x3F9C] =	sst lr;
	_ =	strace $0xD0000000  }
0x3: {  	_ = 	snop  }
0x4: {  	_ = 	snop  }
0x5: {  	_ = 	snop  }
0x6: {  	_ = 	snop  }
0x7: {  	_ = 	snop  }
__scs_overlays_trampoline_lowered:
0x8: {  	[smem:$0x3FAB] =	sst s0  }
0x9: {  	[smem:$0x3FAC] =	sst s1  }
0xa: {  	[smem:$0x3FAD] =	sst s2  }
0xb: {  	[smem:$0x3FAE] =	sst s3  }
0xc: {  	[smem:$0x3FAF] =	sst s4  }
0xd: {  	[smem:$0x3FB0] =	sst s5  }
0xe: {  	[smem:$0x3FB1] =	sst s6  }
0xf: {  	[smem:$0x3FB2] =	sst s7  }
0x10: {  	[smem:$0x3FB3] =	sst s8  }
0x11: {  	[smem:$0x3FB4] =	sst s9;
	s0 =	simm.s32 @!p0 $0x0  }
0x12: {  	s1 =	sld [smem:$0x3F9A];
	s0 =	simm.s32 @p0 $0x1  }
0x13: {  	[smem:$0x3FB5] =	sst s0;
	s0 =	simm.s32 @!p1 $0x0  }
0x14: {  	s2 =	sld [smem:$0x3F99];
	s0 =	simm.s32 @p1 $0x1  }
0x15: {  	[smem:$0x3FB6] =	sst s0;
	s0 =	simm.s32 @!p2 $0x0  }
0x16: {  	s3 =	sld [smem:$0x3FDB];
	s0 =	simm.s32 @p2 $0x1  }
0x17: {  	s4 =	simm.s32 $0x1BF5;
	[smem:$0x3FB8] =	sst s0  }
0x18: {  	s0 =	sld [smem:$0x3F9B];
	_ =	swait.ge [sflag:s4], $0x0  }
0x19: {  	s7 =	sld [smem:$0x3F9C]  }
0x1a: {  	s8 =	sadd.s32 $0xFFFFE003, lr  }
0x1b: {  	s9 =	sadd.s32 $0xFFFFFEF7, lr;
	s5 =	simm.s32 $0xFFFFFFFF;
	p2 =	slt.u32 s8, $0xFFFFF086  }
0x1c: {  	p1 =	slt.u32 s9, $0xF7A;
	s5 =	simm.s32 @!p2 $0x0  }
0x1d: {  	s5 =	simm.s32 @p1 $0x1;
	p0 =	seq.s32 s7, s2  }
0x1e: {  	s7 =	smul.u32 @!p0 $0xF7A, s2;
	p2 =	seq.s32 @!p0 s5, $0x0  }
0x1f: {  	s9 =	smul.u32 $0xF7A, s1;
	s8 =	simm.s32 @!p0 $0x1BF5;
	p2 =	por !p2, p0  }
0x20: {  	[sflag:s8] =	ssyncset.s32 @!p0 $0xFFFFF086;
	s6 =	sadd.s32 @!p0 s3, s7;
	s7 =	simm.s32 @!p0 $0x108  }
0x21: {  	s3 =	sadd.s32 s3, s9;
	s6 =	sadd.s32 @!p0 $0x88, s6;
	s7 =	simm.s32 @p2 $0x1082  }
0x22: {  	[simem:s7], [sflag:s8] =	dma.local @!p0 [hbm:s6], $0xF7A  }
0x23: {  	s9 =	sor.u32 $0xD0000000, s2;
	s6 =	simm.s32 $0x108;
	_ =	swait.ge @!p0 [sflag:s8], $0x0  }
0x24: {  	s3 =	sadd.s32 $0x88, s3;
	s6 =	simm.s32 @!p1 $0x1082;
	[sflag:s4] =	ssyncset.s32 $0xFFFFF086  }
0x25: {  	[simem:s6], [sflag:s4] =	dma.local [hbm:s3], $0xF7A  }
0x26: {  	[smem:$0x3F9C] =	sst s1;
	(tag) =	ssettag s2;
	_ =	strace s9  }
0x27: {  	s1 =	sld [smem:$0x3FAC]  }
0x28: {  	s2 =	sld [smem:$0x3FAD]  }
0x29: {  	s4 =	sld [smem:$0x3FAF]  }
0x2a: {  	p0 =	seq.s32 s5, $0x0;
	s5 =	sld [smem:$0x3FB0]  }
0x2b: {  	s6 =	sld [smem:$0x3FB1]  }
0x2c: {  	s7 =	sld [smem:$0x3FB2]  }
0x2d: {  	s3 =	simm.s32 $0x108;
	s8 =	sld [smem:$0x3FB3]  }
0x2e: {  	s3 =	simm.s32 @!p0 $0x1082;
	s9 =	sld [smem:$0x3FB4]  }
0x2f: {  	lr =	sadd.s32 s0, s3;
	s0 =	sld [smem:$0x3FAB]  }
0x30: {  	s3 =	sld [smem:$0x3FAE]  }
0x31: {  	[smem:$0x3FB7] =	sst s10  }
0x32: {  	s10 =	sld [smem:$0x3FB5];
	_ =	sdelay $0x3  }
0x33: {  	p0 =	seq.s32 s10, $0x1;
	s10 =	sld [smem:$0x3FB7];
	_ =	sdelay $0x3  }
0x34: {  	[smem:$0x3FB7] =	sst s10  }
0x35: {  	s10 =	sld [smem:$0x3FB6];
	_ =	sdelay $0x3  }
0x36: {  	p1 =	seq.s32 s10, $0x1;
	s10 =	sld [smem:$0x3FB7];
	_ =	sdelay $0x3  }
0x37: {  	[smem:$0x3FB7] =	sst s10  }
0x38: {  	s10 =	sld [smem:$0x3FB8]  }
0x39: {  	_ = 	snop;
	(pc) =	sbr.ind lr, $3  }
0x3a: {  	_ = 	snop  }
0x3b: {  	_ = 	snop  }
0x3c: {  	p2 =	seq.s32 s10, $0x1;
	s10 =	sld [smem:$0x3FB7]  }
0x3d: {  	_ =	shalt  }
0x3e: {  	_ =	shalt  }
0x3f: {  	_ =	shalt  }
0x40: {  	_ =	shalt  }
0x41: {  	_ =	shalt  }
0x42: {  	_ =	shalt  }
0x43: {  	_ =	shalt  }
0x44: {  	_ =	shalt  }
0x45: {  	_ =	shalt  }
0x46: {  	_ =	shalt  }
0x47: {  	_ =	shalt  }
0x48: {  	_ =	shalt  }
0x49: {  	_ =	shalt  }
0x4a: {  	_ =	shalt  }
0x4b: {  	_ =	shalt  }
0x4c: {  	_ =	shalt  }
0x4d: {  	_ =	shalt  }
0x4e: {  	_ =	shalt  }
0x4f: {  	_ =	shalt  }
0x50: {  	_ =	shalt  }
0x51: {  	_ =	shalt  }
0x52: {  	_ =	shalt  }
0x53: {  	_ =	shalt  }
0x54: {  	_ =	shalt  }
0x55: {  	_ =	shalt  }
0x56: {  	_ =	shalt  }
0x57: {  	_ =	shalt  }
0x58: {  	_ =	shalt  }
0x59: {  	_ =	shalt  }
0x5a: {  	_ =	shalt  }
0x5b: {  	_ =	shalt  }
0x5c: {  	_ =	shalt  }
0x5d: {  	_ =	shalt  }
0x5e: {  	_ =	shalt  }
0x5f: {  	_ =	shalt  }
0x60: {  	_ =	shalt  }
0x61: {  	_ =	shalt  }
0x62: {  	_ =	shalt  }
0x63: {  	_ =	shalt  }
0x64: {  	_ =	shalt  }
0x65: {  	_ =	shalt  }
0x66: {  	_ =	shalt  }
0x67: {  	_ =	shalt  }
0x68: {  	_ =	shalt  }
0x69: {  	_ =	shalt  }
0x6a: {  	_ =	shalt  }
0x6b: {  	_ =	shalt  }
0x6c: {  	_ =	shalt  }
0x6d: {  	_ =	shalt  }
0x6e: {  	_ =	shalt  }
0x6f: {  	_ =	shalt  }
0x70: {  	_ =	shalt  }
0x71: {  	_ =	shalt  }
0x72: {  	_ =	shalt  }
0x73: {  	_ =	shalt  }
0x74: {  	_ =	shalt  }
0x75: {  	_ =	shalt  }
0x76: {  	_ =	shalt  }
0x77: {  	_ =	shalt  }
0x78: {  	_ =	shalt  }
0x79: {  	_ =	shalt  }
0x7a: {  	_ =	shalt  }
0x7b: {  	_ =	shalt  }
0x7c: {  	_ =	shalt  }
0x7d: {  	_ =	shalt  }
0x7e: {  	_ =	shalt  }
0x7f: {  	_ =	shalt  }
0x80: {  	_ =	shalt  }
0x81: {  	_ =	shalt  }
0x82: {  	_ =	shalt  }
0x83: {  	_ =	shalt  }
0x84: {  	_ =	shalt  }
0x85: {  	_ =	shalt  }
0x86: {  	_ =	shalt  }
0x87: {  	_ =	shalt  }
.Lfunc_end0:
.L_simem_size_0:
called_computation.1_lowered:
.L_overlay_start_0:
0x88: {  	s2 =	sld [smem:$0x3FD9]  }
0x89: {  	s3 =	sld [smem:$0x3FFE];
	_ =	sdelay $0x1  }
0x8a: {  	s1 =	srdreg.scid  }
0x8b: {  	s0 =	sand.u32 $0x1, s1  }
0x8c: {  	s14 =	sshll.u32 s0, $0xA;
	s2 =	sadd.s32 s3, s2  }
0x8d: {  	s2 =	sadd.s32 s2, s14  }
0x8e: {  	[smem:$0x3FC3] =	sst s2  }
0x8f: {  	_ = 	snop  }
0x90: {  	s2 =	sld [smem:$0x3FD0];
	_ =	sdelay $0x2  }
0x91: {  	s15 =	simm.s32 $0xA;
	s4 =	simm.s32 $0x10  }
0x92: {  	[smem:s4], [sflag:s15] =	dma.local [hbm:s2], $0x1  }
0x93: {  	_ =	swait.eq [sflag:s15], $0x1  }
0x94: {  	[sflag:s15] =	ssyncset.done $0x0  }
0x95: {  	[sflag:s15] =	ssyncadd.s32 $0xFFFFFFFF  }
0x96: {  	s16 =	sld [smem:$0x10];
	(tm) =	ssettm $0x1  }
0x97: {  	s17 =	sld [smem:$0x3FFB];
	_ =	sdelay $0x3  }
0x98: {  	_ =	strace s17  }
0x99: {  	s3 =	sld [smem:$0x3FFC];
	_ =	sdelay $0x3  }
0x9a: {  	_ =	strace s3  }
0x9b: {  	s3 =	sld [smem:$0x3FFD];
	_ =	sdelay $0x3  }
0x9c: {  	_ =	strace s3  }
0x9d: {  	_ =	strace $0x8FFFFFFF  }
0x9e: {  	s18 =	sld [smem:$0x3FDB];
	_ =	sdelay $0x1  }
0x9f: {  	s19 =	simm.s32 $_scs_section_size  }
0xa0: {  	s5 =	simm.s32 $_size__tile_overlayer_lowered;
	s6 =	simm.s32 $_tile_overlayer_lowered  }
0xa1: {  	s22 =	simm.s32 $0x1BFF;
	s21 =	sshll.u32 s6, $0x1;
	s3 =	sadd.s32 s19, s18  }
0xa2: {  	s7 =	simm.s32 $0x0;
	s20 =	sshll.u32 s5, $0x1;
	s5 =	sadd.s32 s21, s3  }
0xa3: {  	[timem:s7], [sflag:s22] =	dma.local [hbm:s5], s20  }
0xa4: {  	_ =	swait.ge [sflag:s22], s20  }
0xa5: {  	s4 =	ssub.s32 $0x0, s20;
	[sflag:s22] =	ssyncset.done $0x0  }
0xa6: {  	[sflag:s22] =	ssyncadd.s32 s4;
	_ =	sdelay $0x1  }
0xa7: {  	s23 =	simm.s32 $0x1B8B  }
0xa8: {  	_ =	swait.ge [sflag:s23], $0x1  }
0xa9: {  	[sflag:s23] =	ssyncset.done $0x0  }
0xaa: {  	s25 =	simm.s32 $0x1B8E;
	s24 =	sld [smem:$0x3FFE];
	[sflag:s23] =	ssyncadd.s32 $0xFFFFFFFF  }
0xab: {  	s26 =	simm.s32 $execute0_lowered;
	[smem:$0x3FD2] =	sst s25  }
0xac: {  	s5 =	sshll.u32 s26, $0x1;
	_ =	strace $0x80000049;
	[dreg:$0x1] =	wrdreg $0xFFFFFFFF  }
0xad: {  	s28 =	simm.s32 $_size_execute0_lowered;
	s3 =	sadd.s32 s3, s5;
	[dreg:$0x0] =	wrdreg $0x0  }
0xae: {  	s5 =	sshll.u32 s28, $0x1;
	[dreg:$0x2] =	wrdreg s3  }
0xaf: {  	[dreg:$0x3] =	wrdreg s5  }
0xb0: {  	[dreg:$0x4] =	wrdreg $0xC0  }
0xb1: {  	_ =	task [dreg:s7], $0x5FFFF  }
0xb2: {  	[dreg:$0x1] =	wrdreg $0xFFFFFFFF  }
0xb3: {  	[dreg:$0x0] =	wrdreg $0x60  }
0xb4: {  	[dreg:$0x2] =	wrdreg s24  }
0xb5: {  	[dreg:$0x3] =	wrdreg s16  }
0xb6: {  	[dreg:$0x4] =	wrdreg $0x9  }
0xb7: {  	_ =	task.clear_ibuf [dreg:s7], $0x5FFFF;
	_ =	strace $0x90000049  }
0xb8: {  	s29 =	simm.s32 $0x9;
	_ =	strace $0x8000004B  }
0xb9: {  	_ =	swait.ge [sflag:s29], $0x1  }
0xba: {  	[sflag:s29] =	ssyncadd.s32 $0xFFFFFFFF  }
0xbb: {  	_ =	strace $0x9000004B  }
0xbc: {  	_ =	sfence  }
0xbd: {  	s30 =	sld [smem:$0x0];
	_ =	sdelay $0x2  }
0xbe: {  	s31 =	sshll.u32 s1, $0xD;
	s1 =	sshrl.u32 s1, $0x2  }
0xbf: {  	s3 =	sand.u32 $0x4000, s31;
	s1 =	sadd.s32 s1, s30  }
0xc0: {  	s0 =	sor.u32 s3, s0;
	s1 =	sshll.u32 s1, $0x11  }
0xc1: {  	s0 =	sor.u32 s1, s0  }
0xc2: {  	s0 =	sadd.s32 $0x8F2B, s0  }
0xc3: {  	[sflag:s0] =	ssyncadd.remote.s32 $0x1  }
0xc4: {  	_ =	sfence.sel $0xFFFF  }
0xc5: {  	[dreg:$0x0] =	wrdreg $0xFFFFFFFF;
	(pc) =	sbr.abs _section_cstart, $3  }
0xc6: {  	[dreg:$0x1] =	wrdreg $0xFFFFFFFF  }
0xc7: {  	_ =	task.clear_ibuf [dreg:s7], $0x2FFFF;
	_ =	strace $0x9FFFFFFF  }
0xc8: {  	(tm) =	ssettm $0x7FFFFFFF  }
0xc9: {  	_ =	shalt  }
tec
execute0_lowered:
.L_overlay_start_1:
0x0: {  	(tag) =	ssettag $0x1  }
0x1: {  	s0 =	rddreg [dreg:$0x0]  }
0x2: {  	s1 =	rddreg [dreg:$0x1];
	s3 =	srdreg.scid;
	s2 =	simm.s32 $0x0  }
0x3: {  	s5 =	stileid.u32;
	s11 =	simm.s32 $0x3;
	s24 =	simm.s32 $0x11000  }
0x4: {  	s25 =	simm.s32 $0x11800;
	s28 =	simm.s32 $0x12800;
	s29 =	simm.s32 $0x13000  }
0x5: {  	s30 =	simm.s32 $0x13800;
	s31 =	simm.s32 $0x14000;
	s12 =	simm.s32 $0x16000  }
0x6: {  	s13 =	simm.s32 $0x16800;
	s14 =	simm.s32 $0x17000;
	s15 =	simm.s32 $0x17800  }
0x7: {  	s16 =	simm.s32 $0x1;
	s17 =	simm.s32 $0x2;
	s18 =	simm.s32 $0x0  }
0x8: {  	s4 =	sand.u32 $0x1, s3;
	[smem:$0x7FF] =	sst s2;
	s5 =	sshll.u32 s5, $0x7  }
0x9: {  	s3 =	sadd.s32 $0x81000, s0;
	s7 =	sadd.s32 $0x1200, s0;
	s6 =	sshll.u32 s4, $0x6  }
0xa: {  	_ =	strace $0x8000004A;
	s4 =	ssub.s32 $0x2, s4;
	s5 =	sor.u32 s6, s5  }
0xb: {  	s9 =	sshrl.u32 s4, $0x1;
	s8 =	sshll.u32 s5, $0x1;
	s5 =	sshrl.u32 s5, $0x3  }
0xc: {  	s9 =	ssub.s32 s4, s9;
	s10 =	sand.u32 $0xF00, s8;
	s8 =	sor.u32 s6, s8  }
0xd: {  	s26 =	smul.u32 $0x300, s5;
	s6 =	sor.u32 s6, s10;
	s8 =	sshrl.u32 s8, $0x3  }
0xe: {  	s9 =	smax.u32 s9, $0x1;
	s6 =	sshrl.u32 s6, $0x3;
	s8 =	sor.u32 $0x10, s8  }
0xf: {  	v2 =	vlaneseq.u32;
	s10 =	simm.s32 $0x15800;
	s4 =	sadd.s32 s7, s6;
	s5 =	sadd.s32 s7, s8  }
0x10: {  	vm0 =	vmmov $0xffff;
	v1 =	vshrl.u32 v2, $0x3;
	s6 =	sadd.s32 $0x81100, s0;
	s7 =	sadd.s32 $0x81200, s0;
	s8 =	sadd.s32 s1, s26  }
0x11: {  	v0 =	vand.u32 $0x7, v2;
	v2 =	vor.u32 $0x8, v2;
	v1 =	vmul.u32 $0x8, v1;
	s26 =	simm.s32 $0x12000;
	s0 =	simm.s32 $0x14800;
	s1 =	simm.s32 $0x15000  }
.LBB2_1:
0x12: {  	s19 =	simm.s32 $0x18000  }
0x13: {  	[tilespmem:s19], [sflag:$0x3] =	stream.linear.gather [hbm4b:s4+s2], $0x40, $0x38;
	[tilespmem:$0x18100] =	vst v63  }
0x14: {  	_ =	swait.ge [sflag:s11], $0x40  }
0x15: {  	[sflag:s11] =	ssyncset.done $0x0  }
0x16: {  	s21 =	simm.s32 $0x18080;
	[sflag:s11] =	ssyncadd.s32 $0xFFFFFFC0  }
0x17: {  	[tilespmem:s21], [sflag:$0x3] =	stream.linear.gather [hbm4b:s5+s2], $0x40, $0x38;
	[tilespmem:$0x18100] =	vst v63  }
0x18: {  	_ =	swait.ge [sflag:s11], $0x40  }
0x19: {  	[sflag:s11] =	ssyncset.done $0x0  }
0x1a: {  	[sflag:s11] =	ssyncadd.s32 $0xFFFFFFC0  }
0x1b: {  	v3 =	vld [tilespmem:$0x18000];
	_ =	sdelay $0x4  }
0x1c: {  	v4 =	vshrl.u32 v3, $0x3  }
0x1d: {  	v4 =	vmul.u32 $0x30, v4  }
0x1e: {  	v3 =	vand.u32 $0x7, v3  }
0x1f: {  	v3 =	vor.u32 v3, v4  }
0x20: {  	v4 =	vperm.xlane v3, v0;
	_ =	sdelay $0x1  }
0x21: {  	v4 =	vadd.s32 v1, v4;
	_ =	sdelay $0x3  }
0x22: {  	v3 =	vperm.xlane v3, v2  }
0x23: {  	[tilespmem:s2], [sflag:$0x1] =	stream.indirect_vreg.gather [hbm4b:s3+s2], $0x80, v4, vm0, $0xb8;
	[tilespmem:$0x18100] =	vst v63  }
0x24: {  	s22 =	simm.s32 $0x800;
	v3 =	vadd.s32 v1, v3  }
0x25: {  	[tilespmem:s22], [sflag:$0x1] =	stream.indirect_vreg.gather [hbm4b:s6+s2], $0x80, v4, vm0, $0xb8;
	[tilespmem:$0x18100] =	vst v63  }
0x26: {  	s23 =	simm.s32 $0x1000  }
0x27: {  	[tilespmem:s23], [sflag:$0x1] =	stream.indirect_vreg.gather [hbm4b:s7+s2], $0x80, v4, vm0, $0xb8;
	[tilespmem:$0x18100] =	vst v63  }
0x28: {  	s20 =	simm.s32 $0x1800  }
0x29: {  	[tilespmem:s20], [sflag:$0x1] =	stream.indirect_vreg.gather [hbm4b:s3+s2], $0x80, v3, vm0, $0xb8;
	[tilespmem:$0x18100] =	vst v63  }
0x2a: {  	s21 =	simm.s32 $0x2000  }
0x2b: {  	[tilespmem:s21], [sflag:$0x1] =	stream.indirect_vreg.gather [hbm4b:s6+s2], $0x80, v3, vm0, $0xb8;
	[tilespmem:$0x18100] =	vst v63  }
0x2c: {  	s22 =	simm.s32 $0x2800  }
0x2d: {  	[tilespmem:s22], [sflag:$0x1] =	stream.indirect_vreg.gather [hbm4b:s7+s2], $0x80, v3, vm0, $0xb8;
	[tilespmem:$0x18100] =	vst v63  }
0x2e: {  	v3 =	vld [tilespmem:$0x18010];
	_ =	sdelay $0x4  }
0x2f: {  	v4 =	vshrl.u32 v3, $0x3  }
0x30: {  	v4 =	vmul.u32 $0x30, v4  }
0x31: {  	v3 =	vand.u32 $0x7, v3  }
0x32: {  	v3 =	vor.u32 v3, v4  }
0x33: {  	v4 =	vperm.xlane v3, v0;
	_ =	sdelay $0x1  }
0x34: {  	v4 =	vadd.s32 v1, v4;
	_ =	sdelay $0x3  }
0x35: {  	s23 =	simm.s32 $0x3000;
	v3 =	vperm.xlane v3, v2  }
0x36: {  	[tilespmem:s23], [sflag:$0x1] =	stream.indirect_vreg.gather [hbm4b:s3+s2], $0x80, v4, vm0, $0xb8;
	[tilespmem:$0x18100] =	vst v63  }
0x37: {  	s20 =	simm.s32 $0x3800;
	v3 =	vadd.s32 v1, v3  }
0x38: {  	[tilespmem:s20], [sflag:$0x1] =	stream.indirect_vreg.gather [hbm4b:s6+s2], $0x80, v4, vm0, $0xb8;
	[tilespmem:$0x18100] =	vst v63  }
0x39: {  	s21 =	simm.s32 $0x4000  }
0x3a: {  	[tilespmem:s21], [sflag:$0x1] =	stream.indirect_vreg.gather [hbm4b:s7+s2], $0x80, v4, vm0, $0xb8;
	[tilespmem:$0x18100] =	vst v63  }
0x3b: {  	s22 =	simm.s32 $0x4800  }
0x3c: {  	[tilespmem:s22], [sflag:$0x1] =	stream.indirect_vreg.gather [hbm4b:s3+s2], $0x80, v3, vm0, $0xb8;
	[tilespmem:$0x18100] =	vst v63  }
0x3d: {  	s23 =	simm.s32 $0x5000  }
0x3e: {  	[tilespmem:s23], [sflag:$0x1] =	stream.indirect_vreg.gather [hbm4b:s6+s2], $0x80, v3, vm0, $0xb8;
	[tilespmem:$0x18100] =	vst v63  }
0x3f: {  	s20 =	simm.s32 $0x5800  }
0x40: {  	[tilespmem:s20], [sflag:$0x1] =	stream.indirect_vreg.gather [hbm4b:s7+s2], $0x80, v3, vm0, $0xb8;
	[tilespmem:$0x18100] =	vst v63  }
0x41: {  	v3 =	vld [tilespmem:$0x18020];
	_ =	sdelay $0x4  }
0x42: {  	v4 =	vshrl.u32 v3, $0x3  }
0x43: {  	v4 =	vmul.u32 $0x30, v4  }
0x44: {  	v3 =	vand.u32 $0x7, v3  }
0x45: {  	v3 =	vor.u32 v3, v4  }
0x46: {  	v4 =	vperm.xlane v3, v0;
	_ =	sdelay $0x1  }
0x47: {  	v4 =	vadd.s32 v1, v4;
	_ =	sdelay $0x3  }
0x48: {  	s21 =	simm.s32 $0x6000;
	v3 =	vperm.xlane v3, v2  }
0x49: {  	[tilespmem:s21], [sflag:$0x1] =	stream.indirect_vreg.gather [hbm4b:s3+s2], $0x80, v4, vm0, $0xb8;
	[tilespmem:$0x18100] =	vst v63  }
0x4a: {  	s22 =	simm.s32 $0x6800;
	v3 =	vadd.s32 v1, v3  }
0x4b: {  	[tilespmem:s22], [sflag:$0x1] =	stream.indirect_vreg.gather [hbm4b:s6+s2], $0x80, v4, vm0, $0xb8;
	[tilespmem:$0x18100] =	vst v63  }
0x4c: {  	s23 =	simm.s32 $0x7000  }
0x4d: {  	[tilespmem:s23], [sflag:$0x1] =	stream.indirect_vreg.gather [hbm4b:s7+s2], $0x80, v4, vm0, $0xb8;
	[tilespmem:$0x18100] =	vst v63  }
0x4e: {  	s20 =	simm.s32 $0x7800  }
0x4f: {  	[tilespmem:s20], [sflag:$0x1] =	stream.indirect_vreg.gather [hbm4b:s3+s2], $0x80, v3, vm0, $0xb8;
	[tilespmem:$0x18100] =	vst v63  }
0x50: {  	s21 =	simm.s32 $0x8000  }
0x51: {  	[tilespmem:s21], [sflag:$0x1] =	stream.indirect_vreg.gather [hbm4b:s6+s2], $0x80, v3, vm0, $0xb8;
	[tilespmem:$0x18100] =	vst v63  }
0x52: {  	s22 =	simm.s32 $0x8800  }
0x53: {  	[tilespmem:s22], [sflag:$0x1] =	stream.indirect_vreg.gather [hbm4b:s7+s2], $0x80, v3, vm0, $0xb8;
	[tilespmem:$0x18100] =	vst v63  }
0x54: {  	v3 =	vld [tilespmem:$0x18030];
	_ =	sdelay $0x4  }
0x55: {  	v4 =	vshrl.u32 v3, $0x3  }
0x56: {  	v4 =	vmul.u32 $0x30, v4  }
0x57: {  	v3 =	vand.u32 $0x7, v3  }
0x58: {  	v3 =	vor.u32 v3, v4  }
0x59: {  	v4 =	vperm.xlane v3, v0;
	_ =	sdelay $0x1  }
0x5a: {  	v4 =	vadd.s32 v1, v4;
	_ =	sdelay $0x3  }
0x5b: {  	s23 =	simm.s32 $0x9000;
	v3 =	vperm.xlane v3, v2  }
0x5c: {  	[tilespmem:s23], [sflag:$0x1] =	stream.indirect_vreg.gather [hbm4b:s3+s2], $0x80, v4, vm0, $0xb8;
	[tilespmem:$0x18100] =	vst v63  }
0x5d: {  	s20 =	simm.s32 $0x9800;
	v3 =	vadd.s32 v1, v3  }
0x5e: {  	[tilespmem:s20], [sflag:$0x1] =	stream.indirect_vreg.gather [hbm4b:s6+s2], $0x80, v4, vm0, $0xb8;
	[tilespmem:$0x18100] =	vst v63  }
0x5f: {  	s21 =	simm.s32 $0xA000  }
0x60: {  	[tilespmem:s21], [sflag:$0x1] =	stream.indirect_vreg.gather [hbm4b:s7+s2], $0x80, v4, vm0, $0xb8;
	[tilespmem:$0x18100] =	vst v63  }
0x61: {  	s22 =	simm.s32 $0xA800  }
0x62: {  	[tilespmem:s22], [sflag:$0x1] =	stream.indirect_vreg.gather [hbm4b:s3+s2], $0x80, v3, vm0, $0xb8;
	[tilespmem:$0x18100] =	vst v63  }
0x63: {  	s23 =	simm.s32 $0xB000  }
0x64: {  	[tilespmem:s23], [sflag:$0x1] =	stream.indirect_vreg.gather [hbm4b:s6+s2], $0x80, v3, vm0, $0xb8;
	[tilespmem:$0x18100] =	vst v63  }
0x65: {  	s20 =	simm.s32 $0xB800  }
0x66: {  	[tilespmem:s20], [sflag:$0x1] =	stream.indirect_vreg.gather [hbm4b:s7+s2], $0x80, v3, vm0, $0xb8;
	[tilespmem:$0x18100] =	vst v63  }
0x67: {  	v3 =	vld [tilespmem:$0x18080];
	_ =	sdelay $0x4  }
0x68: {  	v4 =	vshrl.u32 v3, $0x3  }
0x69: {  	v4 =	vmul.u32 $0x30, v4  }
0x6a: {  	v3 =	vand.u32 $0x7, v3  }
0x6b: {  	v3 =	vor.u32 v3, v4  }
0x6c: {  	v4 =	vperm.xlane v3, v0;
	_ =	sdelay $0x1  }
0x6d: {  	v4 =	vadd.s32 v1, v4;
	_ =	sdelay $0x3  }
0x6e: {  	s21 =	simm.s32 $0xC000;
	v3 =	vperm.xlane v3, v2  }
0x6f: {  	[tilespmem:s21], [sflag:$0x2] =	stream.indirect_vreg.gather [hbm4b:s3+s2], $0x80, v4, vm0, $0xb8;
	[tilespmem:$0x18100] =	vst v63  }
0x70: {  	s22 =	simm.s32 $0xC800;
	v3 =	vadd.s32 v1, v3  }
0x71: {  	[tilespmem:s22], [sflag:$0x2] =	stream.indirect_vreg.gather [hbm4b:s6+s2], $0x80, v4, vm0, $0xb8;
	[tilespmem:$0x18100] =	vst v63  }
0x72: {  	s23 =	simm.s32 $0xD000  }
0x73: {  	[tilespmem:s23], [sflag:$0x2] =	stream.indirect_vreg.gather [hbm4b:s7+s2], $0x80, v4, vm0, $0xb8;
	[tilespmem:$0x18100] =	vst v63  }
0x74: {  	s20 =	simm.s32 $0xD800  }
0x75: {  	[tilespmem:s20], [sflag:$0x2] =	stream.indirect_vreg.gather [hbm4b:s3+s2], $0x80, v3, vm0, $0xb8;
	[tilespmem:$0x18100] =	vst v63  }
0x76: {  	s21 =	simm.s32 $0xE000  }
0x77: {  	[tilespmem:s21], [sflag:$0x2] =	stream.indirect_vreg.gather [hbm4b:s6+s2], $0x80, v3, vm0, $0xb8;
	[tilespmem:$0x18100] =	vst v63  }
0x78: {  	s22 =	simm.s32 $0xE800  }
0x79: {  	[tilespmem:s22], [sflag:$0x2] =	stream.indirect_vreg.gather [hbm4b:s7+s2], $0x80, v3, vm0, $0xb8;
	[tilespmem:$0x18100] =	vst v63  }
0x7a: {  	v3 =	vld [tilespmem:$0x18090];
	_ =	sdelay $0x4  }
0x7b: {  	v4 =	vshrl.u32 v3, $0x3  }
0x7c: {  	v4 =	vmul.u32 $0x30, v4  }
0x7d: {  	v3 =	vand.u32 $0x7, v3  }
0x7e: {  	v3 =	vor.u32 v3, v4  }
0x7f: {  	v4 =	vperm.xlane v3, v0;
	_ =	sdelay $0x1  }
0x80: {  	v4 =	vadd.s32 v1, v4;
	_ =	sdelay $0x3  }
0x81: {  	s23 =	simm.s32 $0xF000;
	v3 =	vperm.xlane v3, v2  }
0x82: {  	[tilespmem:s23], [sflag:$0x2] =	stream.indirect_vreg.gather [hbm4b:s3+s2], $0x80, v4, vm0, $0xb8;
	[tilespmem:$0x18100] =	vst v63  }
0x83: {  	s20 =	simm.s32 $0xF800;
	v3 =	vadd.s32 v1, v3  }
0x84: {  	[tilespmem:s20], [sflag:$0x2] =	stream.indirect_vreg.gather [hbm4b:s6+s2], $0x80, v4, vm0, $0xb8;
	[tilespmem:$0x18100] =	vst v63  }
0x85: {  	s21 =	simm.s32 $0x10000  }
0x86: {  	[tilespmem:s21], [sflag:$0x2] =	stream.indirect_vreg.gather [hbm4b:s7+s2], $0x80, v4, vm0, $0xb8;
	[tilespmem:$0x18100] =	vst v63  }
0x87: {  	s22 =	simm.s32 $0x10800  }
0x88: {  	[tilespmem:s22], [sflag:$0x2] =	stream.indirect_vreg.gather [hbm4b:s3+s2], $0x80, v3, vm0, $0xb8;
	[tilespmem:$0x18100] =	vst v63  }
0x89: {  	_ = 	snop  }
0x8a: {  	[tilespmem:s24], [sflag:$0x2] =	stream.indirect_vreg.gather [hbm4b:s6+s2], $0x80, v3, vm0, $0xb8;
	[tilespmem:$0x18100] =	vst v63  }
0x8b: {  	_ = 	snop  }
0x8c: {  	[tilespmem:s25], [sflag:$0x2] =	stream.indirect_vreg.gather [hbm4b:s7+s2], $0x80, v3, vm0, $0xb8;
	[tilespmem:$0x18100] =	vst v63  }
0x8d: {  	v3 =	vld [tilespmem:$0x180A0];
	_ =	sdelay $0x4  }
0x8e: {  	v4 =	vshrl.u32 v3, $0x3  }
0x8f: {  	v4 =	vmul.u32 $0x30, v4  }
0x90: {  	v3 =	vand.u32 $0x7, v3  }
0x91: {  	v3 =	vor.u32 v3, v4  }
0x92: {  	v4 =	vperm.xlane v3, v0;
	_ =	sdelay $0x1  }
0x93: {  	v4 =	vadd.s32 v1, v4;
	_ =	sdelay $0x3  }
0x94: {  	v3 =	vperm.xlane v3, v2  }
0x95: {  	[tilespmem:s26], [sflag:$0x2] =	stream.indirect_vreg.gather [hbm4b:s3+s2], $0x80, v4, vm0, $0xb8;
	[tilespmem:$0x18100] =	vst v63  }
0x96: {  	v3 =	vadd.s32 v1, v3  }
0x97: {  	[tilespmem:s28], [sflag:$0x2] =	stream.indirect_vreg.gather [hbm4b:s6+s2], $0x80, v4, vm0, $0xb8;
	[tilespmem:$0x18100] =	vst v63  }
0x98: {  	_ = 	snop  }
0x99: {  	[tilespmem:s29], [sflag:$0x2] =	stream.indirect_vreg.gather [hbm4b:s7+s2], $0x80, v4, vm0, $0xb8;
	[tilespmem:$0x18100] =	vst v63  }
0x9a: {  	_ = 	snop  }
0x9b: {  	[tilespmem:s30], [sflag:$0x2] =	stream.indirect_vreg.gather [hbm4b:s3+s2], $0x80, v3, vm0, $0xb8;
	[tilespmem:$0x18100] =	vst v63  }
0x9c: {  	_ = 	snop  }
0x9d: {  	[tilespmem:s31], [sflag:$0x2] =	stream.indirect_vreg.gather [hbm4b:s6+s2], $0x80, v3, vm0, $0xb8;
	[tilespmem:$0x18100] =	vst v63  }
0x9e: {  	_ = 	snop  }
0x9f: {  	[tilespmem:s0], [sflag:$0x2] =	stream.indirect_vreg.gather [hbm4b:s7+s2], $0x80, v3, vm0, $0xb8;
	[tilespmem:$0x18100] =	vst v63  }
0xa0: {  	v3 =	vld [tilespmem:$0x180B0];
	_ =	sdelay $0x4  }
0xa1: {  	v4 =	vshrl.u32 v3, $0x3  }
0xa2: {  	v4 =	vmul.u32 $0x30, v4  }
0xa3: {  	v3 =	vand.u32 $0x7, v3  }
0xa4: {  	v3 =	vor.u32 v3, v4  }
0xa5: {  	v4 =	vperm.xlane v3, v0;
	_ =	sdelay $0x1  }
0xa6: {  	v4 =	vadd.s32 v1, v4;
	_ =	sdelay $0x3  }
0xa7: {  	v3 =	vperm.xlane v3, v2  }
0xa8: {  	[tilespmem:s1], [sflag:$0x2] =	stream.indirect_vreg.gather [hbm4b:s3+s2], $0x80, v4, vm0, $0xb8;
	[tilespmem:$0x18100] =	vst v63  }
0xa9: {  	v3 =	vadd.s32 v1, v3  }
0xaa: {  	[tilespmem:s10], [sflag:$0x2] =	stream.indirect_vreg.gather [hbm4b:s6+s2], $0x80, v4, vm0, $0xb8;
	[tilespmem:$0x18100] =	vst v63  }
0xab: {  	_ = 	snop  }
0xac: {  	[tilespmem:s12], [sflag:$0x2] =	stream.indirect_vreg.gather [hbm4b:s7+s2], $0x80, v4, vm0, $0xb8;
	[tilespmem:$0x18100] =	vst v63  }
0xad: {  	_ = 	snop  }
0xae: {  	[tilespmem:s13], [sflag:$0x2] =	stream.indirect_vreg.gather [hbm4b:s3+s2], $0x80, v3, vm0, $0xb8;
	[tilespmem:$0x18100] =	vst v63  }
0xaf: {  	_ = 	snop  }
0xb0: {  	[tilespmem:s14], [sflag:$0x2] =	stream.indirect_vreg.gather [hbm4b:s6+s2], $0x80, v3, vm0, $0xb8;
	[tilespmem:$0x18100] =	vst v63  }
0xb1: {  	_ = 	snop  }
0xb2: {  	[tilespmem:s15], [sflag:$0x2] =	stream.indirect_vreg.gather [hbm4b:s7+s2], $0x80, v3, vm0, $0xb8;
	[tilespmem:$0x18100] =	vst v63  }
0xb3: {  	_ =	swait.ge [sflag:s16], $0xC000  }
0xb4: {  	[sflag:s16] =	ssyncset.done $0x0  }
0xb5: {  	s23 =	simm.s32 $0x0;
	[sflag:s16] =	ssyncadd.s32 $0xFFFF4000  }
0xb6: {  	s19 =	smul.u32 $0x1800, s23;
	_ =	swait.ge [sflag:s17], $0xC000  }
0xb7: {  	s20 =	sand.u32 $0x380, s2;
	[sflag:s17] =	ssyncset.done $0x0  }
0xb8: {  	s19 =	sor.u32 s20, s19;
	[sflag:s17] =	ssyncadd.s32 $0xFFFF4000  }
0xb9: {  	v12 =	vld [tilespmem:s19+$0xC000]  }
0xba: {  	v13 =	vld [tilespmem:s19+$0xC010]  }
0xbb: {  	v14 =	vld [tilespmem:s19+$0xC020]  }
0xbc: {  	v15 =	vld [tilespmem:s19+$0xC030]  }
0xbd: {  	v16 =	vld [tilespmem:s19+$0xC040]  }
0xbe: {  	v17 =	vld [tilespmem:s19+$0xC050]  }
0xbf: {  	v18 =	vld [tilespmem:s19+$0xC060]  }
0xc0: {  	v19 =	vld [tilespmem:s19+$0xC070]  }
0xc1: {  	v20 =	vld [tilespmem:s19+$0xC400]  }
0xc2: {  	v21 =	vld [tilespmem:s19+$0xC410]  }
0xc3: {  	v22 =	vld [tilespmem:s19+$0xC420]  }
0xc4: {  	v23 =	vld [tilespmem:s19+$0xC430]  }
0xc5: {  	v24 =	vld [tilespmem:s19+$0xC440]  }
0xc6: {  	v25 =	vld [tilespmem:s19+$0xC450]  }
0xc7: {  	v26 =	vld [tilespmem:s19+$0xC460]  }
0xc8: {  	v27 =	vld [tilespmem:s19+$0xC470]  }
0xc9: {  	v28 =	vld [tilespmem:s19+$0xC800]  }
0xca: {  	v29 =	vld [tilespmem:s19+$0xC810]  }
0xcb: {  	v30 =	vld [tilespmem:s19+$0xC820]  }
0xcc: {  	v31 =	vld [tilespmem:s19+$0xC830]  }
0xcd: {  	v32 =	vld [tilespmem:s19+$0xC840]  }
0xce: {  	v33 =	vld [tilespmem:s19+$0xC850]  }
0xcf: {  	v34 =	vld [tilespmem:s19+$0xC860]  }
0xd0: {  	v35 =	vld [tilespmem:s19+$0xC870]  }
0xd1: {  	v36 =	vld [tilespmem:s19+$0xCC00]  }
0xd2: {  	v37 =	vld [tilespmem:s19+$0xCC10]  }
0xd3: {  	v38 =	vld [tilespmem:s19+$0xCC20]  }
0xd4: {  	v39 =	vld [tilespmem:s19+$0xCC30]  }
0xd5: {  	v40 =	vld [tilespmem:s19+$0xCC40]  }
0xd6: {  	v41 =	vld [tilespmem:s19+$0xCC50]  }
0xd7: {  	v42 =	vld [tilespmem:s19+$0xCC60]  }
0xd8: {  	v43 =	vld [tilespmem:s19+$0xCC70]  }
0xd9: {  	v44 =	vld [tilespmem:s19+$0xD000]  }
0xda: {  	v45 =	vld [tilespmem:s19+$0xD010]  }
0xdb: {  	v46 =	vld [tilespmem:s19+$0xD020]  }
0xdc: {  	v47 =	vld [tilespmem:s19+$0xD030]  }
0xdd: {  	v48 =	vld [tilespmem:s19+$0xD040]  }
0xde: {  	v49 =	vld [tilespmem:s19+$0xD050]  }
0xdf: {  	v50 =	vld [tilespmem:s19+$0xD060]  }
0xe0: {  	v11 =	vld [tilespmem:s19+$0xD070]  }
0xe1: {  	v10 =	vld [tilespmem:s19+$0xD400]  }
0xe2: {  	v9 =	vld [tilespmem:s19+$0xD410]  }
0xe3: {  	v8 =	vld [tilespmem:s19+$0xD420]  }
0xe4: {  	v7 =	vld [tilespmem:s19+$0xD430]  }
0xe5: {  	v6 =	vld [tilespmem:s19+$0xD440]  }
0xe6: {  	v51 =	vld [tilespmem:s19+$0x0]  }
0xe7: {  	v52 =	vld [tilespmem:s19+$0x10]  }
0xe8: {  	v53 =	vld [tilespmem:s19+$0x20]  }
0xe9: {  	v54 =	vld [tilespmem:s19+$0x30]  }
0xea: {  	v55 =	vld [tilespmem:s19+$0x40]  }
0xeb: {  	v62 =	vld [tilespmem:s19+$0x50];
	v12 =	vadd.f32 v12, v51  }
0xec: {  	v63 =	vld [tilespmem:s19+$0x60];
	v13 =	vadd.f32 v13, v52  }
0xed: {  	[tilespmem:s19+$0x0] =	vst v12;
	v12 =	vadd.f32 v14, v53;
	v14 =	vld [tilespmem:s19+$0x70]  }
0xee: {  	[tilespmem:s19+$0x10] =	vst v13;
	v13 =	vadd.f32 v15, v54;
	v15 =	vld [tilespmem:s19+$0x400]  }
0xef: {  	[tilespmem:s19+$0x20] =	vst v12;
	v12 =	vadd.f32 v16, v55;
	v16 =	vld [tilespmem:s19+$0x410]  }
0xf0: {  	[tilespmem:s19+$0x30] =	vst v13;
	v13 =	vadd.f32 v17, v62;
	v17 =	vld [tilespmem:s19+$0x420]  }
0xf1: {  	v5 =	vld [tilespmem:s19+$0xD450]  }
0xf2: {  	[tilespmem:s19+$0x40] =	vst v12;
	v12 =	vadd.f32 v18, v63;
	v18 =	vld [tilespmem:s19+$0x470]  }
0xf3: {  	[tilespmem:s19+$0x50] =	vst v13;
	v13 =	vadd.f32 v19, v14;
	v14 =	vld [tilespmem:s19+$0x430]  }
0xf4: {  	[tilespmem:s19+$0x60] =	vst v12;
	v12 =	vadd.f32 v20, v15;
	v15 =	vld [tilespmem:s19+$0x440]  }
0xf5: {  	[tilespmem:s19+$0x70] =	vst v13;
	v13 =	vadd.f32 v21, v16;
	v16 =	vadd.f32 v22, v17;
	v17 =	vld [tilespmem:s19+$0x460]  }
0xf6: {  	[tilespmem:s19+$0x400] =	vst v12;
	v12 =	vld [tilespmem:s19+$0x450]  }
0xf7: {  	[tilespmem:s19+$0x410] =	vst v13;
	v13 =	vld [tilespmem:s19+$0x800];
	v18 =	vadd.f32 v27, v18  }
0xf8: {  	[tilespmem:s19+$0x420] =	vst v16;
	v16 =	vld [tilespmem:s19+$0x810];
	v14 =	vadd.f32 v23, v14  }
0xf9: {  	v4 =	vld [tilespmem:s19+$0xD460];
	v15 =	vadd.f32 v24, v15;
	[tilespmem:s19+$0x470] =	vst v18  }
0xfa: {  	[tilespmem:s19+$0x430] =	vst v14;
	v14 =	vld [tilespmem:s19+$0x820];
	v17 =	vadd.f32 v26, v17  }
0xfb: {  	v12 =	vadd.f32 v25, v12;
	[tilespmem:s19+$0x440] =	vst v15;
	v15 =	vld [tilespmem:s19+$0x830]  }
0xfc: {  	v18 =	vld [tilespmem:s19+$0x870];
	[tilespmem:s19+$0x460] =	vst v17;
	v13 =	vadd.f32 v28, v13  }
0xfd: {  	v16 =	vadd.f32 v29, v16;
	[tilespmem:s19+$0x450] =	vst v12;
	v12 =	vld [tilespmem:s19+$0x840]  }
0xfe: {  	v17 =	vld [tilespmem:s19+$0x850];
	[tilespmem:s19+$0x800] =	vst v13  }
0xff: {  	[tilespmem:s19+$0x810] =	vst v16;
	v16 =	vld [tilespmem:s19+$0x860];
	v13 =	vadd.f32 v30, v14  }
0x100: {  	v14 =	vld [tilespmem:s19+$0xC00];
	v15 =	vadd.f32 v31, v15  }
0x101: {  	[tilespmem:s19+$0x820] =	vst v13;
	v13 =	vld [tilespmem:s19+$0xC10]  }
0x102: {  	v12 =	vadd.f32 v32, v12;
	[tilespmem:s19+$0x830] =	vst v15;
	v15 =	vld [tilespmem:s19+$0xC20]  }
0x103: {  	v3 =	vld [tilespmem:s19+$0xD470];
	v17 =	vadd.f32 v33, v17  }
0x104: {  	v16 =	vadd.f32 v34, v16;
	[tilespmem:s19+$0x840] =	vst v12;
	v12 =	vld [tilespmem:s19+$0xC30]  }
0x105: {  	[tilespmem:s19+$0x850] =	vst v17;
	v17 =	vld [tilespmem:s19+$0xC40];
	v14 =	vadd.f32 v36, v14  }
0x106: {  	v18 =	vadd.f32 v35, v18;
	[tilespmem:s19+$0x860] =	vst v16;
	v16 =	vld [tilespmem:s19+$0xC50]  }
0x107: {  	v13 =	vadd.f32 v37, v13;
	[tilespmem:s19+$0xC00] =	vst v14;
	v14 =	vadd.f32 v38, v15;
	v15 =	vld [tilespmem:s19+$0xC60]  }
0x108: {  	[tilespmem:s19+$0x870] =	vst v18;
	v18 =	vld [tilespmem:s19+$0xC70]  }
0x109: {  	[tilespmem:s19+$0xC10] =	vst v13;
	v13 =	vld [tilespmem:s19+$0x1000];
	v12 =	vadd.f32 v39, v12  }
0x10a: {  	v17 =	vadd.f32 v40, v17;
	[tilespmem:s19+$0xC20] =	vst v14;
	v14 =	vld [tilespmem:s19+$0x1010]  }
0x10b: {  	v16 =	vadd.f32 v41, v16;
	[tilespmem:s19+$0xC30] =	vst v12;
	v12 =	vld [tilespmem:s19+$0x1020]  }
0x10c: {  	[tilespmem:s19+$0xC40] =	vst v17;
	v17 =	vld [tilespmem:s19+$0x1030];
	v15 =	vadd.f32 v42, v15  }
0x10d: {  	v19 =	vld [tilespmem:s19+$0x1040];
	[tilespmem:s19+$0xC50] =	vst v16;
	v16 =	vadd.f32 v43, v18  }
0x10e: {  	v18 =	vld [tilespmem:s19+$0x1050];
	v13 =	vadd.f32 v44, v13;
	[tilespmem:s19+$0xC60] =	vst v15  }
0x10f: {  	v20 =	vld [tilespmem:s19+$0x1060];
	[tilespmem:s19+$0xC70] =	vst v16;
	v14 =	vadd.f32 v45, v14  }
0x110: {  	v16 =	vld [tilespmem:s19+$0x1070];
	[tilespmem:s19+$0x1000] =	vst v13;
	v12 =	vadd.f32 v46, v12  }
0x111: {  	v15 =	vld [tilespmem:s19+$0x1400];
	v13 =	vadd.f32 v47, v17;
	[tilespmem:s19+$0x1010] =	vst v14  }
0x112: {  	v14 =	vld [tilespmem:s19+$0x1410];
	[tilespmem:s19+$0x1020] =	vst v12;
	v12 =	vadd.f32 v48, v19  }
0x113: {  	[tilespmem:s19+$0x1030] =	vst v13;
	v13 =	vld [tilespmem:s19+$0x1420];
	v18 =	vadd.f32 v49, v18  }
0x114: {  	s20 =	simm.s32 $0x1;
	s21 =	simm.s32 $0x0;
	v17 =	vadd.f32 v50, v20;
	[tilespmem:s19+$0x1040] =	vst v12;
	v12 =	vld [tilespmem:s19+$0x1430]  }
.LBB2_2:
0x115: {  	s22 =	sshrl.u32 s20, $0x3;
	p0 =	sne.s32 s20, $0x3F;
	[tilespmem:s19+$0x1050] =	vst v18;
	v11 =	vadd.f32 v11, v16;
	v16 =	vld [tilespmem:s19+$0x1440]  }
0x116: {  	s21 =	sadd.s32 $0x80, s21;
	s22 =	smul.u32 $0x1800, s22;
	[tilespmem:s19+$0x1060] =	vst v17;
	v10 =	vadd.f32 v10, v15;
	v15 =	vld [tilespmem:s19+$0x1450]  }
0x117: {  	s23 =	sand.u32 $0x380, s21;
	[tilespmem:s19+$0x1070] =	vst v11;
	v9 =	vadd.f32 v9, v14;
	v11 =	vld [tilespmem:s19+$0x1460]  }
0x118: {  	s22 =	sor.u32 s23, s22;
	[tilespmem:s19+$0x1400] =	vst v10;
	v8 =	vadd.f32 v8, v13;
	v10 =	vld [tilespmem:s19+$0x1470]  }
0x119: {  	v39 =	vld [tilespmem:s22+$0xC000];
	[tilespmem:s19+$0x1410] =	vst v9;
	v7 =	vadd.f32 v7, v12  }
0x11a: {  	v40 =	vld [tilespmem:s22+$0xC010];
	[tilespmem:s19+$0x1420] =	vst v8;
	v6 =	vadd.f32 v6, v16  }
0x11b: {  	v41 =	vld [tilespmem:s22+$0xC020];
	[tilespmem:s19+$0x1430] =	vst v7;
	v5 =	vadd.f32 v5, v15  }
0x11c: {  	v42 =	vld [tilespmem:s22+$0xC030];
	[tilespmem:s19+$0x1440] =	vst v6;
	v4 =	vadd.f32 v4, v11  }
0x11d: {  	v43 =	vld [tilespmem:s22+$0xC040];
	[tilespmem:s19+$0x1450] =	vst v5;
	v3 =	vadd.f32 v3, v10  }
0x11e: {  	v44 =	vld [tilespmem:s22+$0xC050];
	[tilespmem:s19+$0x1460] =	vst v4  }
0x11f: {  	v45 =	vld [tilespmem:s22+$0xC060];
	[tilespmem:s19+$0x1470] =	vst v3;
	s19 =	smov.u32 s22  }
0x120: {  	v46 =	vld [tilespmem:s19+$0xC070]  }
0x121: {  	v47 =	vld [tilespmem:s19+$0xC400]  }
0x122: {  	v48 =	vld [tilespmem:s19+$0xC410]  }
0x123: {  	v49 =	vld [tilespmem:s19+$0xC420]  }
0x124: {  	v50 =	vld [tilespmem:s19+$0xC430]  }
0x125: {  	v38 =	vld [tilespmem:s19+$0xC440]  }
0x126: {  	v37 =	vld [tilespmem:s19+$0xC450]  }
0x127: {  	v36 =	vld [tilespmem:s19+$0xC460]  }
0x128: {  	v35 =	vld [tilespmem:s19+$0xC470]  }
0x129: {  	v34 =	vld [tilespmem:s19+$0xC800]  }
0x12a: {  	v33 =	vld [tilespmem:s19+$0xC810]  }
0x12b: {  	v32 =	vld [tilespmem:s19+$0xC820]  }
0x12c: {  	v31 =	vld [tilespmem:s19+$0xC830]  }
0x12d: {  	v30 =	vld [tilespmem:s19+$0xC840]  }
0x12e: {  	v29 =	vld [tilespmem:s19+$0xC850]  }
0x12f: {  	v28 =	vld [tilespmem:s19+$0xC860]  }
0x130: {  	v27 =	vld [tilespmem:s19+$0xC870]  }
0x131: {  	v26 =	vld [tilespmem:s19+$0xCC00]  }
0x132: {  	v25 =	vld [tilespmem:s19+$0xCC10]  }
0x133: {  	v24 =	vld [tilespmem:s19+$0xCC20]  }
0x134: {  	v23 =	vld [tilespmem:s19+$0xCC30]  }
0x135: {  	v22 =	vld [tilespmem:s19+$0xCC40]  }
0x136: {  	v21 =	vld [tilespmem:s19+$0xCC50]  }
0x137: {  	v20 =	vld [tilespmem:s19+$0xCC60]  }
0x138: {  	v19 =	vld [tilespmem:s19+$0xCC70]  }
0x139: {  	v18 =	vld [tilespmem:s19+$0xD000]  }
0x13a: {  	v17 =	vld [tilespmem:s19+$0xD010]  }
0x13b: {  	v16 =	vld [tilespmem:s19+$0xD020]  }
0x13c: {  	v15 =	vld [tilespmem:s19+$0xD030]  }
0x13d: {  	v14 =	vld [tilespmem:s19+$0xD040]  }
0x13e: {  	v13 =	vld [tilespmem:s19+$0xD050]  }
0x13f: {  	v12 =	vld [tilespmem:s19+$0xD060]  }
0x140: {  	v11 =	vld [tilespmem:s19+$0xD070]  }
0x141: {  	v10 =	vld [tilespmem:s19+$0xD400]  }
0x142: {  	v9 =	vld [tilespmem:s19+$0xD410]  }
0x143: {  	v8 =	vld [tilespmem:s19+$0xD420]  }
0x144: {  	v7 =	vld [tilespmem:s19+$0xD430]  }
0x145: {  	v6 =	vld [tilespmem:s19+$0xD440]  }
0x146: {  	v5 =	vld [tilespmem:s19+$0xD450]  }
0x147: {  	v4 =	vld [tilespmem:s19+$0xD460]  }
0x148: {  	v3 =	vld [tilespmem:s19+$0xD470]  }
0x149: {  	v51 =	vld [tilespmem:s19+$0x0]  }
0x14a: {  	v52 =	vld [tilespmem:s19+$0x10]  }
0x14b: {  	v53 =	vld [tilespmem:s19+$0x20]  }
0x14c: {  	v54 =	vld [tilespmem:s19+$0x30]  }
0x14d: {  	v55 =	vld [tilespmem:s19+$0x40]  }
0x14e: {  	v39 =	vadd.f32 v39, v51;
	v51 =	vld [tilespmem:s19+$0x50]  }
0x14f: {  	v40 =	vadd.f32 v40, v52;
	v52 =	vld [tilespmem:s19+$0x60]  }
0x150: {  	[tilespmem:s19+$0x0] =	vst v39;
	v39 =	vadd.f32 v41, v53;
	v41 =	vld [tilespmem:s19+$0x70]  }
0x151: {  	[tilespmem:s19+$0x10] =	vst v40;
	v40 =	vadd.f32 v42, v54;
	v42 =	vld [tilespmem:s19+$0x400]  }
0x152: {  	[tilespmem:s19+$0x20] =	vst v39;
	v39 =	vadd.f32 v43, v55;
	v43 =	vld [tilespmem:s19+$0x410]  }
0x153: {  	[tilespmem:s19+$0x30] =	vst v40;
	v40 =	vadd.f32 v44, v51;
	v44 =	vld [tilespmem:s19+$0x420]  }
0x154: {  	[tilespmem:s19+$0x40] =	vst v39;
	v39 =	vadd.f32 v45, v52;
	v45 =	vld [tilespmem:s19+$0x430]  }
0x155: {  	[tilespmem:s19+$0x50] =	vst v40;
	v40 =	vadd.f32 v46, v41;
	v41 =	vld [tilespmem:s19+$0x440]  }
0x156: {  	[tilespmem:s19+$0x60] =	vst v39;
	v39 =	vadd.f32 v47, v42;
	v42 =	vld [tilespmem:s19+$0x450]  }
0x157: {  	[tilespmem:s19+$0x70] =	vst v40;
	v40 =	vadd.f32 v48, v43;
	v43 =	vld [tilespmem:s19+$0x460]  }
0x158: {  	[tilespmem:s19+$0x400] =	vst v39;
	v39 =	vadd.f32 v49, v44;
	v44 =	vld [tilespmem:s19+$0x470]  }
0x159: {  	[tilespmem:s19+$0x410] =	vst v40;
	v40 =	vadd.f32 v50, v45;
	v45 =	vld [tilespmem:s19+$0x800]  }
0x15a: {  	[tilespmem:s19+$0x420] =	vst v39;
	v38 =	vadd.f32 v38, v41;
	v39 =	vld [tilespmem:s19+$0x810]  }
0x15b: {  	[tilespmem:s19+$0x430] =	vst v40;
	v37 =	vadd.f32 v37, v42;
	v40 =	vld [tilespmem:s19+$0x820]  }
0x15c: {  	[tilespmem:s19+$0x440] =	vst v38;
	v36 =	vadd.f32 v36, v43;
	v38 =	vld [tilespmem:s19+$0x830]  }
0x15d: {  	[tilespmem:s19+$0x450] =	vst v37;
	v35 =	vadd.f32 v35, v44;
	v37 =	vld [tilespmem:s19+$0x840]  }
0x15e: {  	[tilespmem:s19+$0x460] =	vst v36;
	v34 =	vadd.f32 v34, v45;
	v36 =	vld [tilespmem:s19+$0x850]  }
0x15f: {  	[tilespmem:s19+$0x470] =	vst v35;
	v33 =	vadd.f32 v33, v39;
	v35 =	vld [tilespmem:s19+$0x860]  }
0x160: {  	[tilespmem:s19+$0x800] =	vst v34;
	v32 =	vadd.f32 v32, v40;
	v34 =	vld [tilespmem:s19+$0x870]  }
0x161: {  	[tilespmem:s19+$0x810] =	vst v33;
	v31 =	vadd.f32 v31, v38;
	v33 =	vld [tilespmem:s19+$0xC00]  }
0x162: {  	[tilespmem:s19+$0x820] =	vst v32;
	v30 =	vadd.f32 v30, v37;
	v32 =	vld [tilespmem:s19+$0xC10]  }
0x163: {  	[tilespmem:s19+$0x830] =	vst v31;
	v29 =	vadd.f32 v29, v36;
	v31 =	vld [tilespmem:s19+$0xC20]  }
0x164: {  	[tilespmem:s19+$0x840] =	vst v30;
	v28 =	vadd.f32 v28, v35;
	v30 =	vld [tilespmem:s19+$0xC30]  }
0x165: {  	[tilespmem:s19+$0x850] =	vst v29;
	v27 =	vadd.f32 v27, v34;
	v29 =	vld [tilespmem:s19+$0xC40]  }
0x166: {  	[tilespmem:s19+$0x860] =	vst v28;
	v26 =	vadd.f32 v26, v33;
	v28 =	vld [tilespmem:s19+$0xC50]  }
0x167: {  	[tilespmem:s19+$0x870] =	vst v27;
	v25 =	vadd.f32 v25, v32;
	v27 =	vld [tilespmem:s19+$0xC60]  }
0x168: {  	[tilespmem:s19+$0xC00] =	vst v26;
	v24 =	vadd.f32 v24, v31;
	v26 =	vld [tilespmem:s19+$0xC70]  }
0x169: {  	[tilespmem:s19+$0xC10] =	vst v25;
	v23 =	vadd.f32 v23, v30;
	v25 =	vld [tilespmem:s19+$0x1000]  }
0x16a: {  	[tilespmem:s19+$0xC20] =	vst v24;
	v22 =	vadd.f32 v22, v29;
	v24 =	vld [tilespmem:s19+$0x1010]  }
0x16b: {  	[tilespmem:s19+$0xC30] =	vst v23;
	v21 =	vadd.f32 v21, v28;
	v23 =	vld [tilespmem:s19+$0x1020]  }
0x16c: {  	[tilespmem:s19+$0xC40] =	vst v22;
	v20 =	vadd.f32 v20, v27;
	v22 =	vld [tilespmem:s19+$0x1030]  }
0x16d: {  	[tilespmem:s19+$0xC50] =	vst v21;
	v19 =	vadd.f32 v19, v26;
	v21 =	vld [tilespmem:s19+$0x1040]  }
0x16e: {  	[tilespmem:s19+$0xC60] =	vst v20;
	v18 =	vadd.f32 v18, v25;
	v20 =	vld [tilespmem:s19+$0x1050]  }
0x16f: {  	[tilespmem:s19+$0xC70] =	vst v19;
	v17 =	vadd.f32 v17, v24;
	v19 =	vld [tilespmem:s19+$0x1060]  }
.Ltmp0:
0x170: {  	[tilespmem:s19+$0x1000] =	vst v18;
	v18 =	vadd.f32 v16, v23;
	v16 =	vld [tilespmem:s19+$0x1070];
	(pc) =	sbr.rel @p0 .LBB2_2-.Ltmp0, $4  }
0x171: {  	[tilespmem:s19+$0x1010] =	vst v17;
	v17 =	vadd.f32 v15, v22;
	v15 =	vld [tilespmem:s19+$0x1400]  }
0x172: {  	[tilespmem:s19+$0x1020] =	vst v18;
	v21 =	vadd.f32 v14, v21;
	v14 =	vld [tilespmem:s19+$0x1410]  }
0x173: {  	[tilespmem:s19+$0x1030] =	vst v17;
	v18 =	vadd.f32 v13, v20;
	v13 =	vld [tilespmem:s19+$0x1420]  }
0x174: {  	s20 =	sadd.s32 $0x1, s20;
	[tilespmem:s19+$0x1040] =	vst v21;
	v17 =	vadd.f32 v12, v19;
	v12 =	vld [tilespmem:s19+$0x1430]  }
0x175: {  	[tilespmem:s19+$0x1050] =	vst v18;
	v60 =	vld [tilespmem:s19+$0x1440];
	v11 =	vadd.f32 v11, v16  }
0x176: {  	v61 =	vld [tilespmem:s19+$0x1450];
	[tilespmem:s19+$0x1060] =	vst v17;
	v10 =	vadd.f32 v10, v15  }
0x177: {  	v62 =	vld [tilespmem:s19+$0x1460];
	[tilespmem:s19+$0x1070] =	vst v11;
	v9 =	vadd.f32 v9, v14  }
0x178: {  	v63 =	vld [tilespmem:s19+$0x1470];
	[tilespmem:s19+$0x1400] =	vst v10;
	v8 =	vadd.f32 v8, v13  }
0x179: {  	[tilespmem:s19+$0x1410] =	vst v9;
	v7 =	vadd.f32 v7, v12  }
0x17a: {  	[tilespmem:s19+$0x1420] =	vst v8;
	v6 =	vadd.f32 v6, v60  }
0x17b: {  	v5 =	vadd.f32 v5, v61;
	[tilespmem:s19+$0x1430] =	vst v7  }
0x17c: {  	v4 =	vadd.f32 v4, v62;
	[tilespmem:s19+$0x1440] =	vst v6  }
0x17d: {  	s18 =	sadd.s32 $0x1, s18;
	v3 =	vadd.f32 v3, v63;
	[tilespmem:s19+$0x1450] =	vst v5  }
0x17e: {  	p0 =	sne.s32 s18, s9;
	[tilespmem:s19+$0x1460] =	vst v4  }
.Ltmp1:
0x17f: {  	[tilespmem:s19+$0x1470] =	vst v3;
	(pc) =	sbr.rel @p0 .LBB2_1-.Ltmp1, $4  }
0x180: {  	[hbm4b:s8+s2] =	stream.linear.scatter [tilespmem:s2], [sflag:$0x3], $0xC000, $0x38;
	[tilespmem:$0x18100] =	vst v63  }
0x181: {  	_ =	swait.ge [sflag:s11], $0xC000  }
0x182: {  	[sflag:s11] =	ssyncset.done $0x0  }
0x183: {  	[sflag:s11] =	ssyncadd.s32 $0xFFFF4000  }
0x184: {  	_ =	sfence.sel $0x180000  }
0x185: {  	[bflag:$0x0] =	sbarrier.arrive $0xFFFF  }
0x186: {  	_ =	strace $0x9000004A  }
0x187: {  	s0 =	stileid.u32;
	[bflag:$0x2] =	sbarrier.arrive $0xFFFF  }
0x188: {  	p0 =	sne.s32 s0, $0x0;
	s0 =	rddreg [dreg:$0x2]  }
0x189: {  	s0 =	sadd.s32 @!p0 $0x100000, s0  }
0x18a: {  	[sflag:s0] =	ssyncadd.tile.s32 @!p0 $0x1;
	_ =	shalt  }
.Lfunc_end2:
_tile_overlayer_lowered:
.L_overlay_start_2:
0x18b: {  	(tag) =	ssettag $0x2  }
0x18c: {  	s0 =	rddreg [dreg:$0x0];
	s2 =	stileid.u32  }
0x18d: {  	s1 =	rddreg [dreg:$0x1];
	p0 =	sne.s32 s2, $0x0  }
0x18e: {  	s3 =	rddreg [dreg:$0x2];
	[bflag:$0x3] =	sbarrier.arrive $0xFFFF;
	s2 =	simm.s32 @!p0 $0x1C03  }
0x18f: {  	[timem:s3], [sflag:s2] =	dma.local @!p0 [hbm:s0], s1  }
0x190: {  	s0 =	simm.s32 @!p0 $0x3  }
0x191: {  	_ =	swait.ge @!p0 [sflag:s0], s1  }
0x192: {  	s1 =	ssub.s32 @!p0 $0x0, s1;
	[sflag:s0] =	ssyncset.done @!p0 $0x0  }
0x193: {  	[sflag:s0] =	ssyncadd.s32 @!p0 s1  }
0x194: {  	[bflag:$0x3] =	sbarrier.arrive $0xFFFF  }
0x195: {  	_ =	shalt  }

</sc_bundles>
